<compile_context>
chip_gen: v7x
topology: tpu7x:2x2x1
jax: 0.10.2.dev20260603
libtpu: 0.0.44.dev20260713+nightly
codegen_flags: <defaults>
</compile_context>

<pallas_src>
import jax
import jax.numpy as jnp
from jax import lax
from jax.experimental import pallas as pl
from jax.experimental.pallas import tpu as pltpu
from jax.experimental.pallas import tpu_sc as plsc

N = 50000
E = 800000
D_IN = 9
H = 64
G = 512

NC = 2
NS = 16
C = 128
SUPER = 48

NB = 2000
NBLK = N // NB

NP = 50048

E_PAD2 = 811008
NR2 = E_PAD2 // C
NSUP2 = NR2 // SUPER

NSUP1R = 44
E_PAD1 = 3 * NSUP1R * SUPER * C
NR1 = E_PAD1 // C


def _conv_fm(tableT, sdR, attrR, w16, b16, zrow, conv1):
    mesh = plsc.VectorSubcoreMesh(core_axis_name="c", subcore_axis_name="s")
    out_rows = 32 if conv1 else H
    npass = 1 if conv1 else 2

    def body(tab_h, sd_h, attr_h, w_h, b_h, z_h, out_h,
             sdv, av, trow_v, acc_v, w_v, b_v, tsem, zsem, i0, i1):
        isems = [i0, i1]
        c = lax.axis_index("c")
        s = lax.axis_index("s")
        wid = c * NS + s
        if conv1:
            third = wid // 9
            active = third < 3
            start_sup = third * NSUP1R
            npairs = jnp.where(active, NSUP1R // 2, 0)
            nsup_t = NSUP1R
        else:
            active = wid >= 0
            start_sup = 0
            npairs = NSUP2 // 2
            nsup_t = NSUP2

        def stage(t, par):
            rb = (start_sup + t) * SUPER
            pb = par * SUPER
            pltpu.async_copy(sd_h.at[pl.ds(rb, SUPER)],
                             sdv.at[pl.ds(pb, SUPER)], isems[par])
            pltpu.async_copy(attr_h.at[pl.ds(rb, SUPER)],
                             av.at[pl.ds(pb, SUPER)], isems[par])

        def wait_stage(par):
            pb = par * SUPER
            pltpu.make_async_copy(sd_h.at[pl.ds(0, SUPER)],
                                  sdv.at[pl.ds(pb, SUPER)], isems[par]).wait()
            pltpu.make_async_copy(attr_h.at[pl.ds(0, SUPER)],
                                  av.at[pl.ds(pb, SUPER)], isems[par]).wait()

        for p in range(npass):
            if conv1:
                fid = wid % 9
                out_row = wid
            else:
                fid = p * 32 + wid
                out_row = fid
            pltpu.sync_copy(w_h.at[fid], w_v)
            pltpu.sync_copy(b_h.at[fid], b_v)
            wv = w_v[...]
            bv = b_v[...]
            tcopy = pltpu.async_copy(tab_h.at[fid], trow_v, tsem)
            zcopy = pltpu.async_copy(z_h, acc_v, zsem)

            @pl.when(active)
            def _prime():
                stage(0, 0)
            tcopy.wait()
            zcopy.wait()

            def sup2(t2, _):
                for par in (0, 1):
                    t = t2 * 2 + par

                    @pl.when(t + 1 < nsup_t)
                    def _next():
                        stage(t + 1, 1 - par)
                    wait_stage(par)

                    @plsc.parallel_loop(0, SUPER * (C // 16), unroll=2)
                    def _g(g):
                        row = par * SUPER + (g >> 3)
                        off = (g & 7) * 16
                        sd16 = sdv[row, pl.ds(off, 16)]
                        a16 = av[row, pl.ds(off, 16)]
                        s16 = sd16 & 0xFFFF
                        d16 = lax.shift_right_logical(sd16, 16)
                        vals = plsc.load_gather(trow_v, [s16])
                        m = jnp.maximum(vals + a16 * wv + bv, 0.0)
                        plsc.addupdate_scatter(acc_v, [d16], m)
                return 0
            lax.fori_loop(0, npairs, sup2, 0)
            pltpu.sync_copy(acc_v, out_h.at[out_row])

    return pl.kernel(
        body,
        out_type=jax.ShapeDtypeStruct((out_rows, NP), jnp.float32),
        mesh=mesh,
        compiler_params=pltpu.CompilerParams(use_tc_tiling_on_sc=False,
                                             needs_layout_passes=False),
        scratch_types=(
            [pltpu.VMEM((2 * SUPER, C), jnp.int32),
             pltpu.VMEM((2 * SUPER, C), jnp.float32),
             pltpu.VMEM((NP,), jnp.float32),
             pltpu.VMEM((NP,), jnp.float32),
             pltpu.VMEM((16,), jnp.float32),
             pltpu.VMEM((16,), jnp.float32)]
            + [pltpu.SemaphoreType.DMA] * 4
        ),
    )(tableT, sdR, attrR, w16, b16, zrow)


def _da_body(h_ref, a_ref, w_ref, b_ref, h1_ref, s_ref, q_ref):
    if a_ref.shape[0] == h_ref.shape[0]:
        h0 = h_ref[...] + a_ref[...]
    else:
        h0 = h_ref[...] + a_ref[...].T
    h1 = jnp.dot(h0, w_ref[...], preferred_element_type=jnp.float32) + b_ref[...]
    h1_ref[...] = h1
    s_ref[...] = jnp.sum(h1, axis=0, keepdims=True).reshape(1, 1, H)
    q_ref[...] = jnp.sum(h1 * h1, axis=0, keepdims=True).reshape(1, 1, H)


def _dense_a(h, agg, w, b, agg_t=False):
    k = w.shape[0]
    aspec = (pl.BlockSpec((k, NB), lambda i: (0, i)) if agg_t
             else pl.BlockSpec((NB, k), lambda i: (i, 0)))
    return pl.pallas_call(
        _da_body,
        grid=(NBLK,),
        in_specs=[
            pl.BlockSpec((NB, k), lambda i: (i, 0)),
            aspec,
            pl.BlockSpec((k, H), lambda i: (0, 0)),
            pl.BlockSpec((1, H), lambda i: (0, 0)),
        ],
        out_specs=[
            pl.BlockSpec((NB, H), lambda i: (i, 0)),
            pl.BlockSpec((1, 1, H), lambda i: (i, 0, 0)),
            pl.BlockSpec((1, 1, H), lambda i: (i, 0, 0)),
        ],
        out_shape=[
            jax.ShapeDtypeStruct((N, H), jnp.float32),
            jax.ShapeDtypeStruct((NBLK, 1, H), jnp.float32),
            jax.ShapeDtypeStruct((NBLK, 1, H), jnp.float32),
        ],
    )(h, agg, w, b)


def _db_body(h1_ref, s_ref, q_ref, g_ref, beta_ref, w_ref, b_ref, *out_refs):
    mean = jnp.sum(s_ref[...], axis=0) / N
    ex2 = jnp.sum(q_ref[...], axis=0) / N
    var = ex2 - mean * mean
    inv = lax.rsqrt(var + 1e-5)
    hb = g_ref[...] * (h1_ref[...] - mean) * inv + beta_ref[...]
    hr = jnp.maximum(hb, 0.0)
    o = jnp.dot(hr, w_ref[...], preferred_element_type=jnp.float32) + b_ref[...]
    o = jnp.maximum(o, 0.0)
    out_refs[0][...] = o
    if len(out_refs) > 1:
        out_refs[1][...] = o.T


def _dense_b(h1, s, q, g, beta, w, b, emit_t=False):
    out_specs = [pl.BlockSpec((NB, H), lambda i: (i, 0))]
    out_shape = [jax.ShapeDtypeStruct((N, H), jnp.float32)]
    if emit_t:
        out_specs.append(pl.BlockSpec((H, NB), lambda i: (0, i)))
        out_shape.append(jax.ShapeDtypeStruct((H, NP), jnp.float32))
    res = pl.pallas_call(
        _db_body,
        grid=(NBLK,),
        in_specs=[
            pl.BlockSpec((NB, H), lambda i: (i, 0)),
            pl.BlockSpec((NBLK, 1, H), lambda i: (0, 0, 0)),
            pl.BlockSpec((NBLK, 1, H), lambda i: (0, 0, 0)),
            pl.BlockSpec((1, H), lambda i: (0, 0)),
            pl.BlockSpec((1, H), lambda i: (0, 0)),
            pl.BlockSpec((H, H), lambda i: (0, 0)),
            pl.BlockSpec((1, H), lambda i: (0, 0)),
        ],
        out_specs=out_specs,
        out_shape=out_shape,
    )(h1, s, q, g.reshape(1, H), beta.reshape(1, H), w, b)
    return res if emit_t else res[0]


def _pool_body(h_ref, bt_ref, wr1_ref, br1_ref, wr2_ref, br2_ref, o_ref,
               acc_ref, cnt_ref):
    i = pl.program_id(0)

    @pl.when(i == 0)
    def _init():
        acc_ref[...] = jnp.zeros_like(acc_ref)
        cnt_ref[...] = jnp.zeros_like(cnt_ref)

    bt = bt_ref[0]
    gid = lax.broadcasted_iota(jnp.int32, (G, NB), 0)
    oh = (gid == bt).astype(jnp.float32)
    acc_ref[...] += jnp.dot(oh, h_ref[...], preferred_element_type=jnp.float32)
    cnt_part = jnp.sum(oh, axis=1, keepdims=True)
    cnt_ref[...] += jnp.broadcast_to(cnt_part, (G, H))

    @pl.when(i == NBLK - 1)
    def _final():
        xg = acc_ref[...] / jnp.maximum(cnt_ref[...], 1.0)
        r = jnp.maximum(
            jnp.dot(xg, wr1_ref[...], preferred_element_type=jnp.float32)
            + br1_ref[...], 0.0)
        o = jnp.dot(r, wr2_ref[...], preferred_element_type=jnp.float32) + br2_ref[...]
        o_ref[...] = 1.0 / (1.0 + jnp.exp(-o))


def _pool_readout(h4, batch3, wr1, br1, wr2, br2):
    return pl.pallas_call(
        _pool_body,
        grid=(NBLK,),
        in_specs=[
            pl.BlockSpec((NB, H), lambda i: (i, 0)),
            pl.BlockSpec((1, 1, NB), lambda i: (i, 0, 0)),
            pl.BlockSpec((H, 32), lambda i: (0, 0)),
            pl.BlockSpec((1, 32), lambda i: (0, 0)),
            pl.BlockSpec((32, 1), lambda i: (0, 0)),
            pl.BlockSpec((1, 1), lambda i: (0, 0)),
        ],
        out_specs=pl.BlockSpec((G, 1), lambda i: (0, 0)),
        out_shape=jax.ShapeDtypeStruct((G, 1), jnp.float32),
        scratch_shapes=[
            pltpu.VMEM((G, H), jnp.float32),
            pltpu.VMEM((G, H), jnp.float32),
        ],
    )(h4, batch3, wr1, br1, wr2, br2)


def _edges_padded(sd, attr, e_pad):
    pad = e_pad - E
    nr = e_pad // C
    sdR = jnp.concatenate([sd, jnp.full((pad,), N << 16, jnp.int32)]).reshape(nr, C)
    attrR = jnp.concatenate([attr, jnp.zeros((pad,), jnp.float32)]).reshape(nr, C)
    return sdR, attrR


def kernel(x, edge_index, edge_attr, batch, params):
    p = params
    f32 = jnp.float32
    src = edge_index[0]
    dst = edge_index[1]
    attr = edge_attr[:, 0]
    sd = src | (dst << 16)
    zrow = jnp.zeros((NP,), f32)

    sdR1, attrR1 = _edges_padded(sd, attr, E_PAD1)
    xT = jnp.pad(x.T, ((0, 0), (0, NP - N)))
    w16_1 = jnp.broadcast_to(p["We1"][0][:, None], (D_IN, 16))
    b16_1 = jnp.broadcast_to(p["be1"][:, None], (D_IN, 16))
    agg1P = _conv_fm(xT, sdR1, attrR1, w16_1, b16_1, zrow,
                     conv1=True)
    agg1 = jnp.sum(agg1P[:27].reshape(3, 9, NP), axis=0)[:, :N].T

    x_pad = jnp.pad(x, ((0, 0), (0, 16 - D_IN)))
    agg1_pad = jnp.pad(agg1, ((0, 0), (0, 16 - D_IN)))
    w11p = jnp.pad(p["W11"], ((0, 16 - D_IN), (0, 0)))
    h1, s1, q1 = _dense_a(x_pad, agg1_pad, w11p, p["b11"].reshape(1, H))
    h2 = _dense_b(h1, s1, q1, p["g1"], p["beta1"], p["W12"],
                  p["b12"].reshape(1, H))

    sdR2, attrR2 = _edges_padded(sd, attr, E_PAD2)
    table2T = jnp.pad(h2.T, ((0, 0), (0, NP - N)))
    w16_2 = jnp.broadcast_to(p["We2"][0][:, None], (H, 16))
    b16_2 = jnp.broadcast_to(p["be2"][:, None], (H, 16))
    aggT = _conv_fm(table2T, sdR2, attrR2, w16_2, b16_2, zrow,
                    conv1=False)

    h3, s2, q2 = _dense_a(h2, aggT[:, :N].T, p["W21"], p["b21"].reshape(1, H))
    h4 = _dense_b(h3, s2, q2, p["g2"], p["beta2"], p["W22"],
                  p["b22"].reshape(1, H))

    batch3 = batch.reshape(NBLK, 1, NB)
    out = _pool_readout(h4, batch3, p["Wr1"], p["br1"].reshape(1, 32),
                        p["Wr2"], p["br2"].reshape(1, 1))
    return out

# --- scband reference (transcript-rebuilt; emitter-appended) ---
"""Pipeline reference for scband-gine-jstar-predictor-22101901706000 (READ-ONLY COPY).

The authoritative reference and input builder live on the scoring server;
editing this copy changes nothing except your own understanding.
"""

import jax, jax.numpy as jnp
import numpy as np

N = 50000
E = 800000
D_IN = 9
H = 64
EDGE_DIM = 1
G = 512


def _lin_init(k, i, o):
    s = 1.0 / np.sqrt(i)
    return jax.random.uniform(k, (i, o), minval=-s, maxval=s, dtype=jnp.float32)


def setup_inputs(seed: int = 0) -> dict:
    key = jax.random.key(seed)
    ks = jax.random.split(key, 16)
    x = jax.random.normal(ks[0], (N, D_IN), dtype=jnp.float32)
    edge_index = jax.random.randint(ks[1], (2, E), 0, N, dtype=jnp.int32)
    edge_attr = jax.random.normal(ks[2], (E, EDGE_DIM), dtype=jnp.float32)
    batch = jnp.sort(jax.random.randint(ks[3], (N,), 0, G, dtype=jnp.int32))
    params = {
        "We1": _lin_init(ks[4], EDGE_DIM, D_IN), "be1": jnp.zeros((D_IN,), jnp.float32),
        "W11": _lin_init(ks[5], D_IN, H), "b11": jnp.zeros((H,), jnp.float32),
        "g1": jnp.ones((H,), jnp.float32), "beta1": jnp.zeros((H,), jnp.float32),
        "W12": _lin_init(ks[6], H, H), "b12": jnp.zeros((H,), jnp.float32),
        "We2": _lin_init(ks[7], EDGE_DIM, H), "be2": jnp.zeros((H,), jnp.float32),
        "W21": _lin_init(ks[8], H, H), "b21": jnp.zeros((H,), jnp.float32),
        "g2": jnp.ones((H,), jnp.float32), "beta2": jnp.zeros((H,), jnp.float32),
        "W22": _lin_init(ks[9], H, H), "b22": jnp.zeros((H,), jnp.float32),
        "Wr1": _lin_init(ks[10], H, H // 2), "br1": jnp.zeros((H // 2,), jnp.float32),
        "Wr2": _lin_init(ks[11], H // 2, 1), "br2": jnp.zeros((1,), jnp.float32),
    }
    return {"x": x, "edge_index": edge_index, "edge_attr": edge_attr, "batch": batch, "params": params}


def _bn(h, g, b):
    mu = jnp.mean(h, axis=0)
    var = jnp.var(h, axis=0)
    return g * (h - mu) / jnp.sqrt(var + 1e-5) + b


def _gine_aggregate(x, edge_index, edge_attr, We, be):
    # GINEConv (eps=0, not trained): out_pre_nn = (1+eps)*x + sum_{j in N(i)} ReLU(x_j + lin_edge(e_ji))
    src = edge_index[0]
    dst = edge_index[1]
    e = edge_attr @ We + be
    m = jax.nn.relu(x[src] + e)
    agg = jnp.zeros_like(x).at[dst].add(m)
    return x + agg


def _forward(x, edge_attr, params, edge_index, batch):
    p = params
    # conv1
    h = _gine_aggregate(x, edge_index, edge_attr, p["We1"], p["be1"])
    h = h @ p["W11"] + p["b11"]
    h = jax.nn.relu(_bn(h, p["g1"], p["beta1"]))
    h = jax.nn.relu(h @ p["W12"] + p["b12"])
    # conv2
    h = _gine_aggregate(h, edge_index, edge_attr, p["We2"], p["be2"])
    h = h @ p["W21"] + p["b21"]
    h = jax.nn.relu(_bn(h, p["g2"], p["beta2"]))
    h = jax.nn.relu(h @ p["W22"] + p["b22"])
    # global mean pool over graphs
    sums = jax.ops.segment_sum(h, batch, num_segments=G)
    cnt = jax.ops.segment_sum(jnp.ones((h.shape[0], 1), h.dtype), batch, num_segments=G)
    xg = sums / jnp.clip(cnt, 1.0)
    # readout MLP
    out = jax.nn.relu(xg @ p["Wr1"] + p["br1"])
    out = jax.nn.sigmoid(out @ p["Wr2"] + p["br2"])
    return out


def reference(x, edge_index, edge_attr, batch, params):
    return _forward(x, edge_attr, params, edge_index, batch)

if __name__ == "__main__":
    import jax
    _d = setup_inputs()
    print(jax.jit(kernel)(*tuple(_d.values())))

</pallas_src>

<mosaic_0001>
#map = affine_map<(d0, d1) -> (0, 0)>
#map1 = affine_map<(d0, d1) -> (0)>
module attributes {stable_mosaic.version = 14 : i64} {
  func.func @body(%arg0: i32, %arg1: i32, %arg2: memref<9x50048xf32, #tpu.memory_space<hbm>>, %arg3: memref<6336x128xi32, #tpu.memory_space<hbm>>, %arg4: memref<6336x128xf32, #tpu.memory_space<hbm>>, %arg5: memref<9x16xf32, #tpu.memory_space<hbm>>, %arg6: memref<9x16xf32, #tpu.memory_space<hbm>>, %arg7: memref<50048xf32, #tpu.memory_space<hbm>>, %arg8: memref<32x50048xf32, #tpu.memory_space<hbm>>, %arg9: memref<96x128xi32, #tpu.memory_space<vmem>>, %arg10: memref<96x128xf32, #tpu.memory_space<vmem>>, %arg11: memref<50048xf32, #tpu.memory_space<vmem>>, %arg12: memref<50048xf32, #tpu.memory_space<vmem>>, %arg13: memref<16xf32, #tpu.memory_space<vmem>>, %arg14: memref<16xf32, #tpu.memory_space<vmem>>, %arg15: memref<!tpu.dma_semaphore, #tpu.memory_space<semaphore_mem>>, %arg16: memref<!tpu.dma_semaphore, #tpu.memory_space<semaphore_mem>>, %arg17: memref<!tpu.dma_semaphore, #tpu.memory_space<semaphore_mem>>, %arg18: memref<!tpu.dma_semaphore, #tpu.memory_space<semaphore_mem>>) attributes {dimension_semantics = [#tpu.dimension_semantics<core_parallel>, #tpu.dimension_semantics<subcore_parallel>], iteration_bounds = array<i64: 2, 16>, scalar_prefetch = 0 : i64, scratch_operands = 10 : i64, tpu.core_type = #tpu.core_type<sc_vector_subcore>, window_params = [{transform_indices = #map}, {transform_indices = #map}, {transform_indices = #map}, {transform_indices = #map}, {transform_indices = #map}, {transform_indices = #map1}, {transform_indices = #map}]} {
    %mul3A = arith.constant 16 : i32
    %mul3A_0 = arith.muli %arg0, %mul3A : i32
    %add3A = arith.addi %mul3A_0, %arg1 : i32
    %jit3A = arith.constant 9 : i32
    %div3A = arith.divsi %add3A, %jit3A : i32
    %sign3A = arith.constant 0 : i32
    %sign3A_1 = arith.cmpi sgt, %add3A, %sign3A : i32
    %sign3A_2 = arith.extui %sign3A_1 : i1 to i32
    %sign3A_3 = arith.constant 0 : i32
    %sign3A_4 = arith.cmpi slt, %add3A, %sign3A_3 : i32
    %sign3A_5 = arith.extui %sign3A_4 : i1 to i32
    %sign3A_6 = arith.subi %sign3A_2, %sign3A_5 : i32
    %sign3A_7 = arith.constant 0 : i32
    %sign3A_8 = arith.cmpi sgt, %jit3A, %sign3A_7 : i32
    %sign3A_9 = arith.extui %sign3A_8 : i1 to i32
    %sign3A_10 = arith.constant 0 : i32
    %sign3A_11 = arith.cmpi slt, %jit3A, %sign3A_10 : i32
    %sign3A_12 = arith.extui %sign3A_11 : i1 to i32
    %sign3A_13 = arith.subi %sign3A_9, %sign3A_12 : i32
    %ne3A = arith.cmpi ne, %sign3A_6, %sign3A_13 : i32
    %rem3A = arith.remsi %add3A, %jit3A : i32
    %ne3A_14 = arith.constant 0 : i32
    %ne3A_15 = arith.cmpi ne, %rem3A, %ne3A_14 : i32
    %and3A = arith.andi %ne3A, %ne3A_15 : i1
    %sub3A = arith.constant 1 : i32
    %sub3A_16 = arith.subi %div3A, %sub3A : i32
    %select_n3A = arith.select %and3A, %sub3A_16, %div3A : i32
    %lt3A = arith.constant 3 : i32
    %lt3A_17 = arith.cmpi slt, %select_n3A, %lt3A : i32
    %mul3A_18 = arith.constant 44 : i32
    %mul3A_19 = arith.muli %select_n3A, %mul3A_18 : i32
    %jit3A_20 = arith.constant 22 : i32
    %jit3A_21 = arith.constant 0 : i32
    %select_n3A_22 = arith.select %lt3A_17, %jit3A_20, %jit3A_21 : i32
    %jit3A_23 = arith.constant 9 : i32
    %eq3A = arith.constant 0 : i32
    %eq3A_24 = arith.cmpi eq, %jit3A_23, %eq3A : i32
    %jit3A_25 = arith.constant 1 : i32
    %select_n3A_26 = arith.select %eq3A_24, %jit3A_25, %jit3A_23 : i32
    %rem3A_27 = arith.remsi %add3A, %select_n3A_26 : i32
    %ne3A_28 = arith.constant 0 : i32
    %ne3A_29 = arith.cmpi ne, %rem3A_27, %ne3A_28 : i32
    %lt3A_30 = arith.constant 0 : i32
    %lt3A_31 = arith.cmpi slt, %rem3A_27, %lt3A_30 : i32
    %lt3A_32 = arith.constant 0 : i32
    %lt3A_33 = arith.cmpi slt, %select_n3A_26, %lt3A_32 : i32
    %ne3A_34 = arith.xori %lt3A_31, %lt3A_33 : i1
    %and3A_35 = arith.andi %ne3A_34, %ne3A_29 : i1
    %add3A_36 = arith.addi %rem3A_27, %select_n3A_26 : i32
    %select_n3A_37 = arith.select %and3A_35, %add3A_36, %rem3A_27 : i32
    "tpu.region"() ({
      %run_scoped3A = tpu.sem_alloc : memref<!tpu.dma_semaphore, #tpu.memory_space<semaphore_mem>>
      %dma_start3A_63 = arith.constant 0 : i32
      %dma_start3A_64 = tpu.memref_slice %arg5[%select_n3A_37, %dma_start3A_63] : memref<9x16xf32, #tpu.memory_space<hbm>> -> memref<1x16xf32, #tpu.memory_space<hbm>>
      %dma_start3A_65 = tpu.memref_squeeze %dma_start3A_64 : memref<1x16xf32, #tpu.memory_space<hbm>> -> memref<16xf32, #tpu.memory_space<hbm>>
      %dma_start3A_66 = arith.constant 0 : i32
      %dma_start3A_67 = tpu.memref_slice %arg5[%select_n3A_37, %dma_start3A_66] : memref<9x16xf32, #tpu.memory_space<hbm>> -> memref<1x16xf32, #tpu.memory_space<hbm>>
      %dma_start3A_68 = tpu.memref_squeeze %dma_start3A_67 : memref<1x16xf32, #tpu.memory_space<hbm>> -> memref<16xf32, #tpu.memory_space<hbm>>
      tpu.enqueue_dma source(%dma_start3A_68 : memref<16xf32, #tpu.memory_space<hbm>>) target(%arg13 : memref<16xf32, #tpu.memory_space<vmem>>) target_semaphore(%run_scoped3A : memref<!tpu.dma_semaphore, #tpu.memory_space<semaphore_mem>>)
      %dma_wait3A_69 = arith.constant 0 : i32
      %dma_wait3A_70 = tpu.memref_slice %arg5[%select_n3A_37, %dma_wait3A_69] : memref<9x16xf32, #tpu.memory_space<hbm>> -> memref<1x16xf32, #tpu.memory_space<hbm>>
      %dma_wait3A_71 = tpu.memref_squeeze %dma_wait3A_70 : memref<1x16xf32, #tpu.memory_space<hbm>> -> memref<16xf32, #tpu.memory_space<hbm>>
      %dma_wait3A_72 = arith.constant 0 : i32
      %dma_wait3A_73 = tpu.memref_slice %arg5[%select_n3A_37, %dma_wait3A_72] : memref<9x16xf32, #tpu.memory_space<hbm>> -> memref<1x16xf32, #tpu.memory_space<hbm>>
      %dma_wait3A_74 = tpu.memref_squeeze %dma_wait3A_73 : memref<1x16xf32, #tpu.memory_space<hbm>> -> memref<16xf32, #tpu.memory_space<hbm>>
      tpu.wait_dma2 semaphore(%run_scoped3A : memref<!tpu.dma_semaphore, #tpu.memory_space<semaphore_mem>>) src(%dma_wait3A_74 : memref<16xf32, #tpu.memory_space<hbm>>) dst(%arg13 : memref<16xf32, #tpu.memory_space<vmem>>)
      tpu.yield
    }) : () -> ()
    "tpu.region"() ({
      %run_scoped3A = tpu.sem_alloc : memref<!tpu.dma_semaphore, #tpu.memory_space<semaphore_mem>>
      %dma_start3A_63 = arith.constant 0 : i32
      %dma_start3A_64 = tpu.memref_slice %arg6[%select_n3A_37, %dma_start3A_63] : memref<9x16xf32, #tpu.memory_space<hbm>> -> memref<1x16xf32, #tpu.memory_space<hbm>>
      %dma_start3A_65 = tpu.memref_squeeze %dma_start3A_64 : memref<1x16xf32, #tpu.memory_space<hbm>> -> memref<16xf32, #tpu.memory_space<hbm>>
      %dma_start3A_66 = arith.constant 0 : i32
      %dma_start3A_67 = tpu.memref_slice %arg6[%select_n3A_37, %dma_start3A_66] : memref<9x16xf32, #tpu.memory_space<hbm>> -> memref<1x16xf32, #tpu.memory_space<hbm>>
      %dma_start3A_68 = tpu.memref_squeeze %dma_start3A_67 : memref<1x16xf32, #tpu.memory_space<hbm>> -> memref<16xf32, #tpu.memory_space<hbm>>
      tpu.enqueue_dma source(%dma_start3A_68 : memref<16xf32, #tpu.memory_space<hbm>>) target(%arg14 : memref<16xf32, #tpu.memory_space<vmem>>) target_semaphore(%run_scoped3A : memref<!tpu.dma_semaphore, #tpu.memory_space<semaphore_mem>>)
      %dma_wait3A_69 = arith.constant 0 : i32
      %dma_wait3A_70 = tpu.memref_slice %arg6[%select_n3A_37, %dma_wait3A_69] : memref<9x16xf32, #tpu.memory_space<hbm>> -> memref<1x16xf32, #tpu.memory_space<hbm>>
      %dma_wait3A_71 = tpu.memref_squeeze %dma_wait3A_70 : memref<1x16xf32, #tpu.memory_space<hbm>> -> memref<16xf32, #tpu.memory_space<hbm>>
      %dma_wait3A_72 = arith.constant 0 : i32
      %dma_wait3A_73 = tpu.memref_slice %arg6[%select_n3A_37, %dma_wait3A_72] : memref<9x16xf32, #tpu.memory_space<hbm>> -> memref<1x16xf32, #tpu.memory_space<hbm>>
      %dma_wait3A_74 = tpu.memref_squeeze %dma_wait3A_73 : memref<1x16xf32, #tpu.memory_space<hbm>> -> memref<16xf32, #tpu.memory_space<hbm>>
      tpu.wait_dma2 semaphore(%run_scoped3A : memref<!tpu.dma_semaphore, #tpu.memory_space<semaphore_mem>>) src(%dma_wait3A_74 : memref<16xf32, #tpu.memory_space<hbm>>) dst(%arg14 : memref<16xf32, #tpu.memory_space<vmem>>)
      tpu.yield
    }) : () -> ()
    %get3A = arith.constant 0 : index
    %get3A_38 = tpu.vector_load %arg13[%get3A] {strides = array<i32>} : memref<16xf32, #tpu.memory_space<vmem>>, vector<16xf32>,
    %get3A_39 = arith.constant 0 : index
    %get3A_40 = tpu.vector_load %arg14[%get3A_39] {strides = array<i32>} : memref<16xf32, #tpu.memory_space<vmem>>, vector<16xf32>,
    %dma_start3A = arith.constant 0 : i32
    %dma_start3A_41 = tpu.memref_slice %arg2[%select_n3A_37, %dma_start3A] : memref<9x50048xf32, #tpu.memory_space<hbm>> -> memref<1x50048xf32, #tpu.memory_space<hbm>>
    %dma_start3A_42 = tpu.memref_squeeze %dma_start3A_41 : memref<1x50048xf32, #tpu.memory_space<hbm>> -> memref<50048xf32, #tpu.memory_space<hbm>>
    %dma_start3A_43 = arith.constant 0 : i32
    %dma_start3A_44 = tpu.memref_slice %arg2[%select_n3A_37, %dma_start3A_43] : memref<9x50048xf32, #tpu.memory_space<hbm>> -> memref<1x50048xf32, #tpu.memory_space<hbm>>
    %dma_start3A_45 = tpu.memref_squeeze %dma_start3A_44 : memref<1x50048xf32, #tpu.memory_space<hbm>> -> memref<50048xf32, #tpu.memory_space<hbm>>
    tpu.enqueue_dma source(%dma_start3A_45 : memref<50048xf32, #tpu.memory_space<hbm>>) target(%arg11 : memref<50048xf32, #tpu.memory_space<vmem>>) target_semaphore(%arg15 : memref<!tpu.dma_semaphore, #tpu.memory_space<semaphore_mem>>)
    tpu.enqueue_dma source(%arg7 : memref<50048xf32, #tpu.memory_space<hbm>>) target(%arg12 : memref<50048xf32, #tpu.memory_space<vmem>>) target_semaphore(%arg16 : memref<!tpu.dma_semaphore, #tpu.memory_space<semaphore_mem>>)
    %convert_element_type3A = arith.extui %lt3A_17 : i1 to i32
    %cond3A = arith.constant 0 : i32
    %cond3A_46 = arith.cmpi ne, %convert_element_type3A, %cond3A : i32
    scf.if %cond3A_46 {
      %add3A_63 = arith.constant 0 : i32
      %add3A_64 = arith.addi %mul3A_19, %add3A_63 : i32
      %mul3A_65 = arith.constant 48 : i32
      %mul3A_66 = arith.muli %add3A_64, %mul3A_65 : i32
      %dma_start3A_67 = arith.constant 0 : i32
      %dma_start3A_68 = arith.constant 0 : i32
      %dma_start3A_69 = tpu.memref_slice %arg9[%dma_start3A_67, %dma_start3A_68] : memref<96x128xi32, #tpu.memory_space<vmem>> -> memref<48x128xi32, #tpu.memory_space<vmem>>
      %dma_start3A_70 = arith.constant 0 : i32
      %dma_start3A_71 = tpu.memref_slice %arg3[%mul3A_66, %dma_start3A_70] : memref<6336x128xi32, #tpu.memory_space<hbm>> -> memref<48x128xi32, #tpu.memory_space<hbm>>
      %dma_start3A_72 = arith.constant 0 : i32
      %dma_start3A_73 = arith.constant 0 : i32
      %dma_start3A_74 = tpu.memref_slice %arg9[%dma_start3A_72, %dma_start3A_73] : memref<96x128xi32, #tpu.memory_space<vmem>> -> memref<48x128xi32, #tpu.memory_space<vmem>>
      %dma_start3A_75 = arith.constant 0 : i32
      %dma_start3A_76 = tpu.memref_slice %arg3[%mul3A_66, %dma_start3A_75] : memref<6336x128xi32, #tpu.memory_space<hbm>> -> memref<48x128xi32, #tpu.memory_space<hbm>>
      tpu.enqueue_dma source(%dma_start3A_76 : memref<48x128xi32, #tpu.memory_space<hbm>>) target(%dma_start3A_74 : memref<48x128xi32, #tpu.memory_space<vmem>>) target_semaphore(%arg17 : memref<!tpu.dma_semaphore, #tpu.memory_space<semaphore_mem>>)
      %dma_start3A_77 = arith.constant 0 : i32
      %dma_start3A_78 = arith.constant 0 : i32
      %dma_start3A_79 = tpu.memref_slice %arg10[%dma_start3A_77, %dma_start3A_78] : memref<96x128xf32, #tpu.memory_space<vmem>> -> memref<48x128xf32, #tpu.memory_space<vmem>>
      %dma_start3A_80 = arith.constant 0 : i32
      %dma_start3A_81 = tpu.memref_slice %arg4[%mul3A_66, %dma_start3A_80] : memref<6336x128xf32, #tpu.memory_space<hbm>> -> memref<48x128xf32, #tpu.memory_space<hbm>>
      %dma_start3A_82 = arith.constant 0 : i32
      %dma_start3A_83 = arith.constant 0 : i32
      %dma_start3A_84 = tpu.memref_slice %arg10[%dma_start3A_82, %dma_start3A_83] : memref<96x128xf32, #tpu.memory_space<vmem>> -> memref<48x128xf32, #tpu.memory_space<vmem>>
      %dma_start3A_85 = arith.constant 0 : i32
      %dma_start3A_86 = tpu.memref_slice %arg4[%mul3A_66, %dma_start3A_85] : memref<6336x128xf32, #tpu.memory_space<hbm>> -> memref<48x128xf32, #tpu.memory_space<hbm>>
      tpu.enqueue_dma source(%dma_start3A_86 : memref<48x128xf32, #tpu.memory_space<hbm>>) target(%dma_start3A_84 : memref<48x128xf32, #tpu.memory_space<vmem>>) target_semaphore(%arg17 : memref<!tpu.dma_semaphore, #tpu.memory_space<semaphore_mem>>)
    } else {
    }
    %dma_wait3A = arith.constant 0 : i32
    %dma_wait3A_47 = tpu.memref_slice %arg2[%select_n3A_37, %dma_wait3A] : memref<9x50048xf32, #tpu.memory_space<hbm>> -> memref<1x50048xf32, #tpu.memory_space<hbm>>
    %dma_wait3A_48 = tpu.memref_squeeze %dma_wait3A_47 : memref<1x50048xf32, #tpu.memory_space<hbm>> -> memref<50048xf32, #tpu.memory_space<hbm>>
    %dma_wait3A_49 = arith.constant 0 : i32
    %dma_wait3A_50 = tpu.memref_slice %arg2[%select_n3A_37, %dma_wait3A_49] : memref<9x50048xf32, #tpu.memory_space<hbm>> -> memref<1x50048xf32, #tpu.memory_space<hbm>>
    %dma_wait3A_51 = tpu.memref_squeeze %dma_wait3A_50 : memref<1x50048xf32, #tpu.memory_space<hbm>> -> memref<50048xf32, #tpu.memory_space<hbm>>
    tpu.wait_dma2 semaphore(%arg15 : memref<!tpu.dma_semaphore, #tpu.memory_space<semaphore_mem>>) src(%dma_wait3A_51 : memref<50048xf32, #tpu.memory_space<hbm>>) dst(%arg11 : memref<50048xf32, #tpu.memory_space<vmem>>)
    tpu.wait_dma2 semaphore(%arg16 : memref<!tpu.dma_semaphore, #tpu.memory_space<semaphore_mem>>) src(%arg7 : memref<50048xf32, #tpu.memory_space<hbm>>) dst(%arg12 : memref<50048xf32, #tpu.memory_space<vmem>>)
    %while3A = arith.constant 0 : i32
    %while3A_52 = arith.constant 0 : i32
    %while3A_53 = arith.subi %select_n3A_22, %while3A : i32
    %while3A_54 = arith.addi %while3A, %while3A_53 : i32
    %while3A_55 = arith.constant 1 : i32
    %while3A_56 = arith.divsi %while3A_53, %while3A_55 : i32
    %while3A_57 = arith.muli %while3A_56, %while3A_55 : i32
    %while3A_58 = arith.addi %while3A, %while3A_57 : i32
    %while3A_59 = arith.constant 1 : i32
    %while3A_60 = scf.for %while3A_63 = %while3A to %while3A_58 step %while3A_59 iter_args(%while3A_64 = %while3A_52) -> (i32)  : i32 {
      %mul3A_65 = arith.constant 2 : i32
      %mul3A_66 = arith.muli %while3A_63, %mul3A_65 : i32
      %add3A_67 = arith.constant 0 : i32
      %add3A_68 = arith.addi %mul3A_66, %add3A_67 : i32
      %add3A_69 = arith.constant 1 : i32
      %add3A_70 = arith.addi %add3A_68, %add3A_69 : i32
      %lt3A_71 = arith.constant 44 : i32
      %lt3A_72 = arith.cmpi slt, %add3A_70, %lt3A_71 : i32
      %convert_element_type3A_73 = arith.extui %lt3A_72 : i1 to i32
      %cond3A_74 = arith.constant 0 : i32
      %cond3A_75 = arith.cmpi ne, %convert_element_type3A_73, %cond3A_74 : i32
      scf.if %cond3A_75 {
        %add3A_141 = arith.constant 1 : i32
        %add3A_142 = arith.addi %add3A_68, %add3A_141 : i32
        %add3A_143 = arith.addi %mul3A_19, %add3A_142 : i32
        %mul3A_144 = arith.constant 48 : i32
        %mul3A_145 = arith.muli %add3A_143, %mul3A_144 : i32
        %dma_start3A_146 = arith.constant 48 : i32
        %dma_start3A_147 = arith.constant 0 : i32
        %dma_start3A_148 = tpu.memref_slice %arg9[%dma_start3A_146, %dma_start3A_147] : memref<96x128xi32, #tpu.memory_space<vmem>> -> memref<48x128xi32, #tpu.memory_space<vmem>>
        %dma_start3A_149 = arith.constant 0 : i32
        %dma_start3A_150 = tpu.memref_slice %arg3[%mul3A_145, %dma_start3A_149] : memref<6336x128xi32, #tpu.memory_space<hbm>> -> memref<48x128xi32, #tpu.memory_space<hbm>>
        %dma_start3A_151 = arith.constant 48 : i32
        %dma_start3A_152 = arith.constant 0 : i32
        %dma_start3A_153 = tpu.memref_slice %arg9[%dma_start3A_151, %dma_start3A_152] : memref<96x128xi32, #tpu.memory_space<vmem>> -> memref<48x128xi32, #tpu.memory_space<vmem>>
        %dma_start3A_154 = arith.constant 0 : i32
        %dma_start3A_155 = tpu.memref_slice %arg3[%mul3A_145, %dma_start3A_154] : memref<6336x128xi32, #tpu.memory_space<hbm>> -> memref<48x128xi32, #tpu.memory_space<hbm>>
        tpu.enqueue_dma source(%dma_start3A_155 : memref<48x128xi32, #tpu.memory_space<hbm>>) target(%dma_start3A_153 : memref<48x128xi32, #tpu.memory_space<vmem>>) target_semaphore(%arg18 : memref<!tpu.dma_semaphore, #tpu.memory_space<semaphore_mem>>)
        %dma_start3A_156 = arith.constant 48 : i32
        %dma_start3A_157 = arith.constant 0 : i32
        %dma_start3A_158 = tpu.memref_slice %arg10[%dma_start3A_156, %dma_start3A_157] : memref<96x128xf32, #tpu.memory_space<vmem>> -> memref<48x128xf32, #tpu.memory_space<vmem>>
        %dma_start3A_159 = arith.constant 0 : i32
        %dma_start3A_160 = tpu.memref_slice %arg4[%mul3A_145, %dma_start3A_159] : memref<6336x128xf32, #tpu.memory_space<hbm>> -> memref<48x128xf32, #tpu.memory_space<hbm>>
        %dma_start3A_161 = arith.constant 48 : i32
        %dma_start3A_162 = arith.constant 0 : i32
        %dma_start3A_163 = tpu.memref_slice %arg10[%dma_start3A_161, %dma_start3A_162] : memref<96x128xf32, #tpu.memory_space<vmem>> -> memref<48x128xf32, #tpu.memory_space<vmem>>
        %dma_start3A_164 = arith.constant 0 : i32
        %dma_start3A_165 = tpu.memref_slice %arg4[%mul3A_145, %dma_start3A_164] : memref<6336x128xf32, #tpu.memory_space<hbm>> -> memref<48x128xf32, #tpu.memory_space<hbm>>
        tpu.enqueue_dma source(%dma_start3A_165 : memref<48x128xf32, #tpu.memory_space<hbm>>) target(%dma_start3A_163 : memref<48x128xf32, #tpu.memory_space<vmem>>) target_semaphore(%arg18 : memref<!tpu.dma_semaphore, #tpu.memory_space<semaphore_mem>>)
      } else {
      }
      %dma_wait3A_76 = arith.constant 0 : i32
      %dma_wait3A_77 = arith.constant 0 : i32
      %dma_wait3A_78 = tpu.memref_slice %arg9[%dma_wait3A_76, %dma_wait3A_77] : memref<96x128xi32, #tpu.memory_space<vmem>> -> memref<48x128xi32, #tpu.memory_space<vmem>>
      %dma_wait3A_79 = arith.constant 0 : i32
      %dma_wait3A_80 = arith.constant 0 : i32
      %dma_wait3A_81 = tpu.memref_slice %arg3[%dma_wait3A_79, %dma_wait3A_80] : memref<6336x128xi32, #tpu.memory_space<hbm>> -> memref<48x128xi32, #tpu.memory_space<hbm>>
      %dma_wait3A_82 = arith.constant 0 : i32
      %dma_wait3A_83 = arith.constant 0 : i32
      %dma_wait3A_84 = tpu.memref_slice %arg9[%dma_wait3A_82, %dma_wait3A_83] : memref<96x128xi32, #tpu.memory_space<vmem>> -> memref<48x128xi32, #tpu.memory_space<vmem>>
      %dma_wait3A_85 = arith.constant 0 : i32
      %dma_wait3A_86 = arith.constant 0 : i32
      %dma_wait3A_87 = tpu.memref_slice %arg3[%dma_wait3A_85, %dma_wait3A_86] : memref<6336x128xi32, #tpu.memory_space<hbm>> -> memref<48x128xi32, #tpu.memory_space<hbm>>
      tpu.wait_dma2 semaphore(%arg17 : memref<!tpu.dma_semaphore, #tpu.memory_space<semaphore_mem>>) src(%dma_wait3A_87 : memref<48x128xi32, #tpu.memory_space<hbm>>) dst(%dma_wait3A_84 : memref<48x128xi32, #tpu.memory_space<vmem>>)
      %dma_wait3A_88 = arith.constant 0 : i32
      %dma_wait3A_89 = arith.constant 0 : i32
      %dma_wait3A_90 = tpu.memref_slice %arg10[%dma_wait3A_88, %dma_wait3A_89] : memref<96x128xf32, #tpu.memory_space<vmem>> -> memref<48x128xf32, #tpu.memory_space<vmem>>
      %dma_wait3A_91 = arith.constant 0 : i32
      %dma_wait3A_92 = arith.constant 0 : i32
      %dma_wait3A_93 = tpu.memref_slice %arg4[%dma_wait3A_91, %dma_wait3A_92] : memref<6336x128xf32, #tpu.memory_space<hbm>> -> memref<48x128xf32, #tpu.memory_space<hbm>>
      %dma_wait3A_94 = arith.constant 0 : i32
      %dma_wait3A_95 = arith.constant 0 : i32
      %dma_wait3A_96 = tpu.memref_slice %arg10[%dma_wait3A_94, %dma_wait3A_95] : memref<96x128xf32, #tpu.memory_space<vmem>> -> memref<48x128xf32, #tpu.memory_space<vmem>>
      %dma_wait3A_97 = arith.constant 0 : i32
      %dma_wait3A_98 = arith.constant 0 : i32
      %dma_wait3A_99 = tpu.memref_slice %arg4[%dma_wait3A_97, %dma_wait3A_98] : memref<6336x128xf32, #tpu.memory_space<hbm>> -> memref<48x128xf32, #tpu.memory_space<hbm>>
      tpu.wait_dma2 semaphore(%arg17 : memref<!tpu.dma_semaphore, #tpu.memory_space<semaphore_mem>>) src(%dma_wait3A_99 : memref<48x128xf32, #tpu.memory_space<hbm>>) dst(%dma_wait3A_96 : memref<48x128xf32, #tpu.memory_space<vmem>>)
      %parallel_loop3A = arith.constant 0 : i32
      %parallel_loop3A_100 = arith.constant 384 : i32
      %parallel_loop3A_101 = arith.constant 1 : i32
      scf.for %parallel_loop3A_141 = %parallel_loop3A to %parallel_loop3A_100 step %parallel_loop3A_101  : i32 {
        %parallel_loop3A_142 = arith.constant 3 : i32
        %parallel_loop3A_143 = arith.shrsi %parallel_loop3A_141, %parallel_loop3A_142 : i32
        %parallel_loop3A_144 = arith.constant 0 : i32
        %parallel_loop3A_145 = arith.addi %parallel_loop3A_144, %parallel_loop3A_143 : i32
        %parallel_loop3A_146 = arith.constant 7 : i32
        %parallel_loop3A_147 = arith.andi %parallel_loop3A_141, %parallel_loop3A_146 : i32
        %parallel_loop3A_148 = arith.constant 16 : i32
        %parallel_loop3A_149 = arith.muli %parallel_loop3A_147, %parallel_loop3A_148 : i32
        %parallel_loop3A_150 = arith.index_cast %parallel_loop3A_145 : i32 to index
        %parallel_loop3A_151 = arith.index_cast %parallel_loop3A_149 : i32 to index
        %parallel_loop3A_152 = tpu.vector_load %arg9[%parallel_loop3A_150, %parallel_loop3A_151] {strides = array<i32>} : memref<96x128xi32, #tpu.memory_space<vmem>>, vector<16xi32>,
        %parallel_loop3A_153 = arith.index_cast %parallel_loop3A_145 : i32 to index
        %parallel_loop3A_154 = arith.index_cast %parallel_loop3A_149 : i32 to index
        %parallel_loop3A_155 = tpu.vector_load %arg10[%parallel_loop3A_153, %parallel_loop3A_154] {strides = array<i32>} : memref<96x128xf32, #tpu.memory_space<vmem>>, vector<16xf32>,
        %parallel_loop3A_156 = arith.constant 65535 : i32
        %parallel_loop3A_157 = vector.broadcast %parallel_loop3A_156 : i32 to vector<16xi32>
        %parallel_loop3A_158 = arith.andi %parallel_loop3A_152, %parallel_loop3A_157 : vector<16xi32>
        %parallel_loop3A_159 = arith.constant 16 : i32
        %parallel_loop3A_160 = vector.broadcast %parallel_loop3A_159 : i32 to vector<16xi32>
        %parallel_loop3A_161 = arith.shrui %parallel_loop3A_152, %parallel_loop3A_160 : vector<16xi32>
        %parallel_loop3A_162 = tpu.vector_load_idx %arg11[%parallel_loop3A_158] : memref<50048xf32, #tpu.memory_space<vmem>>[vector<16xi32>], vector<16xf32>,
        %parallel_loop3A_163 = arith.mulf %parallel_loop3A_155, %get3A_38 : vector<16xf32>
        %parallel_loop3A_164 = arith.addf %parallel_loop3A_162, %parallel_loop3A_163 : vector<16xf32>
        %parallel_loop3A_165 = arith.addf %parallel_loop3A_164, %get3A_40 : vector<16xf32>
        %parallel_loop3A_166 = arith.constant 0.000000e+00 : f32
        %parallel_loop3A_167 = vector.broadcast %parallel_loop3A_166 : f32 to vector<16xf32>
        %parallel_loop3A_168 = arith.maximumf %parallel_loop3A_165, %parallel_loop3A_167 : vector<16xf32>
        tpu.vector_store_idx %arg12[%parallel_loop3A_161], %parallel_loop3A_168 {add = true} : memref<50048xf32, #tpu.memory_space<vmem>>[vector<16xi32>], vector<16xf32>,
      } {sc.loop_unroll_factor = 2 : i64, sc.parallel_access}
      %mul3A_102 = arith.constant 2 : i32
      %mul3A_103 = arith.muli %while3A_63, %mul3A_102 : i32
      %add3A_104 = arith.constant 1 : i32
      %add3A_105 = arith.addi %mul3A_103, %add3A_104 : i32
      %add3A_106 = arith.constant 1 : i32
      %add3A_107 = arith.addi %add3A_105, %add3A_106 : i32
      %lt3A_108 = arith.constant 44 : i32
      %lt3A_109 = arith.cmpi slt, %add3A_107, %lt3A_108 : i32
      %convert_element_type3A_110 = arith.extui %lt3A_109 : i1 to i32
      %cond3A_111 = arith.constant 0 : i32
      %cond3A_112 = arith.cmpi ne, %convert_element_type3A_110, %cond3A_111 : i32
      scf.if %cond3A_112 {
        %add3A_141 = arith.constant 1 : i32
        %add3A_142 = arith.addi %add3A_105, %add3A_141 : i32
        %add3A_143 = arith.addi %mul3A_19, %add3A_142 : i32
        %mul3A_144 = arith.constant 48 : i32
        %mul3A_145 = arith.muli %add3A_143, %mul3A_144 : i32
        %dma_start3A_146 = arith.constant 0 : i32
        %dma_start3A_147 = arith.constant 0 : i32
        %dma_start3A_148 = tpu.memref_slice %arg9[%dma_start3A_146, %dma_start3A_147] : memref<96x128xi32, #tpu.memory_space<vmem>> -> memref<48x128xi32, #tpu.memory_space<vmem>>
        %dma_start3A_149 = arith.constant 0 : i32
        %dma_start3A_150 = tpu.memref_slice %arg3[%mul3A_145, %dma_start3A_149] : memref<6336x128xi32, #tpu.memory_space<hbm>> -> memref<48x128xi32, #tpu.memory_space<hbm>>
        %dma_start3A_151 = arith.constant 0 : i32
        %dma_start3A_152 = arith.constant 0 : i32
        %dma_start3A_153 = tpu.memref_slice %arg9[%dma_start3A_151, %dma_start3A_152] : memref<96x128xi32, #tpu.memory_space<vmem>> -> memref<48x128xi32, #tpu.memory_space<vmem>>
        %dma_start3A_154 = arith.constant 0 : i32
        %dma_start3A_155 = tpu.memref_slice %arg3[%mul3A_145, %dma_start3A_154] : memref<6336x128xi32, #tpu.memory_space<hbm>> -> memref<48x128xi32, #tpu.memory_space<hbm>>
        tpu.enqueue_dma source(%dma_start3A_155 : memref<48x128xi32, #tpu.memory_space<hbm>>) target(%dma_start3A_153 : memref<48x128xi32, #tpu.memory_space<vmem>>) target_semaphore(%arg17 : memref<!tpu.dma_semaphore, #tpu.memory_space<semaphore_mem>>)
        %dma_start3A_156 = arith.constant 0 : i32
        %dma_start3A_157 = arith.constant 0 : i32
        %dma_start3A_158 = tpu.memref_slice %arg10[%dma_start3A_156, %dma_start3A_157] : memref<96x128xf32, #tpu.memory_space<vmem>> -> memref<48x128xf32, #tpu.memory_space<vmem>>
        %dma_start3A_159 = arith.constant 0 : i32
        %dma_start3A_160 = tpu.memref_slice %arg4[%mul3A_145, %dma_start3A_159] : memref<6336x128xf32, #tpu.memory_space<hbm>> -> memref<48x128xf32, #tpu.memory_space<hbm>>
        %dma_start3A_161 = arith.constant 0 : i32
        %dma_start3A_162 = arith.constant 0 : i32
        %dma_start3A_163 = tpu.memref_slice %arg10[%dma_start3A_161, %dma_start3A_162] : memref<96x128xf32, #tpu.memory_space<vmem>> -> memref<48x128xf32, #tpu.memory_space<vmem>>
        %dma_start3A_164 = arith.constant 0 : i32
        %dma_start3A_165 = tpu.memref_slice %arg4[%mul3A_145, %dma_start3A_164] : memref<6336x128xf32, #tpu.memory_space<hbm>> -> memref<48x128xf32, #tpu.memory_space<hbm>>
        tpu.enqueue_dma source(%dma_start3A_165 : memref<48x128xf32, #tpu.memory_space<hbm>>) target(%dma_start3A_163 : memref<48x128xf32, #tpu.memory_space<vmem>>) target_semaphore(%arg17 : memref<!tpu.dma_semaphore, #tpu.memory_space<semaphore_mem>>)
      } else {
      }
      %dma_wait3A_113 = arith.constant 48 : i32
      %dma_wait3A_114 = arith.constant 0 : i32
      %dma_wait3A_115 = tpu.memref_slice %arg9[%dma_wait3A_113, %dma_wait3A_114] : memref<96x128xi32, #tpu.memory_space<vmem>> -> memref<48x128xi32, #tpu.memory_space<vmem>>
      %dma_wait3A_116 = arith.constant 0 : i32
      %dma_wait3A_117 = arith.constant 0 : i32
      %dma_wait3A_118 = tpu.memref_slice %arg3[%dma_wait3A_116, %dma_wait3A_117] : memref<6336x128xi32, #tpu.memory_space<hbm>> -> memref<48x128xi32, #tpu.memory_space<hbm>>
      %dma_wait3A_119 = arith.constant 48 : i32
      %dma_wait3A_120 = arith.constant 0 : i32
      %dma_wait3A_121 = tpu.memref_slice %arg9[%dma_wait3A_119, %dma_wait3A_120] : memref<96x128xi32, #tpu.memory_space<vmem>> -> memref<48x128xi32, #tpu.memory_space<vmem>>
      %dma_wait3A_122 = arith.constant 0 : i32
      %dma_wait3A_123 = arith.constant 0 : i32
      %dma_wait3A_124 = tpu.memref_slice %arg3[%dma_wait3A_122, %dma_wait3A_123] : memref<6336x128xi32, #tpu.memory_space<hbm>> -> memref<48x128xi32, #tpu.memory_space<hbm>>
      tpu.wait_dma2 semaphore(%arg18 : memref<!tpu.dma_semaphore, #tpu.memory_space<semaphore_mem>>) src(%dma_wait3A_124 : memref<48x128xi32, #tpu.memory_space<hbm>>) dst(%dma_wait3A_121 : memref<48x128xi32, #tpu.memory_space<vmem>>)
      %dma_wait3A_125 = arith.constant 48 : i32
      %dma_wait3A_126 = arith.constant 0 : i32
      %dma_wait3A_127 = tpu.memref_slice %arg10[%dma_wait3A_125, %dma_wait3A_126] : memref<96x128xf32, #tpu.memory_space<vmem>> -> memref<48x128xf32, #tpu.memory_space<vmem>>
      %dma_wait3A_128 = arith.constant 0 : i32
      %dma_wait3A_129 = arith.constant 0 : i32
      %dma_wait3A_130 = tpu.memref_slice %arg4[%dma_wait3A_128, %dma_wait3A_129] : memref<6336x128xf32, #tpu.memory_space<hbm>> -> memref<48x128xf32, #tpu.memory_space<hbm>>
      %dma_wait3A_131 = arith.constant 48 : i32
      %dma_wait3A_132 = arith.constant 0 : i32
      %dma_wait3A_133 = tpu.memref_slice %arg10[%dma_wait3A_131, %dma_wait3A_132] : memref<96x128xf32, #tpu.memory_space<vmem>> -> memref<48x128xf32, #tpu.memory_space<vmem>>
      %dma_wait3A_134 = arith.constant 0 : i32
      %dma_wait3A_135 = arith.constant 0 : i32
      %dma_wait3A_136 = tpu.memref_slice %arg4[%dma_wait3A_134, %dma_wait3A_135] : memref<6336x128xf32, #tpu.memory_space<hbm>> -> memref<48x128xf32, #tpu.memory_space<hbm>>
      tpu.wait_dma2 semaphore(%arg18 : memref<!tpu.dma_semaphore, #tpu.memory_space<semaphore_mem>>) src(%dma_wait3A_136 : memref<48x128xf32, #tpu.memory_space<hbm>>) dst(%dma_wait3A_133 : memref<48x128xf32, #tpu.memory_space<vmem>>)
      %parallel_loop3A_137 = arith.constant 0 : i32
      %parallel_loop3A_138 = arith.constant 384 : i32
      %parallel_loop3A_139 = arith.constant 1 : i32
      scf.for %parallel_loop3A_141 = %parallel_loop3A_137 to %parallel_loop3A_138 step %parallel_loop3A_139  : i32 {
        %parallel_loop3A_142 = arith.constant 3 : i32
        %parallel_loop3A_143 = arith.shrsi %parallel_loop3A_141, %parallel_loop3A_142 : i32
        %parallel_loop3A_144 = arith.constant 48 : i32
        %parallel_loop3A_145 = arith.addi %parallel_loop3A_144, %parallel_loop3A_143 : i32
        %parallel_loop3A_146 = arith.constant 7 : i32
        %parallel_loop3A_147 = arith.andi %parallel_loop3A_141, %parallel_loop3A_146 : i32
        %parallel_loop3A_148 = arith.constant 16 : i32
        %parallel_loop3A_149 = arith.muli %parallel_loop3A_147, %parallel_loop3A_148 : i32
        %parallel_loop3A_150 = arith.index_cast %parallel_loop3A_145 : i32 to index
        %parallel_loop3A_151 = arith.index_cast %parallel_loop3A_149 : i32 to index
        %parallel_loop3A_152 = tpu.vector_load %arg9[%parallel_loop3A_150, %parallel_loop3A_151] {strides = array<i32>} : memref<96x128xi32, #tpu.memory_space<vmem>>, vector<16xi32>,
        %parallel_loop3A_153 = arith.index_cast %parallel_loop3A_145 : i32 to index
        %parallel_loop3A_154 = arith.index_cast %parallel_loop3A_149 : i32 to index
        %parallel_loop3A_155 = tpu.vector_load %arg10[%parallel_loop3A_153, %parallel_loop3A_154] {strides = array<i32>} : memref<96x128xf32, #tpu.memory_space<vmem>>, vector<16xf32>,
        %parallel_loop3A_156 = arith.constant 65535 : i32
        %parallel_loop3A_157 = vector.broadcast %parallel_loop3A_156 : i32 to vector<16xi32>
        %parallel_loop3A_158 = arith.andi %parallel_loop3A_152, %parallel_loop3A_157 : vector<16xi32>
        %parallel_loop3A_159 = arith.constant 16 : i32
        %parallel_loop3A_160 = vector.broadcast %parallel_loop3A_159 : i32 to vector<16xi32>
        %parallel_loop3A_161 = arith.shrui %parallel_loop3A_152, %parallel_loop3A_160 : vector<16xi32>
        %parallel_loop3A_162 = tpu.vector_load_idx %arg11[%parallel_loop3A_158] : memref<50048xf32, #tpu.memory_space<vmem>>[vector<16xi32>], vector<16xf32>,
        %parallel_loop3A_163 = arith.mulf %parallel_loop3A_155, %get3A_38 : vector<16xf32>
        %parallel_loop3A_164 = arith.addf %parallel_loop3A_162, %parallel_loop3A_163 : vector<16xf32>
        %parallel_loop3A_165 = arith.addf %parallel_loop3A_164, %get3A_40 : vector<16xf32>
        %parallel_loop3A_166 = arith.constant 0.000000e+00 : f32
        %parallel_loop3A_167 = vector.broadcast %parallel_loop3A_166 : f32 to vector<16xf32>
        %parallel_loop3A_168 = arith.maximumf %parallel_loop3A_165, %parallel_loop3A_167 : vector<16xf32>
        tpu.vector_store_idx %arg12[%parallel_loop3A_161], %parallel_loop3A_168 {add = true} : memref<50048xf32, #tpu.memory_space<vmem>>[vector<16xi32>], vector<16xf32>,
      } {sc.loop_unroll_factor = 2 : i64, sc.parallel_access}
      %while3A_140 = arith.constant 0 : i32
      scf.yield %while3A_140 : i32
    }
    %while3A_61 = arith.constant 1 : i32
    %while3A_62 = scf.for %while3A_63 = %while3A_58 to %while3A_54 step %while3A_61 iter_args(%while3A_64 = %while3A_60) -> (i32)  : i32 {
      %mul3A_65 = arith.constant 2 : i32
      %mul3A_66 = arith.muli %while3A_63, %mul3A_65 : i32
      %add3A_67 = arith.constant 0 : i32
      %add3A_68 = arith.addi %mul3A_66, %add3A_67 : i32
      %add3A_69 = arith.constant 1 : i32
      %add3A_70 = arith.addi %add3A_68, %add3A_69 : i32
      %lt3A_71 = arith.constant 44 : i32
      %lt3A_72 = arith.cmpi slt, %add3A_70, %lt3A_71 : i32
      %convert_element_type3A_73 = arith.extui %lt3A_72 : i1 to i32
      %cond3A_74 = arith.constant 0 : i32
      %cond3A_75 = arith.cmpi ne, %convert_element_type3A_73, %cond3A_74 : i32
      scf.if %cond3A_75 {
        %add3A_141 = arith.constant 1 : i32
        %add3A_142 = arith.addi %add3A_68, %add3A_141 : i32
        %add3A_143 = arith.addi %mul3A_19, %add3A_142 : i32
        %mul3A_144 = arith.constant 48 : i32
        %mul3A_145 = arith.muli %add3A_143, %mul3A_144 : i32
        %dma_start3A_146 = arith.constant 48 : i32
        %dma_start3A_147 = arith.constant 0 : i32
        %dma_start3A_148 = tpu.memref_slice %arg9[%dma_start3A_146, %dma_start3A_147] : memref<96x128xi32, #tpu.memory_space<vmem>> -> memref<48x128xi32, #tpu.memory_space<vmem>>
        %dma_start3A_149 = arith.constant 0 : i32
        %dma_start3A_150 = tpu.memref_slice %arg3[%mul3A_145, %dma_start3A_149] : memref<6336x128xi32, #tpu.memory_space<hbm>> -> memref<48x128xi32, #tpu.memory_space<hbm>>
        %dma_start3A_151 = arith.constant 48 : i32
        %dma_start3A_152 = arith.constant 0 : i32
        %dma_start3A_153 = tpu.memref_slice %arg9[%dma_start3A_151, %dma_start3A_152] : memref<96x128xi32, #tpu.memory_space<vmem>> -> memref<48x128xi32, #tpu.memory_space<vmem>>
        %dma_start3A_154 = arith.constant 0 : i32
        %dma_start3A_155 = tpu.memref_slice %arg3[%mul3A_145, %dma_start3A_154] : memref<6336x128xi32, #tpu.memory_space<hbm>> -> memref<48x128xi32, #tpu.memory_space<hbm>>
        tpu.enqueue_dma source(%dma_start3A_155 : memref<48x128xi32, #tpu.memory_space<hbm>>) target(%dma_start3A_153 : memref<48x128xi32, #tpu.memory_space<vmem>>) target_semaphore(%arg18 : memref<!tpu.dma_semaphore, #tpu.memory_space<semaphore_mem>>)
        %dma_start3A_156 = arith.constant 48 : i32
        %dma_start3A_157 = arith.constant 0 : i32
        %dma_start3A_158 = tpu.memref_slice %arg10[%dma_start3A_156, %dma_start3A_157] : memref<96x128xf32, #tpu.memory_space<vmem>> -> memref<48x128xf32, #tpu.memory_space<vmem>>
        %dma_start3A_159 = arith.constant 0 : i32
        %dma_start3A_160 = tpu.memref_slice %arg4[%mul3A_145, %dma_start3A_159] : memref<6336x128xf32, #tpu.memory_space<hbm>> -> memref<48x128xf32, #tpu.memory_space<hbm>>
        %dma_start3A_161 = arith.constant 48 : i32
        %dma_start3A_162 = arith.constant 0 : i32
        %dma_start3A_163 = tpu.memref_slice %arg10[%dma_start3A_161, %dma_start3A_162] : memref<96x128xf32, #tpu.memory_space<vmem>> -> memref<48x128xf32, #tpu.memory_space<vmem>>
        %dma_start3A_164 = arith.constant 0 : i32
        %dma_start3A_165 = tpu.memref_slice %arg4[%mul3A_145, %dma_start3A_164] : memref<6336x128xf32, #tpu.memory_space<hbm>> -> memref<48x128xf32, #tpu.memory_space<hbm>>
        tpu.enqueue_dma source(%dma_start3A_165 : memref<48x128xf32, #tpu.memory_space<hbm>>) target(%dma_start3A_163 : memref<48x128xf32, #tpu.memory_space<vmem>>) target_semaphore(%arg18 : memref<!tpu.dma_semaphore, #tpu.memory_space<semaphore_mem>>)
      } else {
      }
      %dma_wait3A_76 = arith.constant 0 : i32
      %dma_wait3A_77 = arith.constant 0 : i32
      %dma_wait3A_78 = tpu.memref_slice %arg9[%dma_wait3A_76, %dma_wait3A_77] : memref<96x128xi32, #tpu.memory_space<vmem>> -> memref<48x128xi32, #tpu.memory_space<vmem>>
      %dma_wait3A_79 = arith.constant 0 : i32
      %dma_wait3A_80 = arith.constant 0 : i32
      %dma_wait3A_81 = tpu.memref_slice %arg3[%dma_wait3A_79, %dma_wait3A_80] : memref<6336x128xi32, #tpu.memory_space<hbm>> -> memref<48x128xi32, #tpu.memory_space<hbm>>
      %dma_wait3A_82 = arith.constant 0 : i32
      %dma_wait3A_83 = arith.constant 0 : i32
      %dma_wait3A_84 = tpu.memref_slice %arg9[%dma_wait3A_82, %dma_wait3A_83] : memref<96x128xi32, #tpu.memory_space<vmem>> -> memref<48x128xi32, #tpu.memory_space<vmem>>
      %dma_wait3A_85 = arith.constant 0 : i32
      %dma_wait3A_86 = arith.constant 0 : i32
      %dma_wait3A_87 = tpu.memref_slice %arg3[%dma_wait3A_85, %dma_wait3A_86] : memref<6336x128xi32, #tpu.memory_space<hbm>> -> memref<48x128xi32, #tpu.memory_space<hbm>>
      tpu.wait_dma2 semaphore(%arg17 : memref<!tpu.dma_semaphore, #tpu.memory_space<semaphore_mem>>) src(%dma_wait3A_87 : memref<48x128xi32, #tpu.memory_space<hbm>>) dst(%dma_wait3A_84 : memref<48x128xi32, #tpu.memory_space<vmem>>)
      %dma_wait3A_88 = arith.constant 0 : i32
      %dma_wait3A_89 = arith.constant 0 : i32
      %dma_wait3A_90 = tpu.memref_slice %arg10[%dma_wait3A_88, %dma_wait3A_89] : memref<96x128xf32, #tpu.memory_space<vmem>> -> memref<48x128xf32, #tpu.memory_space<vmem>>
      %dma_wait3A_91 = arith.constant 0 : i32
      %dma_wait3A_92 = arith.constant 0 : i32
      %dma_wait3A_93 = tpu.memref_slice %arg4[%dma_wait3A_91, %dma_wait3A_92] : memref<6336x128xf32, #tpu.memory_space<hbm>> -> memref<48x128xf32, #tpu.memory_space<hbm>>
      %dma_wait3A_94 = arith.constant 0 : i32
      %dma_wait3A_95 = arith.constant 0 : i32
      %dma_wait3A_96 = tpu.memref_slice %arg10[%dma_wait3A_94, %dma_wait3A_95] : memref<96x128xf32, #tpu.memory_space<vmem>> -> memref<48x128xf32, #tpu.memory_space<vmem>>
      %dma_wait3A_97 = arith.constant 0 : i32
      %dma_wait3A_98 = arith.constant 0 : i32
      %dma_wait3A_99 = tpu.memref_slice %arg4[%dma_wait3A_97, %dma_wait3A_98] : memref<6336x128xf32, #tpu.memory_space<hbm>> -> memref<48x128xf32, #tpu.memory_space<hbm>>
      tpu.wait_dma2 semaphore(%arg17 : memref<!tpu.dma_semaphore, #tpu.memory_space<semaphore_mem>>) src(%dma_wait3A_99 : memref<48x128xf32, #tpu.memory_space<hbm>>) dst(%dma_wait3A_96 : memref<48x128xf32, #tpu.memory_space<vmem>>)
      %parallel_loop3A = arith.constant 0 : i32
      %parallel_loop3A_100 = arith.constant 384 : i32
      %parallel_loop3A_101 = arith.constant 1 : i32
      scf.for %parallel_loop3A_141 = %parallel_loop3A to %parallel_loop3A_100 step %parallel_loop3A_101  : i32 {
        %parallel_loop3A_142 = arith.constant 3 : i32
        %parallel_loop3A_143 = arith.shrsi %parallel_loop3A_141, %parallel_loop3A_142 : i32
        %parallel_loop3A_144 = arith.constant 0 : i32
        %parallel_loop3A_145 = arith.addi %parallel_loop3A_144, %parallel_loop3A_143 : i32
        %parallel_loop3A_146 = arith.constant 7 : i32
        %parallel_loop3A_147 = arith.andi %parallel_loop3A_141, %parallel_loop3A_146 : i32
        %parallel_loop3A_148 = arith.constant 16 : i32
        %parallel_loop3A_149 = arith.muli %parallel_loop3A_147, %parallel_loop3A_148 : i32
        %parallel_loop3A_150 = arith.index_cast %parallel_loop3A_145 : i32 to index
        %parallel_loop3A_151 = arith.index_cast %parallel_loop3A_149 : i32 to index
        %parallel_loop3A_152 = tpu.vector_load %arg9[%parallel_loop3A_150, %parallel_loop3A_151] {strides = array<i32>} : memref<96x128xi32, #tpu.memory_space<vmem>>, vector<16xi32>,
        %parallel_loop3A_153 = arith.index_cast %parallel_loop3A_145 : i32 to index
        %parallel_loop3A_154 = arith.index_cast %parallel_loop3A_149 : i32 to index
        %parallel_loop3A_155 = tpu.vector_load %arg10[%parallel_loop3A_153, %parallel_loop3A_154] {strides = array<i32>} : memref<96x128xf32, #tpu.memory_space<vmem>>, vector<16xf32>,
        %parallel_loop3A_156 = arith.constant 65535 : i32
        %parallel_loop3A_157 = vector.broadcast %parallel_loop3A_156 : i32 to vector<16xi32>
        %parallel_loop3A_158 = arith.andi %parallel_loop3A_152, %parallel_loop3A_157 : vector<16xi32>
        %parallel_loop3A_159 = arith.constant 16 : i32
        %parallel_loop3A_160 = vector.broadcast %parallel_loop3A_159 : i32 to vector<16xi32>
        %parallel_loop3A_161 = arith.shrui %parallel_loop3A_152, %parallel_loop3A_160 : vector<16xi32>
        %parallel_loop3A_162 = tpu.vector_load_idx %arg11[%parallel_loop3A_158] : memref<50048xf32, #tpu.memory_space<vmem>>[vector<16xi32>], vector<16xf32>,
        %parallel_loop3A_163 = arith.mulf %parallel_loop3A_155, %get3A_38 : vector<16xf32>
        %parallel_loop3A_164 = arith.addf %parallel_loop3A_162, %parallel_loop3A_163 : vector<16xf32>
        %parallel_loop3A_165 = arith.addf %parallel_loop3A_164, %get3A_40 : vector<16xf32>
        %parallel_loop3A_166 = arith.constant 0.000000e+00 : f32
        %parallel_loop3A_167 = vector.broadcast %parallel_loop3A_166 : f32 to vector<16xf32>
        %parallel_loop3A_168 = arith.maximumf %parallel_loop3A_165, %parallel_loop3A_167 : vector<16xf32>
        tpu.vector_store_idx %arg12[%parallel_loop3A_161], %parallel_loop3A_168 {add = true} : memref<50048xf32, #tpu.memory_space<vmem>>[vector<16xi32>], vector<16xf32>,
      } {sc.loop_unroll_factor = 2 : i64, sc.parallel_access}
      %mul3A_102 = arith.constant 2 : i32
      %mul3A_103 = arith.muli %while3A_63, %mul3A_102 : i32
      %add3A_104 = arith.constant 1 : i32
      %add3A_105 = arith.addi %mul3A_103, %add3A_104 : i32
      %add3A_106 = arith.constant 1 : i32
      %add3A_107 = arith.addi %add3A_105, %add3A_106 : i32
      %lt3A_108 = arith.constant 44 : i32
      %lt3A_109 = arith.cmpi slt, %add3A_107, %lt3A_108 : i32
      %convert_element_type3A_110 = arith.extui %lt3A_109 : i1 to i32
      %cond3A_111 = arith.constant 0 : i32
      %cond3A_112 = arith.cmpi ne, %convert_element_type3A_110, %cond3A_111 : i32
      scf.if %cond3A_112 {
        %add3A_141 = arith.constant 1 : i32
        %add3A_142 = arith.addi %add3A_105, %add3A_141 : i32
        %add3A_143 = arith.addi %mul3A_19, %add3A_142 : i32
        %mul3A_144 = arith.constant 48 : i32
        %mul3A_145 = arith.muli %add3A_143, %mul3A_144 : i32
        %dma_start3A_146 = arith.constant 0 : i32
        %dma_start3A_147 = arith.constant 0 : i32
        %dma_start3A_148 = tpu.memref_slice %arg9[%dma_start3A_146, %dma_start3A_147] : memref<96x128xi32, #tpu.memory_space<vmem>> -> memref<48x128xi32, #tpu.memory_space<vmem>>
        %dma_start3A_149 = arith.constant 0 : i32
        %dma_start3A_150 = tpu.memref_slice %arg3[%mul3A_145, %dma_start3A_149] : memref<6336x128xi32, #tpu.memory_space<hbm>> -> memref<48x128xi32, #tpu.memory_space<hbm>>
        %dma_start3A_151 = arith.constant 0 : i32
        %dma_start3A_152 = arith.constant 0 : i32
        %dma_start3A_153 = tpu.memref_slice %arg9[%dma_start3A_151, %dma_start3A_152] : memref<96x128xi32, #tpu.memory_space<vmem>> -> memref<48x128xi32, #tpu.memory_space<vmem>>
        %dma_start3A_154 = arith.constant 0 : i32
        %dma_start3A_155 = tpu.memref_slice %arg3[%mul3A_145, %dma_start3A_154] : memref<6336x128xi32, #tpu.memory_space<hbm>> -> memref<48x128xi32, #tpu.memory_space<hbm>>
        tpu.enqueue_dma source(%dma_start3A_155 : memref<48x128xi32, #tpu.memory_space<hbm>>) target(%dma_start3A_153 : memref<48x128xi32, #tpu.memory_space<vmem>>) target_semaphore(%arg17 : memref<!tpu.dma_semaphore, #tpu.memory_space<semaphore_mem>>)
        %dma_start3A_156 = arith.constant 0 : i32
        %dma_start3A_157 = arith.constant 0 : i32
        %dma_start3A_158 = tpu.memref_slice %arg10[%dma_start3A_156, %dma_start3A_157] : memref<96x128xf32, #tpu.memory_space<vmem>> -> memref<48x128xf32, #tpu.memory_space<vmem>>
        %dma_start3A_159 = arith.constant 0 : i32
        %dma_start3A_160 = tpu.memref_slice %arg4[%mul3A_145, %dma_start3A_159] : memref<6336x128xf32, #tpu.memory_space<hbm>> -> memref<48x128xf32, #tpu.memory_space<hbm>>
        %dma_start3A_161 = arith.constant 0 : i32
        %dma_start3A_162 = arith.constant 0 : i32
        %dma_start3A_163 = tpu.memref_slice %arg10[%dma_start3A_161, %dma_start3A_162] : memref<96x128xf32, #tpu.memory_space<vmem>> -> memref<48x128xf32, #tpu.memory_space<vmem>>
        %dma_start3A_164 = arith.constant 0 : i32
        %dma_start3A_165 = tpu.memref_slice %arg4[%mul3A_145, %dma_start3A_164] : memref<6336x128xf32, #tpu.memory_space<hbm>> -> memref<48x128xf32, #tpu.memory_space<hbm>>
        tpu.enqueue_dma source(%dma_start3A_165 : memref<48x128xf32, #tpu.memory_space<hbm>>) target(%dma_start3A_163 : memref<48x128xf32, #tpu.memory_space<vmem>>) target_semaphore(%arg17 : memref<!tpu.dma_semaphore, #tpu.memory_space<semaphore_mem>>)
      } else {
      }
      %dma_wait3A_113 = arith.constant 48 : i32
      %dma_wait3A_114 = arith.constant 0 : i32
      %dma_wait3A_115 = tpu.memref_slice %arg9[%dma_wait3A_113, %dma_wait3A_114] : memref<96x128xi32, #tpu.memory_space<vmem>> -> memref<48x128xi32, #tpu.memory_space<vmem>>
      %dma_wait3A_116 = arith.constant 0 : i32
      %dma_wait3A_117 = arith.constant 0 : i32
      %dma_wait3A_118 = tpu.memref_slice %arg3[%dma_wait3A_116, %dma_wait3A_117] : memref<6336x128xi32, #tpu.memory_space<hbm>> -> memref<48x128xi32, #tpu.memory_space<hbm>>
      %dma_wait3A_119 = arith.constant 48 : i32
      %dma_wait3A_120 = arith.constant 0 : i32
      %dma_wait3A_121 = tpu.memref_slice %arg9[%dma_wait3A_119, %dma_wait3A_120] : memref<96x128xi32, #tpu.memory_space<vmem>> -> memref<48x128xi32, #tpu.memory_space<vmem>>
      %dma_wait3A_122 = arith.constant 0 : i32
      %dma_wait3A_123 = arith.constant 0 : i32
      %dma_wait3A_124 = tpu.memref_slice %arg3[%dma_wait3A_122, %dma_wait3A_123] : memref<6336x128xi32, #tpu.memory_space<hbm>> -> memref<48x128xi32, #tpu.memory_space<hbm>>
      tpu.wait_dma2 semaphore(%arg18 : memref<!tpu.dma_semaphore, #tpu.memory_space<semaphore_mem>>) src(%dma_wait3A_124 : memref<48x128xi32, #tpu.memory_space<hbm>>) dst(%dma_wait3A_121 : memref<48x128xi32, #tpu.memory_space<vmem>>)
      %dma_wait3A_125 = arith.constant 48 : i32
      %dma_wait3A_126 = arith.constant 0 : i32
      %dma_wait3A_127 = tpu.memref_slice %arg10[%dma_wait3A_125, %dma_wait3A_126] : memref<96x128xf32, #tpu.memory_space<vmem>> -> memref<48x128xf32, #tpu.memory_space<vmem>>
      %dma_wait3A_128 = arith.constant 0 : i32
      %dma_wait3A_129 = arith.constant 0 : i32
      %dma_wait3A_130 = tpu.memref_slice %arg4[%dma_wait3A_128, %dma_wait3A_129] : memref<6336x128xf32, #tpu.memory_space<hbm>> -> memref<48x128xf32, #tpu.memory_space<hbm>>
      %dma_wait3A_131 = arith.constant 48 : i32
      %dma_wait3A_132 = arith.constant 0 : i32
      %dma_wait3A_133 = tpu.memref_slice %arg10[%dma_wait3A_131, %dma_wait3A_132] : memref<96x128xf32, #tpu.memory_space<vmem>> -> memref<48x128xf32, #tpu.memory_space<vmem>>
      %dma_wait3A_134 = arith.constant 0 : i32
      %dma_wait3A_135 = arith.constant 0 : i32
      %dma_wait3A_136 = tpu.memref_slice %arg4[%dma_wait3A_134, %dma_wait3A_135] : memref<6336x128xf32, #tpu.memory_space<hbm>> -> memref<48x128xf32, #tpu.memory_space<hbm>>
      tpu.wait_dma2 semaphore(%arg18 : memref<!tpu.dma_semaphore, #tpu.memory_space<semaphore_mem>>) src(%dma_wait3A_136 : memref<48x128xf32, #tpu.memory_space<hbm>>) dst(%dma_wait3A_133 : memref<48x128xf32, #tpu.memory_space<vmem>>)
      %parallel_loop3A_137 = arith.constant 0 : i32
      %parallel_loop3A_138 = arith.constant 384 : i32
      %parallel_loop3A_139 = arith.constant 1 : i32
      scf.for %parallel_loop3A_141 = %parallel_loop3A_137 to %parallel_loop3A_138 step %parallel_loop3A_139  : i32 {
        %parallel_loop3A_142 = arith.constant 3 : i32
        %parallel_loop3A_143 = arith.shrsi %parallel_loop3A_141, %parallel_loop3A_142 : i32
        %parallel_loop3A_144 = arith.constant 48 : i32
        %parallel_loop3A_145 = arith.addi %parallel_loop3A_144, %parallel_loop3A_143 : i32
        %parallel_loop3A_146 = arith.constant 7 : i32
        %parallel_loop3A_147 = arith.andi %parallel_loop3A_141, %parallel_loop3A_146 : i32
        %parallel_loop3A_148 = arith.constant 16 : i32
        %parallel_loop3A_149 = arith.muli %parallel_loop3A_147, %parallel_loop3A_148 : i32
        %parallel_loop3A_150 = arith.index_cast %parallel_loop3A_145 : i32 to index
        %parallel_loop3A_151 = arith.index_cast %parallel_loop3A_149 : i32 to index
        %parallel_loop3A_152 = tpu.vector_load %arg9[%parallel_loop3A_150, %parallel_loop3A_151] {strides = array<i32>} : memref<96x128xi32, #tpu.memory_space<vmem>>, vector<16xi32>,
        %parallel_loop3A_153 = arith.index_cast %parallel_loop3A_145 : i32 to index
        %parallel_loop3A_154 = arith.index_cast %parallel_loop3A_149 : i32 to index
        %parallel_loop3A_155 = tpu.vector_load %arg10[%parallel_loop3A_153, %parallel_loop3A_154] {strides = array<i32>} : memref<96x128xf32, #tpu.memory_space<vmem>>, vector<16xf32>,
        %parallel_loop3A_156 = arith.constant 65535 : i32
        %parallel_loop3A_157 = vector.broadcast %parallel_loop3A_156 : i32 to vector<16xi32>
        %parallel_loop3A_158 = arith.andi %parallel_loop3A_152, %parallel_loop3A_157 : vector<16xi32>
        %parallel_loop3A_159 = arith.constant 16 : i32
        %parallel_loop3A_160 = vector.broadcast %parallel_loop3A_159 : i32 to vector<16xi32>
        %parallel_loop3A_161 = arith.shrui %parallel_loop3A_152, %parallel_loop3A_160 : vector<16xi32>
        %parallel_loop3A_162 = tpu.vector_load_idx %arg11[%parallel_loop3A_158] : memref<50048xf32, #tpu.memory_space<vmem>>[vector<16xi32>], vector<16xf32>,
        %parallel_loop3A_163 = arith.mulf %parallel_loop3A_155, %get3A_38 : vector<16xf32>
        %parallel_loop3A_164 = arith.addf %parallel_loop3A_162, %parallel_loop3A_163 : vector<16xf32>
        %parallel_loop3A_165 = arith.addf %parallel_loop3A_164, %get3A_40 : vector<16xf32>
        %parallel_loop3A_166 = arith.constant 0.000000e+00 : f32
        %parallel_loop3A_167 = vector.broadcast %parallel_loop3A_166 : f32 to vector<16xf32>
        %parallel_loop3A_168 = arith.maximumf %parallel_loop3A_165, %parallel_loop3A_167 : vector<16xf32>
        tpu.vector_store_idx %arg12[%parallel_loop3A_161], %parallel_loop3A_168 {add = true} : memref<50048xf32, #tpu.memory_space<vmem>>[vector<16xi32>], vector<16xf32>,
      } {sc.loop_unroll_factor = 2 : i64, sc.parallel_access}
      %while3A_140 = arith.constant 0 : i32
      scf.yield %while3A_140 : i32
    }
    "tpu.region"() ({
      %run_scoped3A = tpu.sem_alloc : memref<!tpu.dma_semaphore, #tpu.memory_space<semaphore_mem>>
      %dma_start3A_63 = arith.constant 0 : i32
      %dma_start3A_64 = tpu.memref_slice %arg8[%add3A, %dma_start3A_63] : memref<32x50048xf32, #tpu.memory_space<hbm>> -> memref<1x50048xf32, #tpu.memory_space<hbm>>
      %dma_start3A_65 = tpu.memref_squeeze %dma_start3A_64 : memref<1x50048xf32, #tpu.memory_space<hbm>> -> memref<50048xf32, #tpu.memory_space<hbm>>
      %dma_start3A_66 = arith.constant 0 : i32
      %dma_start3A_67 = tpu.memref_slice %arg8[%add3A, %dma_start3A_66] : memref<32x50048xf32, #tpu.memory_space<hbm>> -> memref<1x50048xf32, #tpu.memory_space<hbm>>
      %dma_start3A_68 = tpu.memref_squeeze %dma_start3A_67 : memref<1x50048xf32, #tpu.memory_space<hbm>> -> memref<50048xf32, #tpu.memory_space<hbm>>
      tpu.enqueue_dma source(%arg12 : memref<50048xf32, #tpu.memory_space<vmem>>) target(%dma_start3A_68 : memref<50048xf32, #tpu.memory_space<hbm>>) target_semaphore(%run_scoped3A : memref<!tpu.dma_semaphore, #tpu.memory_space<semaphore_mem>>)
      %dma_wait3A_69 = arith.constant 0 : i32
      %dma_wait3A_70 = tpu.memref_slice %arg8[%add3A, %dma_wait3A_69] : memref<32x50048xf32, #tpu.memory_space<hbm>> -> memref<1x50048xf32, #tpu.memory_space<hbm>>
      %dma_wait3A_71 = tpu.memref_squeeze %dma_wait3A_70 : memref<1x50048xf32, #tpu.memory_space<hbm>> -> memref<50048xf32, #tpu.memory_space<hbm>>
      %dma_wait3A_72 = arith.constant 0 : i32
      %dma_wait3A_73 = tpu.memref_slice %arg8[%add3A, %dma_wait3A_72] : memref<32x50048xf32, #tpu.memory_space<hbm>> -> memref<1x50048xf32, #tpu.memory_space<hbm>>
      %dma_wait3A_74 = tpu.memref_squeeze %dma_wait3A_73 : memref<1x50048xf32, #tpu.memory_space<hbm>> -> memref<50048xf32, #tpu.memory_space<hbm>>
      tpu.wait_dma2 semaphore(%run_scoped3A : memref<!tpu.dma_semaphore, #tpu.memory_space<semaphore_mem>>) src(%arg12 : memref<50048xf32, #tpu.memory_space<vmem>>) dst(%dma_wait3A_74 : memref<50048xf32, #tpu.memory_space<hbm>>)
      tpu.yield
    }) : () -> ()
    return
  }
}

#map = affine_map<(d0, d1) -> (0, 0)>
#map1 = affine_map<(d0, d1) -> (0)>
module attributes {stable_mosaic.version = 14 : i64} {
  func.func @body(%arg0: i32, %arg1: i32, %arg2: memref<64x50048xf32, #tpu.memory_space<hbm>>, %arg3: memref<6336x128xi32, #tpu.memory_space<hbm>>, %arg4: memref<6336x128xf32, #tpu.memory_space<hbm>>, %arg5: memref<64x16xf32, #tpu.memory_space<hbm>>, %arg6: memref<64x16xf32, #tpu.memory_space<hbm>>, %arg7: memref<50048xf32, #tpu.memory_space<hbm>>, %arg8: memref<64x50048xf32, #tpu.memory_space<hbm>>, %arg9: memref<96x128xi32, #tpu.memory_space<vmem>>, %arg10: memref<96x128xf32, #tpu.memory_space<vmem>>, %arg11: memref<50048xf32, #tpu.memory_space<vmem>>, %arg12: memref<50048xf32, #tpu.memory_space<vmem>>, %arg13: memref<16xf32, #tpu.memory_space<vmem>>, %arg14: memref<16xf32, #tpu.memory_space<vmem>>, %arg15: memref<!tpu.dma_semaphore, #tpu.memory_space<semaphore_mem>>, %arg16: memref<!tpu.dma_semaphore, #tpu.memory_space<semaphore_mem>>, %arg17: memref<!tpu.dma_semaphore, #tpu.memory_space<semaphore_mem>>, %arg18: memref<!tpu.dma_semaphore, #tpu.memory_space<semaphore_mem>>) attributes {dimension_semantics = [#tpu.dimension_semantics<core_parallel>, #tpu.dimension_semantics<subcore_parallel>], iteration_bounds = array<i64: 2, 16>, scalar_prefetch = 0 : i64, scratch_operands = 10 : i64, tpu.core_type = #tpu.core_type<sc_vector_subcore>, window_params = [{transform_indices = #map}, {transform_indices = #map}, {transform_indices = #map}, {transform_indices = #map}, {transform_indices = #map}, {transform_indices = #map1}, {transform_indices = #map}]} {
    %mul3A = arith.constant 16 : i32
    %mul3A_0 = arith.muli %arg0, %mul3A : i32
    %add3A = arith.addi %mul3A_0, %arg1 : i32
    %ge3A = arith.constant 0 : i32
    %ge3A_1 = arith.cmpi sge, %add3A, %ge3A : i32
    %add3A_2 = arith.constant 0 : i32
    %add3A_3 = arith.addi %add3A_2, %add3A : i32
    "tpu.region"() ({
      %run_scoped3A = tpu.sem_alloc : memref<!tpu.dma_semaphore, #tpu.memory_space<semaphore_mem>>
      %dma_start3A_52 = arith.constant 0 : i32
      %dma_start3A_53 = tpu.memref_slice %arg5[%add3A_3, %dma_start3A_52] : memref<64x16xf32, #tpu.memory_space<hbm>> -> memref<1x16xf32, #tpu.memory_space<hbm>>
      %dma_start3A_54 = tpu.memref_squeeze %dma_start3A_53 : memref<1x16xf32, #tpu.memory_space<hbm>> -> memref<16xf32, #tpu.memory_space<hbm>>
      %dma_start3A_55 = arith.constant 0 : i32
      %dma_start3A_56 = tpu.memref_slice %arg5[%add3A_3, %dma_start3A_55] : memref<64x16xf32, #tpu.memory_space<hbm>> -> memref<1x16xf32, #tpu.memory_space<hbm>>
      %dma_start3A_57 = tpu.memref_squeeze %dma_start3A_56 : memref<1x16xf32, #tpu.memory_space<hbm>> -> memref<16xf32, #tpu.memory_space<hbm>>
      tpu.enqueue_dma source(%dma_start3A_57 : memref<16xf32, #tpu.memory_space<hbm>>) target(%arg13 : memref<16xf32, #tpu.memory_space<vmem>>) target_semaphore(%run_scoped3A : memref<!tpu.dma_semaphore, #tpu.memory_space<semaphore_mem>>)
      %dma_wait3A_58 = arith.constant 0 : i32
      %dma_wait3A_59 = tpu.memref_slice %arg5[%add3A_3, %dma_wait3A_58] : memref<64x16xf32, #tpu.memory_space<hbm>> -> memref<1x16xf32, #tpu.memory_space<hbm>>
      %dma_wait3A_60 = tpu.memref_squeeze %dma_wait3A_59 : memref<1x16xf32, #tpu.memory_space<hbm>> -> memref<16xf32, #tpu.memory_space<hbm>>
      %dma_wait3A_61 = arith.constant 0 : i32
      %dma_wait3A_62 = tpu.memref_slice %arg5[%add3A_3, %dma_wait3A_61] : memref<64x16xf32, #tpu.memory_space<hbm>> -> memref<1x16xf32, #tpu.memory_space<hbm>>
      %dma_wait3A_63 = tpu.memref_squeeze %dma_wait3A_62 : memref<1x16xf32, #tpu.memory_space<hbm>> -> memref<16xf32, #tpu.memory_space<hbm>>
      tpu.wait_dma2 semaphore(%run_scoped3A : memref<!tpu.dma_semaphore, #tpu.memory_space<semaphore_mem>>) src(%dma_wait3A_63 : memref<16xf32, #tpu.memory_space<hbm>>) dst(%arg13 : memref<16xf32, #tpu.memory_space<vmem>>)
      tpu.yield
    }) : () -> ()
    "tpu.region"() ({
      %run_scoped3A = tpu.sem_alloc : memref<!tpu.dma_semaphore, #tpu.memory_space<semaphore_mem>>
      %dma_start3A_52 = arith.constant 0 : i32
      %dma_start3A_53 = tpu.memref_slice %arg6[%add3A_3, %dma_start3A_52] : memref<64x16xf32, #tpu.memory_space<hbm>> -> memref<1x16xf32, #tpu.memory_space<hbm>>
      %dma_start3A_54 = tpu.memref_squeeze %dma_start3A_53 : memref<1x16xf32, #tpu.memory_space<hbm>> -> memref<16xf32, #tpu.memory_space<hbm>>
      %dma_start3A_55 = arith.constant 0 : i32
      %dma_start3A_56 = tpu.memref_slice %arg6[%add3A_3, %dma_start3A_55] : memref<64x16xf32, #tpu.memory_space<hbm>> -> memref<1x16xf32, #tpu.memory_space<hbm>>
      %dma_start3A_57 = tpu.memref_squeeze %dma_start3A_56 : memref<1x16xf32, #tpu.memory_space<hbm>> -> memref<16xf32, #tpu.memory_space<hbm>>
      tpu.enqueue_dma source(%dma_start3A_57 : memref<16xf32, #tpu.memory_space<hbm>>) target(%arg14 : memref<16xf32, #tpu.memory_space<vmem>>) target_semaphore(%run_scoped3A : memref<!tpu.dma_semaphore, #tpu.memory_space<semaphore_mem>>)
      %dma_wait3A_58 = arith.constant 0 : i32
      %dma_wait3A_59 = tpu.memref_slice %arg6[%add3A_3, %dma_wait3A_58] : memref<64x16xf32, #tpu.memory_space<hbm>> -> memref<1x16xf32, #tpu.memory_space<hbm>>
      %dma_wait3A_60 = tpu.memref_squeeze %dma_wait3A_59 : memref<1x16xf32, #tpu.memory_space<hbm>> -> memref<16xf32, #tpu.memory_space<hbm>>
      %dma_wait3A_61 = arith.constant 0 : i32
      %dma_wait3A_62 = tpu.memref_slice %arg6[%add3A_3, %dma_wait3A_61] : memref<64x16xf32, #tpu.memory_space<hbm>> -> memref<1x16xf32, #tpu.memory_space<hbm>>
      %dma_wait3A_63 = tpu.memref_squeeze %dma_wait3A_62 : memref<1x16xf32, #tpu.memory_space<hbm>> -> memref<16xf32, #tpu.memory_space<hbm>>
      tpu.wait_dma2 semaphore(%run_scoped3A : memref<!tpu.dma_semaphore, #tpu.memory_space<semaphore_mem>>) src(%dma_wait3A_63 : memref<16xf32, #tpu.memory_space<hbm>>) dst(%arg14 : memref<16xf32, #tpu.memory_space<vmem>>)
      tpu.yield
    }) : () -> ()
    %get3A = arith.constant 0 : index
    %get3A_4 = tpu.vector_load %arg13[%get3A] {strides = array<i32>} : memref<16xf32, #tpu.memory_space<vmem>>, vector<16xf32>,
    %get3A_5 = arith.constant 0 : index
    %get3A_6 = tpu.vector_load %arg14[%get3A_5] {strides = array<i32>} : memref<16xf32, #tpu.memory_space<vmem>>, vector<16xf32>,
    %dma_start3A = arith.constant 0 : i32
    %dma_start3A_7 = tpu.memref_slice %arg2[%add3A_3, %dma_start3A] : memref<64x50048xf32, #tpu.memory_space<hbm>> -> memref<1x50048xf32, #tpu.memory_space<hbm>>
    %dma_start3A_8 = tpu.memref_squeeze %dma_start3A_7 : memref<1x50048xf32, #tpu.memory_space<hbm>> -> memref<50048xf32, #tpu.memory_space<hbm>>
    %dma_start3A_9 = arith.constant 0 : i32
    %dma_start3A_10 = tpu.memref_slice %arg2[%add3A_3, %dma_start3A_9] : memref<64x50048xf32, #tpu.memory_space<hbm>> -> memref<1x50048xf32, #tpu.memory_space<hbm>>
    %dma_start3A_11 = tpu.memref_squeeze %dma_start3A_10 : memref<1x50048xf32, #tpu.memory_space<hbm>> -> memref<50048xf32, #tpu.memory_space<hbm>>
    tpu.enqueue_dma source(%dma_start3A_11 : memref<50048xf32, #tpu.memory_space<hbm>>) target(%arg11 : memref<50048xf32, #tpu.memory_space<vmem>>) target_semaphore(%arg15 : memref<!tpu.dma_semaphore, #tpu.memory_space<semaphore_mem>>)
    tpu.enqueue_dma source(%arg7 : memref<50048xf32, #tpu.memory_space<hbm>>) target(%arg12 : memref<50048xf32, #tpu.memory_space<vmem>>) target_semaphore(%arg16 : memref<!tpu.dma_semaphore, #tpu.memory_space<semaphore_mem>>)
    %convert_element_type3A = arith.extui %ge3A_1 : i1 to i32
    %cond3A = arith.constant 0 : i32
    %cond3A_12 = arith.cmpi ne, %convert_element_type3A, %cond3A : i32
    scf.if %cond3A_12 {
      %dma_start3A_52 = arith.constant 0 : i32
      %dma_start3A_53 = arith.constant 0 : i32
      %dma_start3A_54 = tpu.memref_slice %arg9[%dma_start3A_52, %dma_start3A_53] : memref<96x128xi32, #tpu.memory_space<vmem>> -> memref<48x128xi32, #tpu.memory_space<vmem>>
      %dma_start3A_55 = arith.constant 0 : i32
      %dma_start3A_56 = arith.constant 0 : i32
      %dma_start3A_57 = tpu.memref_slice %arg3[%dma_start3A_55, %dma_start3A_56] : memref<6336x128xi32, #tpu.memory_space<hbm>> -> memref<48x128xi32, #tpu.memory_space<hbm>>
      %dma_start3A_58 = arith.constant 0 : i32
      %dma_start3A_59 = arith.constant 0 : i32
      %dma_start3A_60 = tpu.memref_slice %arg9[%dma_start3A_58, %dma_start3A_59] : memref<96x128xi32, #tpu.memory_space<vmem>> -> memref<48x128xi32, #tpu.memory_space<vmem>>
      %dma_start3A_61 = arith.constant 0 : i32
      %dma_start3A_62 = arith.constant 0 : i32
      %dma_start3A_63 = tpu.memref_slice %arg3[%dma_start3A_61, %dma_start3A_62] : memref<6336x128xi32, #tpu.memory_space<hbm>> -> memref<48x128xi32, #tpu.memory_space<hbm>>
      tpu.enqueue_dma source(%dma_start3A_63 : memref<48x128xi32, #tpu.memory_space<hbm>>) target(%dma_start3A_60 : memref<48x128xi32, #tpu.memory_space<vmem>>) target_semaphore(%arg17 : memref<!tpu.dma_semaphore, #tpu.memory_space<semaphore_mem>>)
      %dma_start3A_64 = arith.constant 0 : i32
      %dma_start3A_65 = arith.constant 0 : i32
      %dma_start3A_66 = tpu.memref_slice %arg10[%dma_start3A_64, %dma_start3A_65] : memref<96x128xf32, #tpu.memory_space<vmem>> -> memref<48x128xf32, #tpu.memory_space<vmem>>
      %dma_start3A_67 = arith.constant 0 : i32
      %dma_start3A_68 = arith.constant 0 : i32
      %dma_start3A_69 = tpu.memref_slice %arg4[%dma_start3A_67, %dma_start3A_68] : memref<6336x128xf32, #tpu.memory_space<hbm>> -> memref<48x128xf32, #tpu.memory_space<hbm>>
      %dma_start3A_70 = arith.constant 0 : i32
      %dma_start3A_71 = arith.constant 0 : i32
      %dma_start3A_72 = tpu.memref_slice %arg10[%dma_start3A_70, %dma_start3A_71] : memref<96x128xf32, #tpu.memory_space<vmem>> -> memref<48x128xf32, #tpu.memory_space<vmem>>
      %dma_start3A_73 = arith.constant 0 : i32
      %dma_start3A_74 = arith.constant 0 : i32
      %dma_start3A_75 = tpu.memref_slice %arg4[%dma_start3A_73, %dma_start3A_74] : memref<6336x128xf32, #tpu.memory_space<hbm>> -> memref<48x128xf32, #tpu.memory_space<hbm>>
      tpu.enqueue_dma source(%dma_start3A_75 : memref<48x128xf32, #tpu.memory_space<hbm>>) target(%dma_start3A_72 : memref<48x128xf32, #tpu.memory_space<vmem>>) target_semaphore(%arg17 : memref<!tpu.dma_semaphore, #tpu.memory_space<semaphore_mem>>)
    } else {
    }
    %dma_wait3A = arith.constant 0 : i32
    %dma_wait3A_13 = tpu.memref_slice %arg2[%add3A_3, %dma_wait3A] : memref<64x50048xf32, #tpu.memory_space<hbm>> -> memref<1x50048xf32, #tpu.memory_space<hbm>>
    %dma_wait3A_14 = tpu.memref_squeeze %dma_wait3A_13 : memref<1x50048xf32, #tpu.memory_space<hbm>> -> memref<50048xf32, #tpu.memory_space<hbm>>
    %dma_wait3A_15 = arith.constant 0 : i32
    %dma_wait3A_16 = tpu.memref_slice %arg2[%add3A_3, %dma_wait3A_15] : memref<64x50048xf32, #tpu.memory_space<hbm>> -> memref<1x50048xf32, #tpu.memory_space<hbm>>
    %dma_wait3A_17 = tpu.memref_squeeze %dma_wait3A_16 : memref<1x50048xf32, #tpu.memory_space<hbm>> -> memref<50048xf32, #tpu.memory_space<hbm>>
    tpu.wait_dma2 semaphore(%arg15 : memref<!tpu.dma_semaphore, #tpu.memory_space<semaphore_mem>>) src(%dma_wait3A_17 : memref<50048xf32, #tpu.memory_space<hbm>>) dst(%arg11 : memref<50048xf32, #tpu.memory_space<vmem>>)
    tpu.wait_dma2 semaphore(%arg16 : memref<!tpu.dma_semaphore, #tpu.memory_space<semaphore_mem>>) src(%arg7 : memref<50048xf32, #tpu.memory_space<hbm>>) dst(%arg12 : memref<50048xf32, #tpu.memory_space<vmem>>)
    %scan3A = arith.constant 0 : i32
    %scan3A_18 = arith.constant 0 : i32
    %scan3A_19 = arith.constant 66 : i32
    %scan3A_20 = arith.addi %scan3A_18, %scan3A_19 : i32
    %scan3A_21 = arith.constant 1 : i32
    %scan3A_22 = scf.for %scan3A_52 = %scan3A_18 to %scan3A_20 step %scan3A_21 iter_args(%scan3A_53 = %scan3A) -> (i32)  : i32 {
      %mul3A_54 = arith.constant 2 : i32
      %mul3A_55 = arith.muli %scan3A_52, %mul3A_54 : i32
      %add3A_56 = arith.constant 0 : i32
      %add3A_57 = arith.addi %mul3A_55, %add3A_56 : i32
      %add3A_58 = arith.constant 1 : i32
      %add3A_59 = arith.addi %add3A_57, %add3A_58 : i32
      %lt3A = arith.constant 132 : i32
      %lt3A_60 = arith.cmpi slt, %add3A_59, %lt3A : i32
      %convert_element_type3A_61 = arith.extui %lt3A_60 : i1 to i32
      %cond3A_62 = arith.constant 0 : i32
      %cond3A_63 = arith.cmpi ne, %convert_element_type3A_61, %cond3A_62 : i32
      scf.if %cond3A_63 {
        %add3A_129 = arith.constant 1 : i32
        %add3A_130 = arith.addi %add3A_57, %add3A_129 : i32
        %add3A_131 = arith.constant 0 : i32
        %add3A_132 = arith.addi %add3A_131, %add3A_130 : i32
        %mul3A_133 = arith.constant 48 : i32
        %mul3A_134 = arith.muli %add3A_132, %mul3A_133 : i32
        %dma_start3A_135 = arith.constant 48 : i32
        %dma_start3A_136 = arith.constant 0 : i32
        %dma_start3A_137 = tpu.memref_slice %arg9[%dma_start3A_135, %dma_start3A_136] : memref<96x128xi32, #tpu.memory_space<vmem>> -> memref<48x128xi32, #tpu.memory_space<vmem>>
        %dma_start3A_138 = arith.constant 0 : i32
        %dma_start3A_139 = tpu.memref_slice %arg3[%mul3A_134, %dma_start3A_138] : memref<6336x128xi32, #tpu.memory_space<hbm>> -> memref<48x128xi32, #tpu.memory_space<hbm>>
        %dma_start3A_140 = arith.constant 48 : i32
        %dma_start3A_141 = arith.constant 0 : i32
        %dma_start3A_142 = tpu.memref_slice %arg9[%dma_start3A_140, %dma_start3A_141] : memref<96x128xi32, #tpu.memory_space<vmem>> -> memref<48x128xi32, #tpu.memory_space<vmem>>
        %dma_start3A_143 = arith.constant 0 : i32
        %dma_start3A_144 = tpu.memref_slice %arg3[%mul3A_134, %dma_start3A_143] : memref<6336x128xi32, #tpu.memory_space<hbm>> -> memref<48x128xi32, #tpu.memory_space<hbm>>
        tpu.enqueue_dma source(%dma_start3A_144 : memref<48x128xi32, #tpu.memory_space<hbm>>) target(%dma_start3A_142 : memref<48x128xi32, #tpu.memory_space<vmem>>) target_semaphore(%arg18 : memref<!tpu.dma_semaphore, #tpu.memory_space<semaphore_mem>>)
        %dma_start3A_145 = arith.constant 48 : i32
        %dma_start3A_146 = arith.constant 0 : i32
        %dma_start3A_147 = tpu.memref_slice %arg10[%dma_start3A_145, %dma_start3A_146] : memref<96x128xf32, #tpu.memory_space<vmem>> -> memref<48x128xf32, #tpu.memory_space<vmem>>
        %dma_start3A_148 = arith.constant 0 : i32
        %dma_start3A_149 = tpu.memref_slice %arg4[%mul3A_134, %dma_start3A_148] : memref<6336x128xf32, #tpu.memory_space<hbm>> -> memref<48x128xf32, #tpu.memory_space<hbm>>
        %dma_start3A_150 = arith.constant 48 : i32
        %dma_start3A_151 = arith.constant 0 : i32
        %dma_start3A_152 = tpu.memref_slice %arg10[%dma_start3A_150, %dma_start3A_151] : memref<96x128xf32, #tpu.memory_space<vmem>> -> memref<48x128xf32, #tpu.memory_space<vmem>>
        %dma_start3A_153 = arith.constant 0 : i32
        %dma_start3A_154 = tpu.memref_slice %arg4[%mul3A_134, %dma_start3A_153] : memref<6336x128xf32, #tpu.memory_space<hbm>> -> memref<48x128xf32, #tpu.memory_space<hbm>>
        tpu.enqueue_dma source(%dma_start3A_154 : memref<48x128xf32, #tpu.memory_space<hbm>>) target(%dma_start3A_152 : memref<48x128xf32, #tpu.memory_space<vmem>>) target_semaphore(%arg18 : memref<!tpu.dma_semaphore, #tpu.memory_space<semaphore_mem>>)
      } else {
      }
      %dma_wait3A_64 = arith.constant 0 : i32
      %dma_wait3A_65 = arith.constant 0 : i32
      %dma_wait3A_66 = tpu.memref_slice %arg9[%dma_wait3A_64, %dma_wait3A_65] : memref<96x128xi32, #tpu.memory_space<vmem>> -> memref<48x128xi32, #tpu.memory_space<vmem>>
      %dma_wait3A_67 = arith.constant 0 : i32
      %dma_wait3A_68 = arith.constant 0 : i32
      %dma_wait3A_69 = tpu.memref_slice %arg3[%dma_wait3A_67, %dma_wait3A_68] : memref<6336x128xi32, #tpu.memory_space<hbm>> -> memref<48x128xi32, #tpu.memory_space<hbm>>
      %dma_wait3A_70 = arith.constant 0 : i32
      %dma_wait3A_71 = arith.constant 0 : i32
      %dma_wait3A_72 = tpu.memref_slice %arg9[%dma_wait3A_70, %dma_wait3A_71] : memref<96x128xi32, #tpu.memory_space<vmem>> -> memref<48x128xi32, #tpu.memory_space<vmem>>
      %dma_wait3A_73 = arith.constant 0 : i32
      %dma_wait3A_74 = arith.constant 0 : i32
      %dma_wait3A_75 = tpu.memref_slice %arg3[%dma_wait3A_73, %dma_wait3A_74] : memref<6336x128xi32, #tpu.memory_space<hbm>> -> memref<48x128xi32, #tpu.memory_space<hbm>>
      tpu.wait_dma2 semaphore(%arg17 : memref<!tpu.dma_semaphore, #tpu.memory_space<semaphore_mem>>) src(%dma_wait3A_75 : memref<48x128xi32, #tpu.memory_space<hbm>>) dst(%dma_wait3A_72 : memref<48x128xi32, #tpu.memory_space<vmem>>)
      %dma_wait3A_76 = arith.constant 0 : i32
      %dma_wait3A_77 = arith.constant 0 : i32
      %dma_wait3A_78 = tpu.memref_slice %arg10[%dma_wait3A_76, %dma_wait3A_77] : memref<96x128xf32, #tpu.memory_space<vmem>> -> memref<48x128xf32, #tpu.memory_space<vmem>>
      %dma_wait3A_79 = arith.constant 0 : i32
      %dma_wait3A_80 = arith.constant 0 : i32
      %dma_wait3A_81 = tpu.memref_slice %arg4[%dma_wait3A_79, %dma_wait3A_80] : memref<6336x128xf32, #tpu.memory_space<hbm>> -> memref<48x128xf32, #tpu.memory_space<hbm>>
      %dma_wait3A_82 = arith.constant 0 : i32
      %dma_wait3A_83 = arith.constant 0 : i32
      %dma_wait3A_84 = tpu.memref_slice %arg10[%dma_wait3A_82, %dma_wait3A_83] : memref<96x128xf32, #tpu.memory_space<vmem>> -> memref<48x128xf32, #tpu.memory_space<vmem>>
      %dma_wait3A_85 = arith.constant 0 : i32
      %dma_wait3A_86 = arith.constant 0 : i32
      %dma_wait3A_87 = tpu.memref_slice %arg4[%dma_wait3A_85, %dma_wait3A_86] : memref<6336x128xf32, #tpu.memory_space<hbm>> -> memref<48x128xf32, #tpu.memory_space<hbm>>
      tpu.wait_dma2 semaphore(%arg17 : memref<!tpu.dma_semaphore, #tpu.memory_space<semaphore_mem>>) src(%dma_wait3A_87 : memref<48x128xf32, #tpu.memory_space<hbm>>) dst(%dma_wait3A_84 : memref<48x128xf32, #tpu.memory_space<vmem>>)
      %parallel_loop3A = arith.constant 0 : i32
      %parallel_loop3A_88 = arith.constant 384 : i32
      %parallel_loop3A_89 = arith.constant 1 : i32
      scf.for %parallel_loop3A_129 = %parallel_loop3A to %parallel_loop3A_88 step %parallel_loop3A_89  : i32 {
        %parallel_loop3A_130 = arith.constant 3 : i32
        %parallel_loop3A_131 = arith.shrsi %parallel_loop3A_129, %parallel_loop3A_130 : i32
        %parallel_loop3A_132 = arith.constant 0 : i32
        %parallel_loop3A_133 = arith.addi %parallel_loop3A_132, %parallel_loop3A_131 : i32
        %parallel_loop3A_134 = arith.constant 7 : i32
        %parallel_loop3A_135 = arith.andi %parallel_loop3A_129, %parallel_loop3A_134 : i32
        %parallel_loop3A_136 = arith.constant 16 : i32
        %parallel_loop3A_137 = arith.muli %parallel_loop3A_135, %parallel_loop3A_136 : i32
        %parallel_loop3A_138 = arith.index_cast %parallel_loop3A_133 : i32 to index
        %parallel_loop3A_139 = arith.index_cast %parallel_loop3A_137 : i32 to index
        %parallel_loop3A_140 = tpu.vector_load %arg9[%parallel_loop3A_138, %parallel_loop3A_139] {strides = array<i32>} : memref<96x128xi32, #tpu.memory_space<vmem>>, vector<16xi32>,
        %parallel_loop3A_141 = arith.index_cast %parallel_loop3A_133 : i32 to index
        %parallel_loop3A_142 = arith.index_cast %parallel_loop3A_137 : i32 to index
        %parallel_loop3A_143 = tpu.vector_load %arg10[%parallel_loop3A_141, %parallel_loop3A_142] {strides = array<i32>} : memref<96x128xf32, #tpu.memory_space<vmem>>, vector<16xf32>,
        %parallel_loop3A_144 = arith.constant 65535 : i32
        %parallel_loop3A_145 = vector.broadcast %parallel_loop3A_144 : i32 to vector<16xi32>
        %parallel_loop3A_146 = arith.andi %parallel_loop3A_140, %parallel_loop3A_145 : vector<16xi32>
        %parallel_loop3A_147 = arith.constant 16 : i32
        %parallel_loop3A_148 = vector.broadcast %parallel_loop3A_147 : i32 to vector<16xi32>
        %parallel_loop3A_149 = arith.shrui %parallel_loop3A_140, %parallel_loop3A_148 : vector<16xi32>
        %parallel_loop3A_150 = tpu.vector_load_idx %arg11[%parallel_loop3A_146] : memref<50048xf32, #tpu.memory_space<vmem>>[vector<16xi32>], vector<16xf32>,
        %parallel_loop3A_151 = arith.mulf %parallel_loop3A_143, %get3A_4 : vector<16xf32>
        %parallel_loop3A_152 = arith.addf %parallel_loop3A_150, %parallel_loop3A_151 : vector<16xf32>
        %parallel_loop3A_153 = arith.addf %parallel_loop3A_152, %get3A_6 : vector<16xf32>
        %parallel_loop3A_154 = arith.constant 0.000000e+00 : f32
        %parallel_loop3A_155 = vector.broadcast %parallel_loop3A_154 : f32 to vector<16xf32>
        %parallel_loop3A_156 = arith.maximumf %parallel_loop3A_153, %parallel_loop3A_155 : vector<16xf32>
        tpu.vector_store_idx %arg12[%parallel_loop3A_149], %parallel_loop3A_156 {add = true} : memref<50048xf32, #tpu.memory_space<vmem>>[vector<16xi32>], vector<16xf32>,
      } {sc.loop_unroll_factor = 2 : i64, sc.parallel_access}
      %mul3A_90 = arith.constant 2 : i32
      %mul3A_91 = arith.muli %scan3A_52, %mul3A_90 : i32
      %add3A_92 = arith.constant 1 : i32
      %add3A_93 = arith.addi %mul3A_91, %add3A_92 : i32
      %add3A_94 = arith.constant 1 : i32
      %add3A_95 = arith.addi %add3A_93, %add3A_94 : i32
      %lt3A_96 = arith.constant 132 : i32
      %lt3A_97 = arith.cmpi slt, %add3A_95, %lt3A_96 : i32
      %convert_element_type3A_98 = arith.extui %lt3A_97 : i1 to i32
      %cond3A_99 = arith.constant 0 : i32
      %cond3A_100 = arith.cmpi ne, %convert_element_type3A_98, %cond3A_99 : i32
      scf.if %cond3A_100 {
        %add3A_129 = arith.constant 1 : i32
        %add3A_130 = arith.addi %add3A_93, %add3A_129 : i32
        %add3A_131 = arith.constant 0 : i32
        %add3A_132 = arith.addi %add3A_131, %add3A_130 : i32
        %mul3A_133 = arith.constant 48 : i32
        %mul3A_134 = arith.muli %add3A_132, %mul3A_133 : i32
        %dma_start3A_135 = arith.constant 0 : i32
        %dma_start3A_136 = arith.constant 0 : i32
        %dma_start3A_137 = tpu.memref_slice %arg9[%dma_start3A_135, %dma_start3A_136] : memref<96x128xi32, #tpu.memory_space<vmem>> -> memref<48x128xi32, #tpu.memory_space<vmem>>
        %dma_start3A_138 = arith.constant 0 : i32
        %dma_start3A_139 = tpu.memref_slice %arg3[%mul3A_134, %dma_start3A_138] : memref<6336x128xi32, #tpu.memory_space<hbm>> -> memref<48x128xi32, #tpu.memory_space<hbm>>
        %dma_start3A_140 = arith.constant 0 : i32
        %dma_start3A_141 = arith.constant 0 : i32
        %dma_start3A_142 = tpu.memref_slice %arg9[%dma_start3A_140, %dma_start3A_141] : memref<96x128xi32, #tpu.memory_space<vmem>> -> memref<48x128xi32, #tpu.memory_space<vmem>>
        %dma_start3A_143 = arith.constant 0 : i32
        %dma_start3A_144 = tpu.memref_slice %arg3[%mul3A_134, %dma_start3A_143] : memref<6336x128xi32, #tpu.memory_space<hbm>> -> memref<48x128xi32, #tpu.memory_space<hbm>>
        tpu.enqueue_dma source(%dma_start3A_144 : memref<48x128xi32, #tpu.memory_space<hbm>>) target(%dma_start3A_142 : memref<48x128xi32, #tpu.memory_space<vmem>>) target_semaphore(%arg17 : memref<!tpu.dma_semaphore, #tpu.memory_space<semaphore_mem>>)
        %dma_start3A_145 = arith.constant 0 : i32
        %dma_start3A_146 = arith.constant 0 : i32
        %dma_start3A_147 = tpu.memref_slice %arg10[%dma_start3A_145, %dma_start3A_146] : memref<96x128xf32, #tpu.memory_space<vmem>> -> memref<48x128xf32, #tpu.memory_space<vmem>>
        %dma_start3A_148 = arith.constant 0 : i32
        %dma_start3A_149 = tpu.memref_slice %arg4[%mul3A_134, %dma_start3A_148] : memref<6336x128xf32, #tpu.memory_space<hbm>> -> memref<48x128xf32, #tpu.memory_space<hbm>>
        %dma_start3A_150 = arith.constant 0 : i32
        %dma_start3A_151 = arith.constant 0 : i32
        %dma_start3A_152 = tpu.memref_slice %arg10[%dma_start3A_150, %dma_start3A_151] : memref<96x128xf32, #tpu.memory_space<vmem>> -> memref<48x128xf32, #tpu.memory_space<vmem>>
        %dma_start3A_153 = arith.constant 0 : i32
        %dma_start3A_154 = tpu.memref_slice %arg4[%mul3A_134, %dma_start3A_153] : memref<6336x128xf32, #tpu.memory_space<hbm>> -> memref<48x128xf32, #tpu.memory_space<hbm>>
        tpu.enqueue_dma source(%dma_start3A_154 : memref<48x128xf32, #tpu.memory_space<hbm>>) target(%dma_start3A_152 : memref<48x128xf32, #tpu.memory_space<vmem>>) target_semaphore(%arg17 : memref<!tpu.dma_semaphore, #tpu.memory_space<semaphore_mem>>)
      } else {
      }
      %dma_wait3A_101 = arith.constant 48 : i32
      %dma_wait3A_102 = arith.constant 0 : i32
      %dma_wait3A_103 = tpu.memref_slice %arg9[%dma_wait3A_101, %dma_wait3A_102] : memref<96x128xi32, #tpu.memory_space<vmem>> -> memref<48x128xi32, #tpu.memory_space<vmem>>
      %dma_wait3A_104 = arith.constant 0 : i32
      %dma_wait3A_105 = arith.constant 0 : i32
      %dma_wait3A_106 = tpu.memref_slice %arg3[%dma_wait3A_104, %dma_wait3A_105] : memref<6336x128xi32, #tpu.memory_space<hbm>> -> memref<48x128xi32, #tpu.memory_space<hbm>>
      %dma_wait3A_107 = arith.constant 48 : i32
      %dma_wait3A_108 = arith.constant 0 : i32
      %dma_wait3A_109 = tpu.memref_slice %arg9[%dma_wait3A_107, %dma_wait3A_108] : memref<96x128xi32, #tpu.memory_space<vmem>> -> memref<48x128xi32, #tpu.memory_space<vmem>>
      %dma_wait3A_110 = arith.constant 0 : i32
      %dma_wait3A_111 = arith.constant 0 : i32
      %dma_wait3A_112 = tpu.memref_slice %arg3[%dma_wait3A_110, %dma_wait3A_111] : memref<6336x128xi32, #tpu.memory_space<hbm>> -> memref<48x128xi32, #tpu.memory_space<hbm>>
      tpu.wait_dma2 semaphore(%arg18 : memref<!tpu.dma_semaphore, #tpu.memory_space<semaphore_mem>>) src(%dma_wait3A_112 : memref<48x128xi32, #tpu.memory_space<hbm>>) dst(%dma_wait3A_109 : memref<48x128xi32, #tpu.memory_space<vmem>>)
      %dma_wait3A_113 = arith.constant 48 : i32
      %dma_wait3A_114 = arith.constant 0 : i32
      %dma_wait3A_115 = tpu.memref_slice %arg10[%dma_wait3A_113, %dma_wait3A_114] : memref<96x128xf32, #tpu.memory_space<vmem>> -> memref<48x128xf32, #tpu.memory_space<vmem>>
      %dma_wait3A_116 = arith.constant 0 : i32
      %dma_wait3A_117 = arith.constant 0 : i32
      %dma_wait3A_118 = tpu.memref_slice %arg4[%dma_wait3A_116, %dma_wait3A_117] : memref<6336x128xf32, #tpu.memory_space<hbm>> -> memref<48x128xf32, #tpu.memory_space<hbm>>
      %dma_wait3A_119 = arith.constant 48 : i32
      %dma_wait3A_120 = arith.constant 0 : i32
      %dma_wait3A_121 = tpu.memref_slice %arg10[%dma_wait3A_119, %dma_wait3A_120] : memref<96x128xf32, #tpu.memory_space<vmem>> -> memref<48x128xf32, #tpu.memory_space<vmem>>
      %dma_wait3A_122 = arith.constant 0 : i32
      %dma_wait3A_123 = arith.constant 0 : i32
      %dma_wait3A_124 = tpu.memref_slice %arg4[%dma_wait3A_122, %dma_wait3A_123] : memref<6336x128xf32, #tpu.memory_space<hbm>> -> memref<48x128xf32, #tpu.memory_space<hbm>>
      tpu.wait_dma2 semaphore(%arg18 : memref<!tpu.dma_semaphore, #tpu.memory_space<semaphore_mem>>) src(%dma_wait3A_124 : memref<48x128xf32, #tpu.memory_space<hbm>>) dst(%dma_wait3A_121 : memref<48x128xf32, #tpu.memory_space<vmem>>)
      %parallel_loop3A_125 = arith.constant 0 : i32
      %parallel_loop3A_126 = arith.constant 384 : i32
      %parallel_loop3A_127 = arith.constant 1 : i32
      scf.for %parallel_loop3A_129 = %parallel_loop3A_125 to %parallel_loop3A_126 step %parallel_loop3A_127  : i32 {
        %parallel_loop3A_130 = arith.constant 3 : i32
        %parallel_loop3A_131 = arith.shrsi %parallel_loop3A_129, %parallel_loop3A_130 : i32
        %parallel_loop3A_132 = arith.constant 48 : i32
        %parallel_loop3A_133 = arith.addi %parallel_loop3A_132, %parallel_loop3A_131 : i32
        %parallel_loop3A_134 = arith.constant 7 : i32
        %parallel_loop3A_135 = arith.andi %parallel_loop3A_129, %parallel_loop3A_134 : i32
        %parallel_loop3A_136 = arith.constant 16 : i32
        %parallel_loop3A_137 = arith.muli %parallel_loop3A_135, %parallel_loop3A_136 : i32
        %parallel_loop3A_138 = arith.index_cast %parallel_loop3A_133 : i32 to index
        %parallel_loop3A_139 = arith.index_cast %parallel_loop3A_137 : i32 to index
        %parallel_loop3A_140 = tpu.vector_load %arg9[%parallel_loop3A_138, %parallel_loop3A_139] {strides = array<i32>} : memref<96x128xi32, #tpu.memory_space<vmem>>, vector<16xi32>,
        %parallel_loop3A_141 = arith.index_cast %parallel_loop3A_133 : i32 to index
        %parallel_loop3A_142 = arith.index_cast %parallel_loop3A_137 : i32 to index
        %parallel_loop3A_143 = tpu.vector_load %arg10[%parallel_loop3A_141, %parallel_loop3A_142] {strides = array<i32>} : memref<96x128xf32, #tpu.memory_space<vmem>>, vector<16xf32>,
        %parallel_loop3A_144 = arith.constant 65535 : i32
        %parallel_loop3A_145 = vector.broadcast %parallel_loop3A_144 : i32 to vector<16xi32>
        %parallel_loop3A_146 = arith.andi %parallel_loop3A_140, %parallel_loop3A_145 : vector<16xi32>
        %parallel_loop3A_147 = arith.constant 16 : i32
        %parallel_loop3A_148 = vector.broadcast %parallel_loop3A_147 : i32 to vector<16xi32>
        %parallel_loop3A_149 = arith.shrui %parallel_loop3A_140, %parallel_loop3A_148 : vector<16xi32>
        %parallel_loop3A_150 = tpu.vector_load_idx %arg11[%parallel_loop3A_146] : memref<50048xf32, #tpu.memory_space<vmem>>[vector<16xi32>], vector<16xf32>,
        %parallel_loop3A_151 = arith.mulf %parallel_loop3A_143, %get3A_4 : vector<16xf32>
        %parallel_loop3A_152 = arith.addf %parallel_loop3A_150, %parallel_loop3A_151 : vector<16xf32>
        %parallel_loop3A_153 = arith.addf %parallel_loop3A_152, %get3A_6 : vector<16xf32>
        %parallel_loop3A_154 = arith.constant 0.000000e+00 : f32
        %parallel_loop3A_155 = vector.broadcast %parallel_loop3A_154 : f32 to vector<16xf32>
        %parallel_loop3A_156 = arith.maximumf %parallel_loop3A_153, %parallel_loop3A_155 : vector<16xf32>
        tpu.vector_store_idx %arg12[%parallel_loop3A_149], %parallel_loop3A_156 {add = true} : memref<50048xf32, #tpu.memory_space<vmem>>[vector<16xi32>], vector<16xf32>,
      } {sc.loop_unroll_factor = 2 : i64, sc.parallel_access}
      %scan3A_128 = arith.constant 0 : i32
      scf.yield %scan3A_128 : i32
    }
    %scan3A_23 = arith.constant 66 : i32
    "tpu.region"() ({
      %run_scoped3A = tpu.sem_alloc : memref<!tpu.dma_semaphore, #tpu.memory_space<semaphore_mem>>
      %dma_start3A_52 = arith.constant 0 : i32
      %dma_start3A_53 = tpu.memref_slice %arg8[%add3A_3, %dma_start3A_52] : memref<64x50048xf32, #tpu.memory_space<hbm>> -> memref<1x50048xf32, #tpu.memory_space<hbm>>
      %dma_start3A_54 = tpu.memref_squeeze %dma_start3A_53 : memref<1x50048xf32, #tpu.memory_space<hbm>> -> memref<50048xf32, #tpu.memory_space<hbm>>
      %dma_start3A_55 = arith.constant 0 : i32
      %dma_start3A_56 = tpu.memref_slice %arg8[%add3A_3, %dma_start3A_55] : memref<64x50048xf32, #tpu.memory_space<hbm>> -> memref<1x50048xf32, #tpu.memory_space<hbm>>
      %dma_start3A_57 = tpu.memref_squeeze %dma_start3A_56 : memref<1x50048xf32, #tpu.memory_space<hbm>> -> memref<50048xf32, #tpu.memory_space<hbm>>
      tpu.enqueue_dma source(%arg12 : memref<50048xf32, #tpu.memory_space<vmem>>) target(%dma_start3A_57 : memref<50048xf32, #tpu.memory_space<hbm>>) target_semaphore(%run_scoped3A : memref<!tpu.dma_semaphore, #tpu.memory_space<semaphore_mem>>)
      %dma_wait3A_58 = arith.constant 0 : i32
      %dma_wait3A_59 = tpu.memref_slice %arg8[%add3A_3, %dma_wait3A_58] : memref<64x50048xf32, #tpu.memory_space<hbm>> -> memref<1x50048xf32, #tpu.memory_space<hbm>>
      %dma_wait3A_60 = tpu.memref_squeeze %dma_wait3A_59 : memref<1x50048xf32, #tpu.memory_space<hbm>> -> memref<50048xf32, #tpu.memory_space<hbm>>
      %dma_wait3A_61 = arith.constant 0 : i32
      %dma_wait3A_62 = tpu.memref_slice %arg8[%add3A_3, %dma_wait3A_61] : memref<64x50048xf32, #tpu.memory_space<hbm>> -> memref<1x50048xf32, #tpu.memory_space<hbm>>
      %dma_wait3A_63 = tpu.memref_squeeze %dma_wait3A_62 : memref<1x50048xf32, #tpu.memory_space<hbm>> -> memref<50048xf32, #tpu.memory_space<hbm>>
      tpu.wait_dma2 semaphore(%run_scoped3A : memref<!tpu.dma_semaphore, #tpu.memory_space<semaphore_mem>>) src(%arg12 : memref<50048xf32, #tpu.memory_space<vmem>>) dst(%dma_wait3A_63 : memref<50048xf32, #tpu.memory_space<hbm>>)
      tpu.yield
    }) : () -> ()
    %add3A_24 = arith.constant 32 : i32
    %add3A_25 = arith.addi %add3A_24, %add3A : i32
    "tpu.region"() ({
      %run_scoped3A = tpu.sem_alloc : memref<!tpu.dma_semaphore, #tpu.memory_space<semaphore_mem>>
      %dma_start3A_52 = arith.constant 0 : i32
      %dma_start3A_53 = tpu.memref_slice %arg5[%add3A_25, %dma_start3A_52] : memref<64x16xf32, #tpu.memory_space<hbm>> -> memref<1x16xf32, #tpu.memory_space<hbm>>
      %dma_start3A_54 = tpu.memref_squeeze %dma_start3A_53 : memref<1x16xf32, #tpu.memory_space<hbm>> -> memref<16xf32, #tpu.memory_space<hbm>>
      %dma_start3A_55 = arith.constant 0 : i32
      %dma_start3A_56 = tpu.memref_slice %arg5[%add3A_25, %dma_start3A_55] : memref<64x16xf32, #tpu.memory_space<hbm>> -> memref<1x16xf32, #tpu.memory_space<hbm>>
      %dma_start3A_57 = tpu.memref_squeeze %dma_start3A_56 : memref<1x16xf32, #tpu.memory_space<hbm>> -> memref<16xf32, #tpu.memory_space<hbm>>
      tpu.enqueue_dma source(%dma_start3A_57 : memref<16xf32, #tpu.memory_space<hbm>>) target(%arg13 : memref<16xf32, #tpu.memory_space<vmem>>) target_semaphore(%run_scoped3A : memref<!tpu.dma_semaphore, #tpu.memory_space<semaphore_mem>>)
      %dma_wait3A_58 = arith.constant 0 : i32
      %dma_wait3A_59 = tpu.memref_slice %arg5[%add3A_25, %dma_wait3A_58] : memref<64x16xf32, #tpu.memory_space<hbm>> -> memref<1x16xf32, #tpu.memory_space<hbm>>
      %dma_wait3A_60 = tpu.memref_squeeze %dma_wait3A_59 : memref<1x16xf32, #tpu.memory_space<hbm>> -> memref<16xf32, #tpu.memory_space<hbm>>
      %dma_wait3A_61 = arith.constant 0 : i32
      %dma_wait3A_62 = tpu.memref_slice %arg5[%add3A_25, %dma_wait3A_61] : memref<64x16xf32, #tpu.memory_space<hbm>> -> memref<1x16xf32, #tpu.memory_space<hbm>>
      %dma_wait3A_63 = tpu.memref_squeeze %dma_wait3A_62 : memref<1x16xf32, #tpu.memory_space<hbm>> -> memref<16xf32, #tpu.memory_space<hbm>>
      tpu.wait_dma2 semaphore(%run_scoped3A : memref<!tpu.dma_semaphore, #tpu.memory_space<semaphore_mem>>) src(%dma_wait3A_63 : memref<16xf32, #tpu.memory_space<hbm>>) dst(%arg13 : memref<16xf32, #tpu.memory_space<vmem>>)
      tpu.yield
    }) : () -> ()
    "tpu.region"() ({
      %run_scoped3A = tpu.sem_alloc : memref<!tpu.dma_semaphore, #tpu.memory_space<semaphore_mem>>
      %dma_start3A_52 = arith.constant 0 : i32
      %dma_start3A_53 = tpu.memref_slice %arg6[%add3A_25, %dma_start3A_52] : memref<64x16xf32, #tpu.memory_space<hbm>> -> memref<1x16xf32, #tpu.memory_space<hbm>>
      %dma_start3A_54 = tpu.memref_squeeze %dma_start3A_53 : memref<1x16xf32, #tpu.memory_space<hbm>> -> memref<16xf32, #tpu.memory_space<hbm>>
      %dma_start3A_55 = arith.constant 0 : i32
      %dma_start3A_56 = tpu.memref_slice %arg6[%add3A_25, %dma_start3A_55] : memref<64x16xf32, #tpu.memory_space<hbm>> -> memref<1x16xf32, #tpu.memory_space<hbm>>
      %dma_start3A_57 = tpu.memref_squeeze %dma_start3A_56 : memref<1x16xf32, #tpu.memory_space<hbm>> -> memref<16xf32, #tpu.memory_space<hbm>>
      tpu.enqueue_dma source(%dma_start3A_57 : memref<16xf32, #tpu.memory_space<hbm>>) target(%arg14 : memref<16xf32, #tpu.memory_space<vmem>>) target_semaphore(%run_scoped3A : memref<!tpu.dma_semaphore, #tpu.memory_space<semaphore_mem>>)
      %dma_wait3A_58 = arith.constant 0 : i32
      %dma_wait3A_59 = tpu.memref_slice %arg6[%add3A_25, %dma_wait3A_58] : memref<64x16xf32, #tpu.memory_space<hbm>> -> memref<1x16xf32, #tpu.memory_space<hbm>>
      %dma_wait3A_60 = tpu.memref_squeeze %dma_wait3A_59 : memref<1x16xf32, #tpu.memory_space<hbm>> -> memref<16xf32, #tpu.memory_space<hbm>>
      %dma_wait3A_61 = arith.constant 0 : i32
      %dma_wait3A_62 = tpu.memref_slice %arg6[%add3A_25, %dma_wait3A_61] : memref<64x16xf32, #tpu.memory_space<hbm>> -> memref<1x16xf32, #tpu.memory_space<hbm>>
      %dma_wait3A_63 = tpu.memref_squeeze %dma_wait3A_62 : memref<1x16xf32, #tpu.memory_space<hbm>> -> memref<16xf32, #tpu.memory_space<hbm>>
      tpu.wait_dma2 semaphore(%run_scoped3A : memref<!tpu.dma_semaphore, #tpu.memory_space<semaphore_mem>>) src(%dma_wait3A_63 : memref<16xf32, #tpu.memory_space<hbm>>) dst(%arg14 : memref<16xf32, #tpu.memory_space<vmem>>)
      tpu.yield
    }) : () -> ()
    %get3A_26 = arith.constant 0 : index
    %get3A_27 = tpu.vector_load %arg13[%get3A_26] {strides = array<i32>} : memref<16xf32, #tpu.memory_space<vmem>>, vector<16xf32>,
    %get3A_28 = arith.constant 0 : index
    %get3A_29 = tpu.vector_load %arg14[%get3A_28] {strides = array<i32>} : memref<16xf32, #tpu.memory_space<vmem>>, vector<16xf32>,
    %dma_start3A_30 = arith.constant 0 : i32
    %dma_start3A_31 = tpu.memref_slice %arg2[%add3A_25, %dma_start3A_30] : memref<64x50048xf32, #tpu.memory_space<hbm>> -> memref<1x50048xf32, #tpu.memory_space<hbm>>
    %dma_start3A_32 = tpu.memref_squeeze %dma_start3A_31 : memref<1x50048xf32, #tpu.memory_space<hbm>> -> memref<50048xf32, #tpu.memory_space<hbm>>
    %dma_start3A_33 = arith.constant 0 : i32
    %dma_start3A_34 = tpu.memref_slice %arg2[%add3A_25, %dma_start3A_33] : memref<64x50048xf32, #tpu.memory_space<hbm>> -> memref<1x50048xf32, #tpu.memory_space<hbm>>
    %dma_start3A_35 = tpu.memref_squeeze %dma_start3A_34 : memref<1x50048xf32, #tpu.memory_space<hbm>> -> memref<50048xf32, #tpu.memory_space<hbm>>
    tpu.enqueue_dma source(%dma_start3A_35 : memref<50048xf32, #tpu.memory_space<hbm>>) target(%arg11 : memref<50048xf32, #tpu.memory_space<vmem>>) target_semaphore(%arg15 : memref<!tpu.dma_semaphore, #tpu.memory_space<semaphore_mem>>)
    tpu.enqueue_dma source(%arg7 : memref<50048xf32, #tpu.memory_space<hbm>>) target(%arg12 : memref<50048xf32, #tpu.memory_space<vmem>>) target_semaphore(%arg16 : memref<!tpu.dma_semaphore, #tpu.memory_space<semaphore_mem>>)
    %convert_element_type3A_36 = arith.extui %ge3A_1 : i1 to i32
    %cond3A_37 = arith.constant 0 : i32
    %cond3A_38 = arith.cmpi ne, %convert_element_type3A_36, %cond3A_37 : i32
    scf.if %cond3A_38 {
      %dma_start3A_52 = arith.constant 0 : i32
      %dma_start3A_53 = arith.constant 0 : i32
      %dma_start3A_54 = tpu.memref_slice %arg9[%dma_start3A_52, %dma_start3A_53] : memref<96x128xi32, #tpu.memory_space<vmem>> -> memref<48x128xi32, #tpu.memory_space<vmem>>
      %dma_start3A_55 = arith.constant 0 : i32
      %dma_start3A_56 = arith.constant 0 : i32
      %dma_start3A_57 = tpu.memref_slice %arg3[%dma_start3A_55, %dma_start3A_56] : memref<6336x128xi32, #tpu.memory_space<hbm>> -> memref<48x128xi32, #tpu.memory_space<hbm>>
      %dma_start3A_58 = arith.constant 0 : i32
      %dma_start3A_59 = arith.constant 0 : i32
      %dma_start3A_60 = tpu.memref_slice %arg9[%dma_start3A_58, %dma_start3A_59] : memref<96x128xi32, #tpu.memory_space<vmem>> -> memref<48x128xi32, #tpu.memory_space<vmem>>
      %dma_start3A_61 = arith.constant 0 : i32
      %dma_start3A_62 = arith.constant 0 : i32
      %dma_start3A_63 = tpu.memref_slice %arg3[%dma_start3A_61, %dma_start3A_62] : memref<6336x128xi32, #tpu.memory_space<hbm>> -> memref<48x128xi32, #tpu.memory_space<hbm>>
      tpu.enqueue_dma source(%dma_start3A_63 : memref<48x128xi32, #tpu.memory_space<hbm>>) target(%dma_start3A_60 : memref<48x128xi32, #tpu.memory_space<vmem>>) target_semaphore(%arg17 : memref<!tpu.dma_semaphore, #tpu.memory_space<semaphore_mem>>)
      %dma_start3A_64 = arith.constant 0 : i32
      %dma_start3A_65 = arith.constant 0 : i32
      %dma_start3A_66 = tpu.memref_slice %arg10[%dma_start3A_64, %dma_start3A_65] : memref<96x128xf32, #tpu.memory_space<vmem>> -> memref<48x128xf32, #tpu.memory_space<vmem>>
      %dma_start3A_67 = arith.constant 0 : i32
      %dma_start3A_68 = arith.constant 0 : i32
      %dma_start3A_69 = tpu.memref_slice %arg4[%dma_start3A_67, %dma_start3A_68] : memref<6336x128xf32, #tpu.memory_space<hbm>> -> memref<48x128xf32, #tpu.memory_space<hbm>>
      %dma_start3A_70 = arith.constant 0 : i32
      %dma_start3A_71 = arith.constant 0 : i32
      %dma_start3A_72 = tpu.memref_slice %arg10[%dma_start3A_70, %dma_start3A_71] : memref<96x128xf32, #tpu.memory_space<vmem>> -> memref<48x128xf32, #tpu.memory_space<vmem>>
      %dma_start3A_73 = arith.constant 0 : i32
      %dma_start3A_74 = arith.constant 0 : i32
      %dma_start3A_75 = tpu.memref_slice %arg4[%dma_start3A_73, %dma_start3A_74] : memref<6336x128xf32, #tpu.memory_space<hbm>> -> memref<48x128xf32, #tpu.memory_space<hbm>>
      tpu.enqueue_dma source(%dma_start3A_75 : memref<48x128xf32, #tpu.memory_space<hbm>>) target(%dma_start3A_72 : memref<48x128xf32, #tpu.memory_space<vmem>>) target_semaphore(%arg17 : memref<!tpu.dma_semaphore, #tpu.memory_space<semaphore_mem>>)
    } else {
    }
    %dma_wait3A_39 = arith.constant 0 : i32
    %dma_wait3A_40 = tpu.memref_slice %arg2[%add3A_25, %dma_wait3A_39] : memref<64x50048xf32, #tpu.memory_space<hbm>> -> memref<1x50048xf32, #tpu.memory_space<hbm>>
    %dma_wait3A_41 = tpu.memref_squeeze %dma_wait3A_40 : memref<1x50048xf32, #tpu.memory_space<hbm>> -> memref<50048xf32, #tpu.memory_space<hbm>>
    %dma_wait3A_42 = arith.constant 0 : i32
    %dma_wait3A_43 = tpu.memref_slice %arg2[%add3A_25, %dma_wait3A_42] : memref<64x50048xf32, #tpu.memory_space<hbm>> -> memref<1x50048xf32, #tpu.memory_space<hbm>>
    %dma_wait3A_44 = tpu.memref_squeeze %dma_wait3A_43 : memref<1x50048xf32, #tpu.memory_space<hbm>> -> memref<50048xf32, #tpu.memory_space<hbm>>
    tpu.wait_dma2 semaphore(%arg15 : memref<!tpu.dma_semaphore, #tpu.memory_space<semaphore_mem>>) src(%dma_wait3A_44 : memref<50048xf32, #tpu.memory_space<hbm>>) dst(%arg11 : memref<50048xf32, #tpu.memory_space<vmem>>)
    tpu.wait_dma2 semaphore(%arg16 : memref<!tpu.dma_semaphore, #tpu.memory_space<semaphore_mem>>) src(%arg7 : memref<50048xf32, #tpu.memory_space<hbm>>) dst(%arg12 : memref<50048xf32, #tpu.memory_space<vmem>>)
    %scan3A_45 = arith.constant 0 : i32
    %scan3A_46 = arith.constant 0 : i32
    %scan3A_47 = arith.constant 66 : i32
    %scan3A_48 = arith.addi %scan3A_46, %scan3A_47 : i32
    %scan3A_49 = arith.constant 1 : i32
    %scan3A_50 = scf.for %scan3A_52 = %scan3A_46 to %scan3A_48 step %scan3A_49 iter_args(%scan3A_53 = %scan3A_45) -> (i32)  : i32 {
      %mul3A_54 = arith.constant 2 : i32
      %mul3A_55 = arith.muli %scan3A_52, %mul3A_54 : i32
      %add3A_56 = arith.constant 0 : i32
      %add3A_57 = arith.addi %mul3A_55, %add3A_56 : i32
      %add3A_58 = arith.constant 1 : i32
      %add3A_59 = arith.addi %add3A_57, %add3A_58 : i32
      %lt3A = arith.constant 132 : i32
      %lt3A_60 = arith.cmpi slt, %add3A_59, %lt3A : i32
      %convert_element_type3A_61 = arith.extui %lt3A_60 : i1 to i32
      %cond3A_62 = arith.constant 0 : i32
      %cond3A_63 = arith.cmpi ne, %convert_element_type3A_61, %cond3A_62 : i32
      scf.if %cond3A_63 {
        %add3A_129 = arith.constant 1 : i32
        %add3A_130 = arith.addi %add3A_57, %add3A_129 : i32
        %add3A_131 = arith.constant 0 : i32
        %add3A_132 = arith.addi %add3A_131, %add3A_130 : i32
        %mul3A_133 = arith.constant 48 : i32
        %mul3A_134 = arith.muli %add3A_132, %mul3A_133 : i32
        %dma_start3A_135 = arith.constant 48 : i32
        %dma_start3A_136 = arith.constant 0 : i32
        %dma_start3A_137 = tpu.memref_slice %arg9[%dma_start3A_135, %dma_start3A_136] : memref<96x128xi32, #tpu.memory_space<vmem>> -> memref<48x128xi32, #tpu.memory_space<vmem>>
        %dma_start3A_138 = arith.constant 0 : i32
        %dma_start3A_139 = tpu.memref_slice %arg3[%mul3A_134, %dma_start3A_138] : memref<6336x128xi32, #tpu.memory_space<hbm>> -> memref<48x128xi32, #tpu.memory_space<hbm>>
        %dma_start3A_140 = arith.constant 48 : i32
        %dma_start3A_141 = arith.constant 0 : i32
        %dma_start3A_142 = tpu.memref_slice %arg9[%dma_start3A_140, %dma_start3A_141] : memref<96x128xi32, #tpu.memory_space<vmem>> -> memref<48x128xi32, #tpu.memory_space<vmem>>
        %dma_start3A_143 = arith.constant 0 : i32
        %dma_start3A_144 = tpu.memref_slice %arg3[%mul3A_134, %dma_start3A_143] : memref<6336x128xi32, #tpu.memory_space<hbm>> -> memref<48x128xi32, #tpu.memory_space<hbm>>
        tpu.enqueue_dma source(%dma_start3A_144 : memref<48x128xi32, #tpu.memory_space<hbm>>) target(%dma_start3A_142 : memref<48x128xi32, #tpu.memory_space<vmem>>) target_semaphore(%arg18 : memref<!tpu.dma_semaphore, #tpu.memory_space<semaphore_mem>>)
        %dma_start3A_145 = arith.constant 48 : i32
        %dma_start3A_146 = arith.constant 0 : i32
        %dma_start3A_147 = tpu.memref_slice %arg10[%dma_start3A_145, %dma_start3A_146] : memref<96x128xf32, #tpu.memory_space<vmem>> -> memref<48x128xf32, #tpu.memory_space<vmem>>
        %dma_start3A_148 = arith.constant 0 : i32
        %dma_start3A_149 = tpu.memref_slice %arg4[%mul3A_134, %dma_start3A_148] : memref<6336x128xf32, #tpu.memory_space<hbm>> -> memref<48x128xf32, #tpu.memory_space<hbm>>
        %dma_start3A_150 = arith.constant 48 : i32
        %dma_start3A_151 = arith.constant 0 : i32
        %dma_start3A_152 = tpu.memref_slice %arg10[%dma_start3A_150, %dma_start3A_151] : memref<96x128xf32, #tpu.memory_space<vmem>> -> memref<48x128xf32, #tpu.memory_space<vmem>>
        %dma_start3A_153 = arith.constant 0 : i32
        %dma_start3A_154 = tpu.memref_slice %arg4[%mul3A_134, %dma_start3A_153] : memref<6336x128xf32, #tpu.memory_space<hbm>> -> memref<48x128xf32, #tpu.memory_space<hbm>>
        tpu.enqueue_dma source(%dma_start3A_154 : memref<48x128xf32, #tpu.memory_space<hbm>>) target(%dma_start3A_152 : memref<48x128xf32, #tpu.memory_space<vmem>>) target_semaphore(%arg18 : memref<!tpu.dma_semaphore, #tpu.memory_space<semaphore_mem>>)
      } else {
      }
      %dma_wait3A_64 = arith.constant 0 : i32
      %dma_wait3A_65 = arith.constant 0 : i32
      %dma_wait3A_66 = tpu.memref_slice %arg9[%dma_wait3A_64, %dma_wait3A_65] : memref<96x128xi32, #tpu.memory_space<vmem>> -> memref<48x128xi32, #tpu.memory_space<vmem>>
      %dma_wait3A_67 = arith.constant 0 : i32
      %dma_wait3A_68 = arith.constant 0 : i32
      %dma_wait3A_69 = tpu.memref_slice %arg3[%dma_wait3A_67, %dma_wait3A_68] : memref<6336x128xi32, #tpu.memory_space<hbm>> -> memref<48x128xi32, #tpu.memory_space<hbm>>
      %dma_wait3A_70 = arith.constant 0 : i32
      %dma_wait3A_71 = arith.constant 0 : i32
      %dma_wait3A_72 = tpu.memref_slice %arg9[%dma_wait3A_70, %dma_wait3A_71] : memref<96x128xi32, #tpu.memory_space<vmem>> -> memref<48x128xi32, #tpu.memory_space<vmem>>
      %dma_wait3A_73 = arith.constant 0 : i32
      %dma_wait3A_74 = arith.constant 0 : i32
      %dma_wait3A_75 = tpu.memref_slice %arg3[%dma_wait3A_73, %dma_wait3A_74] : memref<6336x128xi32, #tpu.memory_space<hbm>> -> memref<48x128xi32, #tpu.memory_space<hbm>>
      tpu.wait_dma2 semaphore(%arg17 : memref<!tpu.dma_semaphore, #tpu.memory_space<semaphore_mem>>) src(%dma_wait3A_75 : memref<48x128xi32, #tpu.memory_space<hbm>>) dst(%dma_wait3A_72 : memref<48x128xi32, #tpu.memory_space<vmem>>)
      %dma_wait3A_76 = arith.constant 0 : i32
      %dma_wait3A_77 = arith.constant 0 : i32
      %dma_wait3A_78 = tpu.memref_slice %arg10[%dma_wait3A_76, %dma_wait3A_77] : memref<96x128xf32, #tpu.memory_space<vmem>> -> memref<48x128xf32, #tpu.memory_space<vmem>>
      %dma_wait3A_79 = arith.constant 0 : i32
      %dma_wait3A_80 = arith.constant 0 : i32
      %dma_wait3A_81 = tpu.memref_slice %arg4[%dma_wait3A_79, %dma_wait3A_80] : memref<6336x128xf32, #tpu.memory_space<hbm>> -> memref<48x128xf32, #tpu.memory_space<hbm>>
      %dma_wait3A_82 = arith.constant 0 : i32
      %dma_wait3A_83 = arith.constant 0 : i32
      %dma_wait3A_84 = tpu.memref_slice %arg10[%dma_wait3A_82, %dma_wait3A_83] : memref<96x128xf32, #tpu.memory_space<vmem>> -> memref<48x128xf32, #tpu.memory_space<vmem>>
      %dma_wait3A_85 = arith.constant 0 : i32
      %dma_wait3A_86 = arith.constant 0 : i32
      %dma_wait3A_87 = tpu.memref_slice %arg4[%dma_wait3A_85, %dma_wait3A_86] : memref<6336x128xf32, #tpu.memory_space<hbm>> -> memref<48x128xf32, #tpu.memory_space<hbm>>
      tpu.wait_dma2 semaphore(%arg17 : memref<!tpu.dma_semaphore, #tpu.memory_space<semaphore_mem>>) src(%dma_wait3A_87 : memref<48x128xf32, #tpu.memory_space<hbm>>) dst(%dma_wait3A_84 : memref<48x128xf32, #tpu.memory_space<vmem>>)
      %parallel_loop3A = arith.constant 0 : i32
      %parallel_loop3A_88 = arith.constant 384 : i32
      %parallel_loop3A_89 = arith.constant 1 : i32
      scf.for %parallel_loop3A_129 = %parallel_loop3A to %parallel_loop3A_88 step %parallel_loop3A_89  : i32 {
        %parallel_loop3A_130 = arith.constant 3 : i32
        %parallel_loop3A_131 = arith.shrsi %parallel_loop3A_129, %parallel_loop3A_130 : i32
        %parallel_loop3A_132 = arith.constant 0 : i32
        %parallel_loop3A_133 = arith.addi %parallel_loop3A_132, %parallel_loop3A_131 : i32
        %parallel_loop3A_134 = arith.constant 7 : i32
        %parallel_loop3A_135 = arith.andi %parallel_loop3A_129, %parallel_loop3A_134 : i32
        %parallel_loop3A_136 = arith.constant 16 : i32
        %parallel_loop3A_137 = arith.muli %parallel_loop3A_135, %parallel_loop3A_136 : i32
        %parallel_loop3A_138 = arith.index_cast %parallel_loop3A_133 : i32 to index
        %parallel_loop3A_139 = arith.index_cast %parallel_loop3A_137 : i32 to index
        %parallel_loop3A_140 = tpu.vector_load %arg9[%parallel_loop3A_138, %parallel_loop3A_139] {strides = array<i32>} : memref<96x128xi32, #tpu.memory_space<vmem>>, vector<16xi32>,
        %parallel_loop3A_141 = arith.index_cast %parallel_loop3A_133 : i32 to index
        %parallel_loop3A_142 = arith.index_cast %parallel_loop3A_137 : i32 to index
        %parallel_loop3A_143 = tpu.vector_load %arg10[%parallel_loop3A_141, %parallel_loop3A_142] {strides = array<i32>} : memref<96x128xf32, #tpu.memory_space<vmem>>, vector<16xf32>,
        %parallel_loop3A_144 = arith.constant 65535 : i32
        %parallel_loop3A_145 = vector.broadcast %parallel_loop3A_144 : i32 to vector<16xi32>
        %parallel_loop3A_146 = arith.andi %parallel_loop3A_140, %parallel_loop3A_145 : vector<16xi32>
        %parallel_loop3A_147 = arith.constant 16 : i32
        %parallel_loop3A_148 = vector.broadcast %parallel_loop3A_147 : i32 to vector<16xi32>
        %parallel_loop3A_149 = arith.shrui %parallel_loop3A_140, %parallel_loop3A_148 : vector<16xi32>
        %parallel_loop3A_150 = tpu.vector_load_idx %arg11[%parallel_loop3A_146] : memref<50048xf32, #tpu.memory_space<vmem>>[vector<16xi32>], vector<16xf32>,
        %parallel_loop3A_151 = arith.mulf %parallel_loop3A_143, %get3A_27 : vector<16xf32>
        %parallel_loop3A_152 = arith.addf %parallel_loop3A_150, %parallel_loop3A_151 : vector<16xf32>
        %parallel_loop3A_153 = arith.addf %parallel_loop3A_152, %get3A_29 : vector<16xf32>
        %parallel_loop3A_154 = arith.constant 0.000000e+00 : f32
        %parallel_loop3A_155 = vector.broadcast %parallel_loop3A_154 : f32 to vector<16xf32>
        %parallel_loop3A_156 = arith.maximumf %parallel_loop3A_153, %parallel_loop3A_155 : vector<16xf32>
        tpu.vector_store_idx %arg12[%parallel_loop3A_149], %parallel_loop3A_156 {add = true} : memref<50048xf32, #tpu.memory_space<vmem>>[vector<16xi32>], vector<16xf32>,
      } {sc.loop_unroll_factor = 2 : i64, sc.parallel_access}
      %mul3A_90 = arith.constant 2 : i32
      %mul3A_91 = arith.muli %scan3A_52, %mul3A_90 : i32
      %add3A_92 = arith.constant 1 : i32
      %add3A_93 = arith.addi %mul3A_91, %add3A_92 : i32
      %add3A_94 = arith.constant 1 : i32
      %add3A_95 = arith.addi %add3A_93, %add3A_94 : i32
      %lt3A_96 = arith.constant 132 : i32
      %lt3A_97 = arith.cmpi slt, %add3A_95, %lt3A_96 : i32
      %convert_element_type3A_98 = arith.extui %lt3A_97 : i1 to i32
      %cond3A_99 = arith.constant 0 : i32
      %cond3A_100 = arith.cmpi ne, %convert_element_type3A_98, %cond3A_99 : i32
      scf.if %cond3A_100 {
        %add3A_129 = arith.constant 1 : i32
        %add3A_130 = arith.addi %add3A_93, %add3A_129 : i32
        %add3A_131 = arith.constant 0 : i32
        %add3A_132 = arith.addi %add3A_131, %add3A_130 : i32
        %mul3A_133 = arith.constant 48 : i32
        %mul3A_134 = arith.muli %add3A_132, %mul3A_133 : i32
        %dma_start3A_135 = arith.constant 0 : i32
        %dma_start3A_136 = arith.constant 0 : i32
        %dma_start3A_137 = tpu.memref_slice %arg9[%dma_start3A_135, %dma_start3A_136] : memref<96x128xi32, #tpu.memory_space<vmem>> -> memref<48x128xi32, #tpu.memory_space<vmem>>
        %dma_start3A_138 = arith.constant 0 : i32
        %dma_start3A_139 = tpu.memref_slice %arg3[%mul3A_134, %dma_start3A_138] : memref<6336x128xi32, #tpu.memory_space<hbm>> -> memref<48x128xi32, #tpu.memory_space<hbm>>
        %dma_start3A_140 = arith.constant 0 : i32
        %dma_start3A_141 = arith.constant 0 : i32
        %dma_start3A_142 = tpu.memref_slice %arg9[%dma_start3A_140, %dma_start3A_141] : memref<96x128xi32, #tpu.memory_space<vmem>> -> memref<48x128xi32, #tpu.memory_space<vmem>>
        %dma_start3A_143 = arith.constant 0 : i32
        %dma_start3A_144 = tpu.memref_slice %arg3[%mul3A_134, %dma_start3A_143] : memref<6336x128xi32, #tpu.memory_space<hbm>> -> memref<48x128xi32, #tpu.memory_space<hbm>>
        tpu.enqueue_dma source(%dma_start3A_144 : memref<48x128xi32, #tpu.memory_space<hbm>>) target(%dma_start3A_142 : memref<48x128xi32, #tpu.memory_space<vmem>>) target_semaphore(%arg17 : memref<!tpu.dma_semaphore, #tpu.memory_space<semaphore_mem>>)
        %dma_start3A_145 = arith.constant 0 : i32
        %dma_start3A_146 = arith.constant 0 : i32
        %dma_start3A_147 = tpu.memref_slice %arg10[%dma_start3A_145, %dma_start3A_146] : memref<96x128xf32, #tpu.memory_space<vmem>> -> memref<48x128xf32, #tpu.memory_space<vmem>>
        %dma_start3A_148 = arith.constant 0 : i32
        %dma_start3A_149 = tpu.memref_slice %arg4[%mul3A_134, %dma_start3A_148] : memref<6336x128xf32, #tpu.memory_space<hbm>> -> memref<48x128xf32, #tpu.memory_space<hbm>>
        %dma_start3A_150 = arith.constant 0 : i32
        %dma_start3A_151 = arith.constant 0 : i32
        %dma_start3A_152 = tpu.memref_slice %arg10[%dma_start3A_150, %dma_start3A_151] : memref<96x128xf32, #tpu.memory_space<vmem>> -> memref<48x128xf32, #tpu.memory_space<vmem>>
        %dma_start3A_153 = arith.constant 0 : i32
        %dma_start3A_154 = tpu.memref_slice %arg4[%mul3A_134, %dma_start3A_153] : memref<6336x128xf32, #tpu.memory_space<hbm>> -> memref<48x128xf32, #tpu.memory_space<hbm>>
        tpu.enqueue_dma source(%dma_start3A_154 : memref<48x128xf32, #tpu.memory_space<hbm>>) target(%dma_start3A_152 : memref<48x128xf32, #tpu.memory_space<vmem>>) target_semaphore(%arg17 : memref<!tpu.dma_semaphore, #tpu.memory_space<semaphore_mem>>)
      } else {
      }
      %dma_wait3A_101 = arith.constant 48 : i32
      %dma_wait3A_102 = arith.constant 0 : i32
      %dma_wait3A_103 = tpu.memref_slice %arg9[%dma_wait3A_101, %dma_wait3A_102] : memref<96x128xi32, #tpu.memory_space<vmem>> -> memref<48x128xi32, #tpu.memory_space<vmem>>
      %dma_wait3A_104 = arith.constant 0 : i32
      %dma_wait3A_105 = arith.constant 0 : i32
      %dma_wait3A_106 = tpu.memref_slice %arg3[%dma_wait3A_104, %dma_wait3A_105] : memref<6336x128xi32, #tpu.memory_space<hbm>> -> memref<48x128xi32, #tpu.memory_space<hbm>>
      %dma_wait3A_107 = arith.constant 48 : i32
      %dma_wait3A_108 = arith.constant 0 : i32
      %dma_wait3A_109 = tpu.memref_slice %arg9[%dma_wait3A_107, %dma_wait3A_108] : memref<96x128xi32, #tpu.memory_space<vmem>> -> memref<48x128xi32, #tpu.memory_space<vmem>>
      %dma_wait3A_110 = arith.constant 0 : i32
      %dma_wait3A_111 = arith.constant 0 : i32
      %dma_wait3A_112 = tpu.memref_slice %arg3[%dma_wait3A_110, %dma_wait3A_111] : memref<6336x128xi32, #tpu.memory_space<hbm>> -> memref<48x128xi32, #tpu.memory_space<hbm>>
      tpu.wait_dma2 semaphore(%arg18 : memref<!tpu.dma_semaphore, #tpu.memory_space<semaphore_mem>>) src(%dma_wait3A_112 : memref<48x128xi32, #tpu.memory_space<hbm>>) dst(%dma_wait3A_109 : memref<48x128xi32, #tpu.memory_space<vmem>>)
      %dma_wait3A_113 = arith.constant 48 : i32
      %dma_wait3A_114 = arith.constant 0 : i32
      %dma_wait3A_115 = tpu.memref_slice %arg10[%dma_wait3A_113, %dma_wait3A_114] : memref<96x128xf32, #tpu.memory_space<vmem>> -> memref<48x128xf32, #tpu.memory_space<vmem>>
      %dma_wait3A_116 = arith.constant 0 : i32
      %dma_wait3A_117 = arith.constant 0 : i32
      %dma_wait3A_118 = tpu.memref_slice %arg4[%dma_wait3A_116, %dma_wait3A_117] : memref<6336x128xf32, #tpu.memory_space<hbm>> -> memref<48x128xf32, #tpu.memory_space<hbm>>
      %dma_wait3A_119 = arith.constant 48 : i32
      %dma_wait3A_120 = arith.constant 0 : i32
      %dma_wait3A_121 = tpu.memref_slice %arg10[%dma_wait3A_119, %dma_wait3A_120] : memref<96x128xf32, #tpu.memory_space<vmem>> -> memref<48x128xf32, #tpu.memory_space<vmem>>
      %dma_wait3A_122 = arith.constant 0 : i32
      %dma_wait3A_123 = arith.constant 0 : i32
      %dma_wait3A_124 = tpu.memref_slice %arg4[%dma_wait3A_122, %dma_wait3A_123] : memref<6336x128xf32, #tpu.memory_space<hbm>> -> memref<48x128xf32, #tpu.memory_space<hbm>>
      tpu.wait_dma2 semaphore(%arg18 : memref<!tpu.dma_semaphore, #tpu.memory_space<semaphore_mem>>) src(%dma_wait3A_124 : memref<48x128xf32, #tpu.memory_space<hbm>>) dst(%dma_wait3A_121 : memref<48x128xf32, #tpu.memory_space<vmem>>)
      %parallel_loop3A_125 = arith.constant 0 : i32
      %parallel_loop3A_126 = arith.constant 384 : i32
      %parallel_loop3A_127 = arith.constant 1 : i32
      scf.for %parallel_loop3A_129 = %parallel_loop3A_125 to %parallel_loop3A_126 step %parallel_loop3A_127  : i32 {
        %parallel_loop3A_130 = arith.constant 3 : i32
        %parallel_loop3A_131 = arith.shrsi %parallel_loop3A_129, %parallel_loop3A_130 : i32
        %parallel_loop3A_132 = arith.constant 48 : i32
        %parallel_loop3A_133 = arith.addi %parallel_loop3A_132, %parallel_loop3A_131 : i32
        %parallel_loop3A_134 = arith.constant 7 : i32
        %parallel_loop3A_135 = arith.andi %parallel_loop3A_129, %parallel_loop3A_134 : i32
        %parallel_loop3A_136 = arith.constant 16 : i32
        %parallel_loop3A_137 = arith.muli %parallel_loop3A_135, %parallel_loop3A_136 : i32
        %parallel_loop3A_138 = arith.index_cast %parallel_loop3A_133 : i32 to index
        %parallel_loop3A_139 = arith.index_cast %parallel_loop3A_137 : i32 to index
        %parallel_loop3A_140 = tpu.vector_load %arg9[%parallel_loop3A_138, %parallel_loop3A_139] {strides = array<i32>} : memref<96x128xi32, #tpu.memory_space<vmem>>, vector<16xi32>,
        %parallel_loop3A_141 = arith.index_cast %parallel_loop3A_133 : i32 to index
        %parallel_loop3A_142 = arith.index_cast %parallel_loop3A_137 : i32 to index
        %parallel_loop3A_143 = tpu.vector_load %arg10[%parallel_loop3A_141, %parallel_loop3A_142] {strides = array<i32>} : memref<96x128xf32, #tpu.memory_space<vmem>>, vector<16xf32>,
        %parallel_loop3A_144 = arith.constant 65535 : i32
        %parallel_loop3A_145 = vector.broadcast %parallel_loop3A_144 : i32 to vector<16xi32>
        %parallel_loop3A_146 = arith.andi %parallel_loop3A_140, %parallel_loop3A_145 : vector<16xi32>
        %parallel_loop3A_147 = arith.constant 16 : i32
        %parallel_loop3A_148 = vector.broadcast %parallel_loop3A_147 : i32 to vector<16xi32>
        %parallel_loop3A_149 = arith.shrui %parallel_loop3A_140, %parallel_loop3A_148 : vector<16xi32>
        %parallel_loop3A_150 = tpu.vector_load_idx %arg11[%parallel_loop3A_146] : memref<50048xf32, #tpu.memory_space<vmem>>[vector<16xi32>], vector<16xf32>,
        %parallel_loop3A_151 = arith.mulf %parallel_loop3A_143, %get3A_27 : vector<16xf32>
        %parallel_loop3A_152 = arith.addf %parallel_loop3A_150, %parallel_loop3A_151 : vector<16xf32>
        %parallel_loop3A_153 = arith.addf %parallel_loop3A_152, %get3A_29 : vector<16xf32>
        %parallel_loop3A_154 = arith.constant 0.000000e+00 : f32
        %parallel_loop3A_155 = vector.broadcast %parallel_loop3A_154 : f32 to vector<16xf32>
        %parallel_loop3A_156 = arith.maximumf %parallel_loop3A_153, %parallel_loop3A_155 : vector<16xf32>
        tpu.vector_store_idx %arg12[%parallel_loop3A_149], %parallel_loop3A_156 {add = true} : memref<50048xf32, #tpu.memory_space<vmem>>[vector<16xi32>], vector<16xf32>,
      } {sc.loop_unroll_factor = 2 : i64, sc.parallel_access}
      %scan3A_128 = arith.constant 0 : i32
      scf.yield %scan3A_128 : i32
    }
    %scan3A_51 = arith.constant 66 : i32
    "tpu.region"() ({
      %run_scoped3A = tpu.sem_alloc : memref<!tpu.dma_semaphore, #tpu.memory_space<semaphore_mem>>
      %dma_start3A_52 = arith.constant 0 : i32
      %dma_start3A_53 = tpu.memref_slice %arg8[%add3A_25, %dma_start3A_52] : memref<64x50048xf32, #tpu.memory_space<hbm>> -> memref<1x50048xf32, #tpu.memory_space<hbm>>
      %dma_start3A_54 = tpu.memref_squeeze %dma_start3A_53 : memref<1x50048xf32, #tpu.memory_space<hbm>> -> memref<50048xf32, #tpu.memory_space<hbm>>
      %dma_start3A_55 = arith.constant 0 : i32
      %dma_start3A_56 = tpu.memref_slice %arg8[%add3A_25, %dma_start3A_55] : memref<64x50048xf32, #tpu.memory_space<hbm>> -> memref<1x50048xf32, #tpu.memory_space<hbm>>
      %dma_start3A_57 = tpu.memref_squeeze %dma_start3A_56 : memref<1x50048xf32, #tpu.memory_space<hbm>> -> memref<50048xf32, #tpu.memory_space<hbm>>
      tpu.enqueue_dma source(%arg12 : memref<50048xf32, #tpu.memory_space<vmem>>) target(%dma_start3A_57 : memref<50048xf32, #tpu.memory_space<hbm>>) target_semaphore(%run_scoped3A : memref<!tpu.dma_semaphore, #tpu.memory_space<semaphore_mem>>)
      %dma_wait3A_58 = arith.constant 0 : i32
      %dma_wait3A_59 = tpu.memref_slice %arg8[%add3A_25, %dma_wait3A_58] : memref<64x50048xf32, #tpu.memory_space<hbm>> -> memref<1x50048xf32, #tpu.memory_space<hbm>>
      %dma_wait3A_60 = tpu.memref_squeeze %dma_wait3A_59 : memref<1x50048xf32, #tpu.memory_space<hbm>> -> memref<50048xf32, #tpu.memory_space<hbm>>
      %dma_wait3A_61 = arith.constant 0 : i32
      %dma_wait3A_62 = tpu.memref_slice %arg8[%add3A_25, %dma_wait3A_61] : memref<64x50048xf32, #tpu.memory_space<hbm>> -> memref<1x50048xf32, #tpu.memory_space<hbm>>
      %dma_wait3A_63 = tpu.memref_squeeze %dma_wait3A_62 : memref<1x50048xf32, #tpu.memory_space<hbm>> -> memref<50048xf32, #tpu.memory_space<hbm>>
      tpu.wait_dma2 semaphore(%run_scoped3A : memref<!tpu.dma_semaphore, #tpu.memory_space<semaphore_mem>>) src(%arg12 : memref<50048xf32, #tpu.memory_space<vmem>>) dst(%dma_wait3A_63 : memref<50048xf32, #tpu.memory_space<hbm>>)
      tpu.yield
    }) : () -> ()
    return
  }
}

module attributes {stable_mosaic.version = 14 : i64} {
  func.func @_da_body(%arg0: i32, %arg1: memref<2000x16xf32, #tpu.memory_space<vmem>>, %arg2: memref<2000x16xf32, #tpu.memory_space<vmem>>, %arg3: memref<16x64xf32, #tpu.memory_space<vmem>>, %arg4: memref<1x64xf32, #tpu.memory_space<vmem>>, %arg5: memref<2000x64xf32, #tpu.memory_space<vmem>>, %arg6: memref<1x1x64xf32, #tpu.memory_space<vmem>>, %arg7: memref<1x1x64xf32, #tpu.memory_space<vmem>>) attributes {dimension_semantics = [#tpu.dimension_semantics<arbitrary>], iteration_bounds = array<i64: 25>, scalar_prefetch = 0 : i64, scratch_operands = 0 : i64, tpu.core_type = #tpu.core_type<tc>, window_params = [{transform_indices = @transform_0, window_bounds = array<i64: 2000, 16>}, {transform_indices = @transform_1, window_bounds = array<i64: 2000, 16>}, {pipeline_mode = #tpu.pipeline_mode<synchronous>, transform_indices = @transform_2, window_bounds = array<i64: 16, 64>}, {pipeline_mode = #tpu.pipeline_mode<synchronous>, transform_indices = @transform_3, window_bounds = array<i64: 1, 64>}, {transform_indices = @transform_4, window_bounds = array<i64: 2000, 64>}, {transform_indices = @transform_5, window_bounds = array<i64: 1, 1, 64>}, {transform_indices = @transform_6, window_bounds = array<i64: 1, 1, 64>}]} {
    %get3A = arith.constant 0 : index
    %get3A_0 = arith.constant 0 : index
    %get3A_1 = vector.load %arg1[%get3A, %get3A_0] : memref<2000x16xf32, #tpu.memory_space<vmem>>, vector<2000x16xf32>
    %get3A_2 = arith.constant 0 : index
    %get3A_3 = arith.constant 0 : index
    %get3A_4 = vector.load %arg2[%get3A_2, %get3A_3] : memref<2000x16xf32, #tpu.memory_space<vmem>>, vector<2000x16xf32>
    %add3A = arith.addf %get3A_1, %get3A_4 : vector<2000x16xf32>
    %get3A_5 = arith.constant 0 : index
    %get3A_6 = arith.constant 0 : index
    %get3A_7 = vector.load %arg3[%get3A_5, %get3A_6] : memref<16x64xf32, #tpu.memory_space<vmem>>, vector<16x64xf32>
    %dot_general3A = arith.constant dense<0.000000e+00> : vector<2000x64xf32>
    %dot_general3A_8 = tpu.matmul %add3A, %get3A_7, %dot_general3A {dimension_numbers = #tpu.dot_dimension_numbers<[1], [0], [0], [1], [0, 0, 1, 1], [], []>, transpose_lhs_hint = false} : vector<2000x16xf32>, vector<16x64xf32>, vector<2000x64xf32> -> vector<2000x64xf32>
    %get3A_9 = arith.constant 0 : index
    %get3A_10 = arith.constant 0 : index
    %get3A_11 = vector.load %arg4[%get3A_9, %get3A_10] : memref<1x64xf32, #tpu.memory_space<vmem>>, vector<1x64xf32>
    %add3A_12 = vector.broadcast %get3A_11 : vector<1x64xf32> to vector<2000x64xf32>
    %add3A_13 = arith.addf %dot_general3A_8, %add3A_12 : vector<2000x64xf32>
    %swap3A = arith.constant 0 : index
    %swap3A_14 = arith.constant 0 : index
    %swap3A_15 = vector.load %arg5[%swap3A, %swap3A_14] : memref<2000x64xf32, #tpu.memory_space<vmem>>, vector<2000x64xf32>
    tpu.vector_store %arg5[%swap3A, %swap3A_14], %add3A_13 {strides = array<i32>} : memref<2000x64xf32, #tpu.memory_space<vmem>>, vector<2000x64xf32>,
    %reduce_sum3A = arith.constant dense<0.000000e+00> : vector<64xf32>
    %reduce_sum3A_16 = vector.multi_reduction <add>, %add3A_13, %reduce_sum3A [0] : vector<2000x64xf32> to vector<64xf32>
    %broadcast_in_dim3A = vector.shape_cast %reduce_sum3A_16 : vector<64xf32> to vector<1x64xf32>
    %reshape3A = vector.shape_cast %broadcast_in_dim3A : vector<1x64xf32> to vector<1x1x64xf32>
    %swap3A_17 = arith.constant 0 : index
    %swap3A_18 = arith.constant 0 : index
    %swap3A_19 = arith.constant 0 : index
    %swap3A_20 = vector.load %arg6[%swap3A_17, %swap3A_18, %swap3A_19] : memref<1x1x64xf32, #tpu.memory_space<vmem>>, vector<1x1x64xf32>
    tpu.vector_store %arg6[%swap3A_17, %swap3A_18, %swap3A_19], %reshape3A {strides = array<i32>} : memref<1x1x64xf32, #tpu.memory_space<vmem>>, vector<1x1x64xf32>,
    %mul3A = arith.mulf %add3A_13, %add3A_13 : vector<2000x64xf32>
    %reduce_sum3A_21 = arith.constant dense<0.000000e+00> : vector<64xf32>
    %reduce_sum3A_22 = vector.multi_reduction <add>, %mul3A, %reduce_sum3A_21 [0] : vector<2000x64xf32> to vector<64xf32>
    %broadcast_in_dim3A_23 = vector.shape_cast %reduce_sum3A_22 : vector<64xf32> to vector<1x64xf32>
    %reshape3A_24 = vector.shape_cast %broadcast_in_dim3A_23 : vector<1x64xf32> to vector<1x1x64xf32>
    %swap3A_25 = arith.constant 0 : index
    %swap3A_26 = arith.constant 0 : index
    %swap3A_27 = arith.constant 0 : index
    %swap3A_28 = vector.load %arg7[%swap3A_25, %swap3A_26, %swap3A_27] : memref<1x1x64xf32, #tpu.memory_space<vmem>>, vector<1x1x64xf32>
    tpu.vector_store %arg7[%swap3A_25, %swap3A_26, %swap3A_27], %reshape3A_24 {strides = array<i32>} : memref<1x1x64xf32, #tpu.memory_space<vmem>>, vector<1x1x64xf32>,
    return
  }
  func.func @transform_0(%arg0: i32) -> (i32, i32) {
    %c0_i32 = arith.constant 0 : i32
    %c0_i32_0 = arith.constant 0 : i32
    return %arg0, %c0_i32 : i32, i32
  }
  func.func @transform_1(%arg0: i32) -> (i32, i32) {
    %c0_i32 = arith.constant 0 : i32
    %c0_i32_0 = arith.constant 0 : i32
    return %arg0, %c0_i32 : i32, i32
  }
  func.func @transform_2(%arg0: i32) -> (i32, i32) {
    %c0_i32 = arith.constant 0 : i32
    %c0_i32_0 = arith.constant 0 : i32
    %c0_i32_1 = arith.constant 0 : i32
    return %c0_i32, %c0_i32_0 : i32, i32
  }
  func.func @transform_3(%arg0: i32) -> (i32, i32) {
    %c0_i32 = arith.constant 0 : i32
    %c0_i32_0 = arith.constant 0 : i32
    %c0_i32_1 = arith.constant 0 : i32
    return %c0_i32, %c0_i32_0 : i32, i32
  }
  func.func @transform_4(%arg0: i32) -> (i32, i32) {
    %c0_i32 = arith.constant 0 : i32
    %c0_i32_0 = arith.constant 0 : i32
    return %arg0, %c0_i32 : i32, i32
  }
  func.func @transform_5(%arg0: i32) -> (i32, i32, i32) {
    %c0_i32 = arith.constant 0 : i32
    %c0_i32_0 = arith.constant 0 : i32
    %c0_i32_1 = arith.constant 0 : i32
    return %arg0, %c0_i32, %c0_i32_0 : i32, i32, i32
  }
  func.func @transform_6(%arg0: i32) -> (i32, i32, i32) {
    %c0_i32 = arith.constant 0 : i32
    %c0_i32_0 = arith.constant 0 : i32
    %c0_i32_1 = arith.constant 0 : i32
    return %arg0, %c0_i32, %c0_i32_0 : i32, i32, i32
  }
}

module attributes {stable_mosaic.version = 14 : i64} {
  func.func @_db_body(%arg0: i32, %arg1: memref<2000x64xf32, #tpu.memory_space<vmem>>, %arg2: memref<25x1x64xf32, #tpu.memory_space<vmem>>, %arg3: memref<25x1x64xf32, #tpu.memory_space<vmem>>, %arg4: memref<1x64xf32, #tpu.memory_space<vmem>>, %arg5: memref<1x64xf32, #tpu.memory_space<vmem>>, %arg6: memref<64x64xf32, #tpu.memory_space<vmem>>, %arg7: memref<1x64xf32, #tpu.memory_space<vmem>>, %arg8: memref<2000x64xf32, #tpu.memory_space<vmem>>) attributes {dimension_semantics = [#tpu.dimension_semantics<arbitrary>], iteration_bounds = array<i64: 25>, scalar_prefetch = 0 : i64, scratch_operands = 0 : i64, tpu.core_type = #tpu.core_type<tc>, window_params = [{transform_indices = @transform_0, window_bounds = array<i64: 2000, 64>}, {pipeline_mode = #tpu.pipeline_mode<synchronous>, transform_indices = @transform_1, window_bounds = array<i64: 25, 1, 64>}, {pipeline_mode = #tpu.pipeline_mode<synchronous>, transform_indices = @transform_2, window_bounds = array<i64: 25, 1, 64>}, {pipeline_mode = #tpu.pipeline_mode<synchronous>, transform_indices = @transform_3, window_bounds = array<i64: 1, 64>}, {pipeline_mode = #tpu.pipeline_mode<synchronous>, transform_indices = @transform_4, window_bounds = array<i64: 1, 64>}, {pipeline_mode = #tpu.pipeline_mode<synchronous>, transform_indices = @transform_5, window_bounds = array<i64: 64, 64>}, {pipeline_mode = #tpu.pipeline_mode<synchronous>, transform_indices = @transform_6, window_bounds = array<i64: 1, 64>}, {transform_indices = @transform_7, window_bounds = array<i64: 2000, 64>}]} {
    %get3A = arith.constant 0 : index
    %get3A_0 = arith.constant 0 : index
    %get3A_1 = arith.constant 0 : index
    %get3A_2 = vector.load %arg2[%get3A, %get3A_0, %get3A_1] : memref<25x1x64xf32, #tpu.memory_space<vmem>>, vector<25x1x64xf32>
    %reduce_sum3A = arith.constant dense<0.000000e+00> : vector<1x64xf32>
    %reduce_sum3A_3 = vector.multi_reduction <add>, %get3A_2, %reduce_sum3A [0] : vector<25x1x64xf32> to vector<1x64xf32>
    %div3A = arith.constant 5.000000e+04 : f32
    %div3A_4 = vector.broadcast %div3A : f32 to vector<1x64xf32>
    %div3A_5 = arith.divf %reduce_sum3A_3, %div3A_4 : vector<1x64xf32>
    %get3A_6 = arith.constant 0 : index
    %get3A_7 = arith.constant 0 : index
    %get3A_8 = arith.constant 0 : index
    %get3A_9 = vector.load %arg3[%get3A_6, %get3A_7, %get3A_8] : memref<25x1x64xf32, #tpu.memory_space<vmem>>, vector<25x1x64xf32>
    %reduce_sum3A_10 = arith.constant dense<0.000000e+00> : vector<1x64xf32>
    %reduce_sum3A_11 = vector.multi_reduction <add>, %get3A_9, %reduce_sum3A_10 [0] : vector<25x1x64xf32> to vector<1x64xf32>
    %div3A_12 = arith.constant 5.000000e+04 : f32
    %div3A_13 = vector.broadcast %div3A_12 : f32 to vector<1x64xf32>
    %div3A_14 = arith.divf %reduce_sum3A_11, %div3A_13 : vector<1x64xf32>
    %mul3A = arith.mulf %div3A_5, %div3A_5 : vector<1x64xf32>
    %sub3A = arith.subf %div3A_14, %mul3A : vector<1x64xf32>
    %add3A = arith.constant 9.99999974E-6 : f32
    %add3A_15 = vector.broadcast %add3A : f32 to vector<1x64xf32>
    %add3A_16 = arith.addf %sub3A, %add3A_15 : vector<1x64xf32>
    %rsqrt3A = math.rsqrt %add3A_16 : vector<1x64xf32>
    %get3A_17 = arith.constant 0 : index
    %get3A_18 = arith.constant 0 : index
    %get3A_19 = vector.load %arg4[%get3A_17, %get3A_18] : memref<1x64xf32, #tpu.memory_space<vmem>>, vector<1x64xf32>
    %get3A_20 = arith.constant 0 : index
    %get3A_21 = arith.constant 0 : index
    %get3A_22 = vector.load %arg1[%get3A_20, %get3A_21] : memref<2000x64xf32, #tpu.memory_space<vmem>>, vector<2000x64xf32>
    %sub3A_23 = vector.broadcast %div3A_5 : vector<1x64xf32> to vector<2000x64xf32>
    %sub3A_24 = arith.subf %get3A_22, %sub3A_23 : vector<2000x64xf32>
    %mul3A_25 = vector.broadcast %get3A_19 : vector<1x64xf32> to vector<2000x64xf32>
    %mul3A_26 = arith.mulf %mul3A_25, %sub3A_24 : vector<2000x64xf32>
    %mul3A_27 = vector.broadcast %rsqrt3A : vector<1x64xf32> to vector<2000x64xf32>
    %mul3A_28 = arith.mulf %mul3A_26, %mul3A_27 : vector<2000x64xf32>
    %get3A_29 = arith.constant 0 : index
    %get3A_30 = arith.constant 0 : index
    %get3A_31 = vector.load %arg5[%get3A_29, %get3A_30] : memref<1x64xf32, #tpu.memory_space<vmem>>, vector<1x64xf32>
    %add3A_32 = vector.broadcast %get3A_31 : vector<1x64xf32> to vector<2000x64xf32>
    %add3A_33 = arith.addf %mul3A_28, %add3A_32 : vector<2000x64xf32>
    %max3A = arith.constant 0.000000e+00 : f32
    %max3A_34 = vector.broadcast %max3A : f32 to vector<2000x64xf32>
    %max3A_35 = arith.maximumf %add3A_33, %max3A_34 : vector<2000x64xf32>
    %get3A_36 = arith.constant 0 : index
    %get3A_37 = arith.constant 0 : index
    %get3A_38 = vector.load %arg6[%get3A_36, %get3A_37] : memref<64x64xf32, #tpu.memory_space<vmem>>, vector<64x64xf32>
    %dot_general3A = arith.constant dense<0.000000e+00> : vector<2000x64xf32>
    %dot_general3A_39 = tpu.matmul %max3A_35, %get3A_38, %dot_general3A {dimension_numbers = #tpu.dot_dimension_numbers<[1], [0], [0], [1], [0, 0, 1, 1], [], []>, transpose_lhs_hint = false} : vector<2000x64xf32>, vector<64x64xf32>, vector<2000x64xf32> -> vector<2000x64xf32>
    %get3A_40 = arith.constant 0 : index
    %get3A_41 = arith.constant 0 : index
    %get3A_42 = vector.load %arg7[%get3A_40, %get3A_41] : memref<1x64xf32, #tpu.memory_space<vmem>>, vector<1x64xf32>
    %add3A_43 = vector.broadcast %get3A_42 : vector<1x64xf32> to vector<2000x64xf32>
    %add3A_44 = arith.addf %dot_general3A_39, %add3A_43 : vector<2000x64xf32>
    %max3A_45 = arith.constant 0.000000e+00 : f32
    %max3A_46 = vector.broadcast %max3A_45 : f32 to vector<2000x64xf32>
    %max3A_47 = arith.maximumf %add3A_44, %max3A_46 : vector<2000x64xf32>
    %swap3A = arith.constant 0 : index
    %swap3A_48 = arith.constant 0 : index
    %swap3A_49 = vector.load %arg8[%swap3A, %swap3A_48] : memref<2000x64xf32, #tpu.memory_space<vmem>>, vector<2000x64xf32>
    tpu.vector_store %arg8[%swap3A, %swap3A_48], %max3A_47 {strides = array<i32>} : memref<2000x64xf32, #tpu.memory_space<vmem>>, vector<2000x64xf32>,
    return
  }
  func.func @transform_0(%arg0: i32) -> (i32, i32) {
    %c0_i32 = arith.constant 0 : i32
    %c0_i32_0 = arith.constant 0 : i32
    return %arg0, %c0_i32 : i32, i32
  }
  func.func @transform_1(%arg0: i32) -> (i32, i32, i32) {
    %c0_i32 = arith.constant 0 : i32
    %c0_i32_0 = arith.constant 0 : i32
    %c0_i32_1 = arith.constant 0 : i32
    %c0_i32_2 = arith.constant 0 : i32
    return %c0_i32, %c0_i32_0, %c0_i32_1 : i32, i32, i32
  }
  func.func @transform_2(%arg0: i32) -> (i32, i32, i32) {
    %c0_i32 = arith.constant 0 : i32
    %c0_i32_0 = arith.constant 0 : i32
    %c0_i32_1 = arith.constant 0 : i32
    %c0_i32_2 = arith.constant 0 : i32
    return %c0_i32, %c0_i32_0, %c0_i32_1 : i32, i32, i32
  }
  func.func @transform_3(%arg0: i32) -> (i32, i32) {
    %c0_i32 = arith.constant 0 : i32
    %c0_i32_0 = arith.constant 0 : i32
    %c0_i32_1 = arith.constant 0 : i32
    return %c0_i32, %c0_i32_0 : i32, i32
  }
  func.func @transform_4(%arg0: i32) -> (i32, i32) {
    %c0_i32 = arith.constant 0 : i32
    %c0_i32_0 = arith.constant 0 : i32
    %c0_i32_1 = arith.constant 0 : i32
    return %c0_i32, %c0_i32_0 : i32, i32
  }
  func.func @transform_5(%arg0: i32) -> (i32, i32) {
    %c0_i32 = arith.constant 0 : i32
    %c0_i32_0 = arith.constant 0 : i32
    %c0_i32_1 = arith.constant 0 : i32
    return %c0_i32, %c0_i32_0 : i32, i32
  }
  func.func @transform_6(%arg0: i32) -> (i32, i32) {
    %c0_i32 = arith.constant 0 : i32
    %c0_i32_0 = arith.constant 0 : i32
    %c0_i32_1 = arith.constant 0 : i32
    return %c0_i32, %c0_i32_0 : i32, i32
  }
  func.func @transform_7(%arg0: i32) -> (i32, i32) {
    %c0_i32 = arith.constant 0 : i32
    %c0_i32_0 = arith.constant 0 : i32
    return %arg0, %c0_i32 : i32, i32
  }
}

module attributes {stable_mosaic.version = 14 : i64} {
  func.func @_da_body(%arg0: i32, %arg1: memref<2000x64xf32, #tpu.memory_space<vmem>>, %arg2: memref<2000x64xf32, #tpu.memory_space<vmem>>, %arg3: memref<64x64xf32, #tpu.memory_space<vmem>>, %arg4: memref<1x64xf32, #tpu.memory_space<vmem>>, %arg5: memref<2000x64xf32, #tpu.memory_space<vmem>>, %arg6: memref<1x1x64xf32, #tpu.memory_space<vmem>>, %arg7: memref<1x1x64xf32, #tpu.memory_space<vmem>>) attributes {dimension_semantics = [#tpu.dimension_semantics<arbitrary>], iteration_bounds = array<i64: 25>, scalar_prefetch = 0 : i64, scratch_operands = 0 : i64, tpu.core_type = #tpu.core_type<tc>, window_params = [{transform_indices = @transform_0, window_bounds = array<i64: 2000, 64>}, {transform_indices = @transform_1, window_bounds = array<i64: 2000, 64>}, {pipeline_mode = #tpu.pipeline_mode<synchronous>, transform_indices = @transform_2, window_bounds = array<i64: 64, 64>}, {pipeline_mode = #tpu.pipeline_mode<synchronous>, transform_indices = @transform_3, window_bounds = array<i64: 1, 64>}, {transform_indices = @transform_4, window_bounds = array<i64: 2000, 64>}, {transform_indices = @transform_5, window_bounds = array<i64: 1, 1, 64>}, {transform_indices = @transform_6, window_bounds = array<i64: 1, 1, 64>}]} {
    %get3A = arith.constant 0 : index
    %get3A_0 = arith.constant 0 : index
    %get3A_1 = vector.load %arg1[%get3A, %get3A_0] : memref<2000x64xf32, #tpu.memory_space<vmem>>, vector<2000x64xf32>
    %get3A_2 = arith.constant 0 : index
    %get3A_3 = arith.constant 0 : index
    %get3A_4 = vector.load %arg2[%get3A_2, %get3A_3] : memref<2000x64xf32, #tpu.memory_space<vmem>>, vector<2000x64xf32>
    %add3A = arith.addf %get3A_1, %get3A_4 : vector<2000x64xf32>
    %get3A_5 = arith.constant 0 : index
    %get3A_6 = arith.constant 0 : index
    %get3A_7 = vector.load %arg3[%get3A_5, %get3A_6] : memref<64x64xf32, #tpu.memory_space<vmem>>, vector<64x64xf32>
    %dot_general3A = arith.constant dense<0.000000e+00> : vector<2000x64xf32>
    %dot_general3A_8 = tpu.matmul %add3A, %get3A_7, %dot_general3A {dimension_numbers = #tpu.dot_dimension_numbers<[1], [0], [0], [1], [0, 0, 1, 1], [], []>, transpose_lhs_hint = false} : vector<2000x64xf32>, vector<64x64xf32>, vector<2000x64xf32> -> vector<2000x64xf32>
    %get3A_9 = arith.constant 0 : index
    %get3A_10 = arith.constant 0 : index
    %get3A_11 = vector.load %arg4[%get3A_9, %get3A_10] : memref<1x64xf32, #tpu.memory_space<vmem>>, vector<1x64xf32>
    %add3A_12 = vector.broadcast %get3A_11 : vector<1x64xf32> to vector<2000x64xf32>
    %add3A_13 = arith.addf %dot_general3A_8, %add3A_12 : vector<2000x64xf32>
    %swap3A = arith.constant 0 : index
    %swap3A_14 = arith.constant 0 : index
    %swap3A_15 = vector.load %arg5[%swap3A, %swap3A_14] : memref<2000x64xf32, #tpu.memory_space<vmem>>, vector<2000x64xf32>
    tpu.vector_store %arg5[%swap3A, %swap3A_14], %add3A_13 {strides = array<i32>} : memref<2000x64xf32, #tpu.memory_space<vmem>>, vector<2000x64xf32>,
    %reduce_sum3A = arith.constant dense<0.000000e+00> : vector<64xf32>
    %reduce_sum3A_16 = vector.multi_reduction <add>, %add3A_13, %reduce_sum3A [0] : vector<2000x64xf32> to vector<64xf32>
    %broadcast_in_dim3A = vector.shape_cast %reduce_sum3A_16 : vector<64xf32> to vector<1x64xf32>
    %reshape3A = vector.shape_cast %broadcast_in_dim3A : vector<1x64xf32> to vector<1x1x64xf32>
    %swap3A_17 = arith.constant 0 : index
    %swap3A_18 = arith.constant 0 : index
    %swap3A_19 = arith.constant 0 : index
    %swap3A_20 = vector.load %arg6[%swap3A_17, %swap3A_18, %swap3A_19] : memref<1x1x64xf32, #tpu.memory_space<vmem>>, vector<1x1x64xf32>
    tpu.vector_store %arg6[%swap3A_17, %swap3A_18, %swap3A_19], %reshape3A {strides = array<i32>} : memref<1x1x64xf32, #tpu.memory_space<vmem>>, vector<1x1x64xf32>,
    %mul3A = arith.mulf %add3A_13, %add3A_13 : vector<2000x64xf32>
    %reduce_sum3A_21 = arith.constant dense<0.000000e+00> : vector<64xf32>
    %reduce_sum3A_22 = vector.multi_reduction <add>, %mul3A, %reduce_sum3A_21 [0] : vector<2000x64xf32> to vector<64xf32>
    %broadcast_in_dim3A_23 = vector.shape_cast %reduce_sum3A_22 : vector<64xf32> to vector<1x64xf32>
    %reshape3A_24 = vector.shape_cast %broadcast_in_dim3A_23 : vector<1x64xf32> to vector<1x1x64xf32>
    %swap3A_25 = arith.constant 0 : index
    %swap3A_26 = arith.constant 0 : index
    %swap3A_27 = arith.constant 0 : index
    %swap3A_28 = vector.load %arg7[%swap3A_25, %swap3A_26, %swap3A_27] : memref<1x1x64xf32, #tpu.memory_space<vmem>>, vector<1x1x64xf32>
    tpu.vector_store %arg7[%swap3A_25, %swap3A_26, %swap3A_27], %reshape3A_24 {strides = array<i32>} : memref<1x1x64xf32, #tpu.memory_space<vmem>>, vector<1x1x64xf32>,
    return
  }
  func.func @transform_0(%arg0: i32) -> (i32, i32) {
    %c0_i32 = arith.constant 0 : i32
    %c0_i32_0 = arith.constant 0 : i32
    return %arg0, %c0_i32 : i32, i32
  }
  func.func @transform_1(%arg0: i32) -> (i32, i32) {
    %c0_i32 = arith.constant 0 : i32
    %c0_i32_0 = arith.constant 0 : i32
    return %arg0, %c0_i32 : i32, i32
  }
  func.func @transform_2(%arg0: i32) -> (i32, i32) {
    %c0_i32 = arith.constant 0 : i32
    %c0_i32_0 = arith.constant 0 : i32
    %c0_i32_1 = arith.constant 0 : i32
    return %c0_i32, %c0_i32_0 : i32, i32
  }
  func.func @transform_3(%arg0: i32) -> (i32, i32) {
    %c0_i32 = arith.constant 0 : i32
    %c0_i32_0 = arith.constant 0 : i32
    %c0_i32_1 = arith.constant 0 : i32
    return %c0_i32, %c0_i32_0 : i32, i32
  }
  func.func @transform_4(%arg0: i32) -> (i32, i32) {
    %c0_i32 = arith.constant 0 : i32
    %c0_i32_0 = arith.constant 0 : i32
    return %arg0, %c0_i32 : i32, i32
  }
  func.func @transform_5(%arg0: i32) -> (i32, i32, i32) {
    %c0_i32 = arith.constant 0 : i32
    %c0_i32_0 = arith.constant 0 : i32
    %c0_i32_1 = arith.constant 0 : i32
    return %arg0, %c0_i32, %c0_i32_0 : i32, i32, i32
  }
  func.func @transform_6(%arg0: i32) -> (i32, i32, i32) {
    %c0_i32 = arith.constant 0 : i32
    %c0_i32_0 = arith.constant 0 : i32
    %c0_i32_1 = arith.constant 0 : i32
    return %arg0, %c0_i32, %c0_i32_0 : i32, i32, i32
  }
}

module attributes {stable_mosaic.version = 14 : i64} {
  func.func @_pool_body(%arg0: i32, %arg1: memref<2000x64xf32, #tpu.memory_space<vmem>>, %arg2: memref<1x1x2000xi32, #tpu.memory_space<vmem>>, %arg3: memref<64x32xf32, #tpu.memory_space<vmem>>, %arg4: memref<1x32xf32, #tpu.memory_space<vmem>>, %arg5: memref<32x1xf32, #tpu.memory_space<vmem>>, %arg6: memref<1x1xf32, #tpu.memory_space<vmem>>, %arg7: memref<512x1xf32, #tpu.memory_space<vmem>>, %arg8: memref<512x64xf32, #tpu.memory_space<vmem>>, %arg9: memref<512x64xf32, #tpu.memory_space<vmem>>) attributes {dimension_semantics = [#tpu.dimension_semantics<arbitrary>], iteration_bounds = array<i64: 25>, scalar_prefetch = 0 : i64, scratch_operands = 2 : i64, tpu.core_type = #tpu.core_type<tc>, window_params = [{transform_indices = @transform_0, window_bounds = array<i64: 2000, 64>}, {transform_indices = @transform_1, window_bounds = array<i64: 1, 1, 2000>}, {pipeline_mode = #tpu.pipeline_mode<synchronous>, transform_indices = @transform_2, window_bounds = array<i64: 64, 32>}, {pipeline_mode = #tpu.pipeline_mode<synchronous>, transform_indices = @transform_3, window_bounds = array<i64: 1, 32>}, {pipeline_mode = #tpu.pipeline_mode<synchronous>, transform_indices = @transform_4, window_bounds = array<i64: 32, 1>}, {pipeline_mode = #tpu.pipeline_mode<synchronous>, transform_indices = @transform_5, window_bounds = array<i64: 1, 1>}, {pipeline_mode = #tpu.pipeline_mode<synchronous>, transform_indices = @transform_6, window_bounds = array<i64: 512, 1>}]} {
    %eq3A = arith.constant 0 : i32
    %eq3A_0 = arith.cmpi eq, %arg0, %eq3A : i32
    %convert_element_type3A = arith.extui %eq3A_0 : i1 to i32
    %cond3A = arith.constant 0 : i32
    %cond3A_1 = arith.cmpi ne, %convert_element_type3A, %cond3A : i32
    scf.if %cond3A_1 {
      %broadcast_in_dim3A_34 = arith.constant 0.000000e+00 : f32
      %broadcast_in_dim3A_35 = vector.broadcast %broadcast_in_dim3A_34 : f32 to vector<512x64xf32>
      %swap3A_36 = arith.constant 0 : index
      %swap3A_37 = arith.constant 0 : index
      %swap3A_38 = vector.load %arg8[%swap3A_36, %swap3A_37] : memref<512x64xf32, #tpu.memory_space<vmem>>, vector<512x64xf32>
      tpu.vector_store %arg8[%swap3A_36, %swap3A_37], %broadcast_in_dim3A_35 {strides = array<i32>} : memref<512x64xf32, #tpu.memory_space<vmem>>, vector<512x64xf32>,
      %broadcast_in_dim3A_39 = arith.constant 0.000000e+00 : f32
      %broadcast_in_dim3A_40 = vector.broadcast %broadcast_in_dim3A_39 : f32 to vector<512x64xf32>
      %swap3A_41 = arith.constant 0 : index
      %swap3A_42 = arith.constant 0 : index
      %swap3A_43 = vector.load %arg9[%swap3A_41, %swap3A_42] : memref<512x64xf32, #tpu.memory_space<vmem>>, vector<512x64xf32>
      tpu.vector_store %arg9[%swap3A_41, %swap3A_42], %broadcast_in_dim3A_40 {strides = array<i32>} : memref<512x64xf32, #tpu.memory_space<vmem>>, vector<512x64xf32>,
    } else {
    }
    %get3A = arith.constant 0 : index
    %get3A_2 = arith.constant 0 : index
    %get3A_3 = arith.constant 0 : index
    %get3A_4 = vector.load %arg2[%get3A, %get3A_2, %get3A_3] : memref<1x1x2000xi32, #tpu.memory_space<vmem>>, vector<1x1x2000xi32>
    %get3A_5 = vector.shape_cast %get3A_4 : vector<1x1x2000xi32> to vector<1x2000xi32>
    %iota3A = tpu.iota {dimensions = array<i32: 0>} : vector<512x2000xi32>
    %eq3A_6 = vector.broadcast %get3A_5 : vector<1x2000xi32> to vector<512x2000xi32>
    %eq3A_7 = arith.cmpi eq, %iota3A, %eq3A_6 : vector<512x2000xi32>
    %convert_element_type3A_8 = arith.extui %eq3A_7 : vector<512x2000xi1> to vector<512x2000xi32>
    %convert_element_type3A_9 = arith.sitofp %convert_element_type3A_8 : vector<512x2000xi32> to vector<512x2000xf32>
    %get3A_10 = arith.constant 0 : index
    %get3A_11 = arith.constant 0 : index
    %get3A_12 = vector.load %arg8[%get3A_10, %get3A_11] : memref<512x64xf32, #tpu.memory_space<vmem>>, vector<512x64xf32>
    %get3A_13 = arith.constant 0 : index
    %get3A_14 = arith.constant 0 : index
    %get3A_15 = vector.load %arg1[%get3A_13, %get3A_14] : memref<2000x64xf32, #tpu.memory_space<vmem>>, vector<2000x64xf32>
    %dot_general3A = arith.constant dense<0.000000e+00> : vector<512x64xf32>
    %dot_general3A_16 = tpu.matmul %convert_element_type3A_9, %get3A_15, %dot_general3A {dimension_numbers = #tpu.dot_dimension_numbers<[1], [0], [0], [1], [0, 0, 1, 1], [], []>, transpose_lhs_hint = false} : vector<512x2000xf32>, vector<2000x64xf32>, vector<512x64xf32> -> vector<512x64xf32>
    %add3A = arith.addf %get3A_12, %dot_general3A_16 : vector<512x64xf32>
    %swap3A = arith.constant 0 : index
    %swap3A_17 = arith.constant 0 : index
    %swap3A_18 = vector.load %arg8[%swap3A, %swap3A_17] : memref<512x64xf32, #tpu.memory_space<vmem>>, vector<512x64xf32>
    tpu.vector_store %arg8[%swap3A, %swap3A_17], %add3A {strides = array<i32>} : memref<512x64xf32, #tpu.memory_space<vmem>>, vector<512x64xf32>,
    %reduce_sum3A = arith.constant dense<0.000000e+00> : vector<512xf32>
    %reduce_sum3A_19 = vector.multi_reduction <add>, %convert_element_type3A_9, %reduce_sum3A [1] : vector<512x2000xf32> to vector<512xf32>
    %broadcast_in_dim3A = vector.shape_cast %reduce_sum3A_19 : vector<512xf32> to vector<512x1xf32>
    %get3A_20 = arith.constant 0 : index
    %get3A_21 = arith.constant 0 : index
    %get3A_22 = vector.load %arg9[%get3A_20, %get3A_21] : memref<512x64xf32, #tpu.memory_space<vmem>>, vector<512x64xf32>
    %broadcast_in_dim3A_23 = vector.shape_cast %broadcast_in_dim3A : vector<512x1xf32> to vector<512x1xf32>
    %broadcast_in_dim3A_24 = vector.broadcast %broadcast_in_dim3A_23 : vector<512x1xf32> to vector<512x64xf32>
    %add3A_25 = arith.addf %get3A_22, %broadcast_in_dim3A_24 : vector<512x64xf32>
    %swap3A_26 = arith.constant 0 : index
    %swap3A_27 = arith.constant 0 : index
    %swap3A_28 = vector.load %arg9[%swap3A_26, %swap3A_27] : memref<512x64xf32, #tpu.memory_space<vmem>>, vector<512x64xf32>
    tpu.vector_store %arg9[%swap3A_26, %swap3A_27], %add3A_25 {strides = array<i32>} : memref<512x64xf32, #tpu.memory_space<vmem>>, vector<512x64xf32>,
    %eq3A_29 = arith.constant 24 : i32
    %eq3A_30 = arith.cmpi eq, %arg0, %eq3A_29 : i32
    %convert_element_type3A_31 = arith.extui %eq3A_30 : i1 to i32
    %cond3A_32 = arith.constant 0 : i32
    %cond3A_33 = arith.cmpi ne, %convert_element_type3A_31, %cond3A_32 : i32
    scf.if %cond3A_33 {
      %get3A_34 = arith.constant 0 : index
      %get3A_35 = arith.constant 0 : index
      %get3A_36 = vector.load %arg8[%get3A_34, %get3A_35] : memref<512x64xf32, #tpu.memory_space<vmem>>, vector<512x64xf32>
      %get3A_37 = arith.constant 0 : index
      %get3A_38 = arith.constant 0 : index
      %get3A_39 = vector.load %arg9[%get3A_37, %get3A_38] : memref<512x64xf32, #tpu.memory_space<vmem>>, vector<512x64xf32>
      %max3A = arith.constant 1.000000e+00 : f32
      %max3A_40 = vector.broadcast %max3A : f32 to vector<512x64xf32>
      %max3A_41 = arith.maximumf %get3A_39, %max3A_40 : vector<512x64xf32>
      %div3A = arith.divf %get3A_36, %max3A_41 : vector<512x64xf32>
      %get3A_42 = arith.constant 0 : index
      %get3A_43 = arith.constant 0 : index
      %get3A_44 = vector.load %arg3[%get3A_42, %get3A_43] : memref<64x32xf32, #tpu.memory_space<vmem>>, vector<64x32xf32>
      %dot_general3A_45 = arith.constant dense<0.000000e+00> : vector<512x32xf32>
      %dot_general3A_46 = tpu.matmul %div3A, %get3A_44, %dot_general3A_45 {dimension_numbers = #tpu.dot_dimension_numbers<[1], [0], [0], [1], [0, 0, 1, 1], [], []>, transpose_lhs_hint = false} : vector<512x64xf32>, vector<64x32xf32>, vector<512x32xf32> -> vector<512x32xf32>
      %get3A_47 = arith.constant 0 : index
      %get3A_48 = arith.constant 0 : index
      %get3A_49 = vector.load %arg4[%get3A_47, %get3A_48] : memref<1x32xf32, #tpu.memory_space<vmem>>, vector<1x32xf32>
      %add3A_50 = vector.broadcast %get3A_49 : vector<1x32xf32> to vector<512x32xf32>
      %add3A_51 = arith.addf %dot_general3A_46, %add3A_50 : vector<512x32xf32>
      %max3A_52 = arith.constant 0.000000e+00 : f32
      %max3A_53 = vector.broadcast %max3A_52 : f32 to vector<512x32xf32>
      %max3A_54 = arith.maximumf %add3A_51, %max3A_53 : vector<512x32xf32>
      %get3A_55 = arith.constant 0 : index
      %get3A_56 = arith.constant 0 : index
      %get3A_57 = vector.load %arg5[%get3A_55, %get3A_56] : memref<32x1xf32, #tpu.memory_space<vmem>>, vector<32x1xf32>
      %dot_general3A_58 = arith.constant dense<0.000000e+00> : vector<512x1xf32>
      %dot_general3A_59 = tpu.matmul %max3A_54, %get3A_57, %dot_general3A_58 {dimension_numbers = #tpu.dot_dimension_numbers<[1], [0], [0], [1], [0, 0, 1, 1], [], []>, transpose_lhs_hint = false} : vector<512x32xf32>, vector<32x1xf32>, vector<512x1xf32> -> vector<512x1xf32>
      %get3A_60 = arith.constant 0 : index
      %get3A_61 = arith.constant 0 : index
      %get3A_62 = vector.load %arg6[%get3A_60, %get3A_61] : memref<1x1xf32, #tpu.memory_space<vmem>>, vector<1x1xf32>
      %add3A_63 = vector.broadcast %get3A_62 : vector<1x1xf32> to vector<512x1xf32>
      %add3A_64 = arith.addf %dot_general3A_59, %add3A_63 : vector<512x1xf32>
      %neg3A = arith.constant 0.000000e+00 : f32
      %neg3A_65 = vector.broadcast %neg3A : f32 to vector<512x1xf32>
      %neg3A_66 = arith.subf %neg3A_65, %add3A_64 : vector<512x1xf32>
      %exp3A = math.exp %neg3A_66 : vector<512x1xf32>
      %add3A_67 = arith.constant 1.000000e+00 : f32
      %add3A_68 = vector.broadcast %add3A_67 : f32 to vector<512x1xf32>
      %add3A_69 = arith.addf %add3A_68, %exp3A : vector<512x1xf32>
      %div3A_70 = arith.constant 1.000000e+00 : f32
      %div3A_71 = vector.broadcast %div3A_70 : f32 to vector<512x1xf32>
      %div3A_72 = arith.divf %div3A_71, %add3A_69 : vector<512x1xf32>
      %swap3A_73 = arith.constant 0 : index
      %swap3A_74 = arith.constant 0 : index
      %swap3A_75 = vector.load %arg7[%swap3A_73, %swap3A_74] : memref<512x1xf32, #tpu.memory_space<vmem>>, vector<512x1xf32>
      tpu.vector_store %arg7[%swap3A_73, %swap3A_74], %div3A_72 {strides = array<i32>} : memref<512x1xf32, #tpu.memory_space<vmem>>, vector<512x1xf32>,
    } else {
    }
    return
  }
  func.func @transform_0(%arg0: i32) -> (i32, i32) {
    %c0_i32 = arith.constant 0 : i32
    %c0_i32_0 = arith.constant 0 : i32
    return %arg0, %c0_i32 : i32, i32
  }
  func.func @transform_1(%arg0: i32) -> (i32, i32, i32) {
    %c0_i32 = arith.constant 0 : i32
    %c0_i32_0 = arith.constant 0 : i32
    %c0_i32_1 = arith.constant 0 : i32
    return %arg0, %c0_i32, %c0_i32_0 : i32, i32, i32
  }
  func.func @transform_2(%arg0: i32) -> (i32, i32) {
    %c0_i32 = arith.constant 0 : i32
    %c0_i32_0 = arith.constant 0 : i32
    %c0_i32_1 = arith.constant 0 : i32
    return %c0_i32, %c0_i32_0 : i32, i32
  }
  func.func @transform_3(%arg0: i32) -> (i32, i32) {
    %c0_i32 = arith.constant 0 : i32
    %c0_i32_0 = arith.constant 0 : i32
    %c0_i32_1 = arith.constant 0 : i32
    return %c0_i32, %c0_i32_0 : i32, i32
  }
  func.func @transform_4(%arg0: i32) -> (i32, i32) {
    %c0_i32 = arith.constant 0 : i32
    %c0_i32_0 = arith.constant 0 : i32
    %c0_i32_1 = arith.constant 0 : i32
    return %c0_i32, %c0_i32_0 : i32, i32
  }
  func.func @transform_5(%arg0: i32) -> (i32, i32) {
    %c0_i32 = arith.constant 0 : i32
    %c0_i32_0 = arith.constant 0 : i32
    %c0_i32_1 = arith.constant 0 : i32
    return %c0_i32, %c0_i32_0 : i32, i32
  }
  func.func @transform_6(%arg0: i32) -> (i32, i32) {
    %c0_i32 = arith.constant 0 : i32
    %c0_i32_0 = arith.constant 0 : i32
    %c0_i32_1 = arith.constant 0 : i32
    return %c0_i32, %c0_i32_0 : i32, i32
  }
}

</mosaic_0001>

<sc_bundles>
// kernel: kernel.12.cloned.1.call-start
scs
__scs_entry_jumppad:
0x0: {  	(pc) =	sbr.rel $0x88, $3  }
0x1: {  	(tag) =	ssettag $0x0;
	lr =	simm.s32 $0x1  }
0x2: {  	[smem:$0x3F89] =	sst lr;
	_ =	strace $0xD0000000  }
0x3: {  	_ = 	snop  }
0x4: {  	_ = 	snop  }
0x5: {  	_ = 	snop  }
0x6: {  	_ = 	snop  }
0x7: {  	_ = 	snop  }
__scs_overlays_trampoline_lowered:
0x8: {  	[smem:$0x3F98] =	sst s0  }
0x9: {  	[smem:$0x3F99] =	sst s1  }
0xa: {  	[smem:$0x3F9A] =	sst s2  }
0xb: {  	[smem:$0x3F9B] =	sst s3  }
0xc: {  	[smem:$0x3F9C] =	sst s4  }
0xd: {  	[smem:$0x3F9D] =	sst s5  }
0xe: {  	[smem:$0x3F9E] =	sst s6  }
0xf: {  	[smem:$0x3F9F] =	sst s7  }
0x10: {  	[smem:$0x3FA0] =	sst s8  }
0x11: {  	[smem:$0x3FA1] =	sst s9;
	s0 =	simm.s32 @!p0 $0x0  }
0x12: {  	s1 =	sld [smem:$0x3F87];
	s0 =	simm.s32 @p0 $0x1  }
0x13: {  	[smem:$0x3FA2] =	sst s0;
	s0 =	simm.s32 @!p1 $0x0  }
0x14: {  	s2 =	sld [smem:$0x3F86];
	s0 =	simm.s32 @p1 $0x1  }
0x15: {  	[smem:$0x3FA3] =	sst s0;
	s0 =	simm.s32 @!p2 $0x0  }
0x16: {  	s3 =	sld [smem:$0x3FDB];
	s0 =	simm.s32 @p2 $0x1  }
0x17: {  	s4 =	simm.s32 $0x1BF5;
	[smem:$0x3FA5] =	sst s0  }
0x18: {  	s0 =	sld [smem:$0x3F88];
	_ =	swait.ge [sflag:s4], $0x0  }
0x19: {  	s7 =	sld [smem:$0x3F89]  }
0x1a: {  	s8 =	sadd.s32 $0xFFFFE003, lr  }
0x1b: {  	s9 =	sadd.s32 $0xFFFFFEF7, lr;
	s5 =	simm.s32 $0xFFFFFFFF;
	p2 =	slt.u32 s8, $0xFFFFF086  }
0x1c: {  	p1 =	slt.u32 s9, $0xF7A;
	s5 =	simm.s32 @!p2 $0x0  }
0x1d: {  	s5 =	simm.s32 @p1 $0x1;
	p0 =	seq.s32 s7, s2  }
0x1e: {  	s7 =	smul.u32 @!p0 $0xF7A, s2;
	p2 =	seq.s32 @!p0 s5, $0x0  }
0x1f: {  	s9 =	smul.u32 $0xF7A, s1;
	s8 =	simm.s32 @!p0 $0x1BF5;
	p2 =	por !p2, p0  }
0x20: {  	[sflag:s8] =	ssyncset.s32 @!p0 $0xFFFFF086;
	s6 =	sadd.s32 @!p0 s3, s7;
	s7 =	simm.s32 @!p0 $0x108  }
0x21: {  	s3 =	sadd.s32 s3, s9;
	s6 =	sadd.s32 @!p0 $0x88, s6;
	s7 =	simm.s32 @p2 $0x1082  }
0x22: {  	[simem:s7], [sflag:s8] =	dma.local @!p0 [hbm:s6], $0xF7A  }
0x23: {  	s9 =	sor.u32 $0xD0000000, s2;
	s6 =	simm.s32 $0x108;
	_ =	swait.ge @!p0 [sflag:s8], $0x0  }
0x24: {  	s3 =	sadd.s32 $0x88, s3;
	s6 =	simm.s32 @!p1 $0x1082;
	[sflag:s4] =	ssyncset.s32 $0xFFFFF086  }
0x25: {  	[simem:s6], [sflag:s4] =	dma.local [hbm:s3], $0xF7A  }
0x26: {  	[smem:$0x3F89] =	sst s1;
	(tag) =	ssettag s2;
	_ =	strace s9  }
0x27: {  	s1 =	sld [smem:$0x3F99]  }
0x28: {  	s2 =	sld [smem:$0x3F9A]  }
0x29: {  	s4 =	sld [smem:$0x3F9C]  }
0x2a: {  	p0 =	seq.s32 s5, $0x0;
	s5 =	sld [smem:$0x3F9D]  }
0x2b: {  	s6 =	sld [smem:$0x3F9E]  }
0x2c: {  	s7 =	sld [smem:$0x3F9F]  }
0x2d: {  	s3 =	simm.s32 $0x108;
	s8 =	sld [smem:$0x3FA0]  }
0x2e: {  	s3 =	simm.s32 @!p0 $0x1082;
	s9 =	sld [smem:$0x3FA1]  }
0x2f: {  	lr =	sadd.s32 s0, s3;
	s0 =	sld [smem:$0x3F98]  }
0x30: {  	s3 =	sld [smem:$0x3F9B]  }
0x31: {  	[smem:$0x3FA4] =	sst s10  }
0x32: {  	s10 =	sld [smem:$0x3FA2];
	_ =	sdelay $0x3  }
0x33: {  	p0 =	seq.s32 s10, $0x1;
	s10 =	sld [smem:$0x3FA4];
	_ =	sdelay $0x3  }
0x34: {  	[smem:$0x3FA4] =	sst s10  }
0x35: {  	s10 =	sld [smem:$0x3FA3];
	_ =	sdelay $0x3  }
0x36: {  	p1 =	seq.s32 s10, $0x1;
	s10 =	sld [smem:$0x3FA4];
	_ =	sdelay $0x3  }
0x37: {  	[smem:$0x3FA4] =	sst s10  }
0x38: {  	s10 =	sld [smem:$0x3FA5]  }
0x39: {  	_ = 	snop;
	(pc) =	sbr.ind lr, $3  }
0x3a: {  	_ = 	snop  }
0x3b: {  	_ = 	snop  }
0x3c: {  	p2 =	seq.s32 s10, $0x1;
	s10 =	sld [smem:$0x3FA4]  }
0x3d: {  	_ =	shalt  }
0x3e: {  	_ =	shalt  }
0x3f: {  	_ =	shalt  }
0x40: {  	_ =	shalt  }
0x41: {  	_ =	shalt  }
0x42: {  	_ =	shalt  }
0x43: {  	_ =	shalt  }
0x44: {  	_ =	shalt  }
0x45: {  	_ =	shalt  }
0x46: {  	_ =	shalt  }
0x47: {  	_ =	shalt  }
0x48: {  	_ =	shalt  }
0x49: {  	_ =	shalt  }
0x4a: {  	_ =	shalt  }
0x4b: {  	_ =	shalt  }
0x4c: {  	_ =	shalt  }
0x4d: {  	_ =	shalt  }
0x4e: {  	_ =	shalt  }
0x4f: {  	_ =	shalt  }
0x50: {  	_ =	shalt  }
0x51: {  	_ =	shalt  }
0x52: {  	_ =	shalt  }
0x53: {  	_ =	shalt  }
0x54: {  	_ =	shalt  }
0x55: {  	_ =	shalt  }
0x56: {  	_ =	shalt  }
0x57: {  	_ =	shalt  }
0x58: {  	_ =	shalt  }
0x59: {  	_ =	shalt  }
0x5a: {  	_ =	shalt  }
0x5b: {  	_ =	shalt  }
0x5c: {  	_ =	shalt  }
0x5d: {  	_ =	shalt  }
0x5e: {  	_ =	shalt  }
0x5f: {  	_ =	shalt  }
0x60: {  	_ =	shalt  }
0x61: {  	_ =	shalt  }
0x62: {  	_ =	shalt  }
0x63: {  	_ =	shalt  }
0x64: {  	_ =	shalt  }
0x65: {  	_ =	shalt  }
0x66: {  	_ =	shalt  }
0x67: {  	_ =	shalt  }
0x68: {  	_ =	shalt  }
0x69: {  	_ =	shalt  }
0x6a: {  	_ =	shalt  }
0x6b: {  	_ =	shalt  }
0x6c: {  	_ =	shalt  }
0x6d: {  	_ =	shalt  }
0x6e: {  	_ =	shalt  }
0x6f: {  	_ =	shalt  }
0x70: {  	_ =	shalt  }
0x71: {  	_ =	shalt  }
0x72: {  	_ =	shalt  }
0x73: {  	_ =	shalt  }
0x74: {  	_ =	shalt  }
0x75: {  	_ =	shalt  }
0x76: {  	_ =	shalt  }
0x77: {  	_ =	shalt  }
0x78: {  	_ =	shalt  }
0x79: {  	_ =	shalt  }
0x7a: {  	_ =	shalt  }
0x7b: {  	_ =	shalt  }
0x7c: {  	_ =	shalt  }
0x7d: {  	_ =	shalt  }
0x7e: {  	_ =	shalt  }
0x7f: {  	_ =	shalt  }
0x80: {  	_ =	shalt  }
0x81: {  	_ =	shalt  }
0x82: {  	_ =	shalt  }
0x83: {  	_ =	shalt  }
0x84: {  	_ =	shalt  }
0x85: {  	_ =	shalt  }
0x86: {  	_ =	shalt  }
0x87: {  	_ =	shalt  }
.Lfunc_end0:
.L_simem_size_0:
called_computation.1_lowered:
.L_overlay_start_0:
0x88: {  	s2 =	sld [smem:$0x3FD9]  }
0x89: {  	s3 =	sld [smem:$0x3FFE];
	_ =	sdelay $0x1  }
0x8a: {  	s1 =	srdreg.scid  }
0x8b: {  	s0 =	sand.u32 $0x1, s1  }
0x8c: {  	s16 =	sshll.u32 s0, $0xA;
	s2 =	sadd.s32 s3, s2  }
0x8d: {  	s2 =	sadd.s32 s2, s16  }
0x8e: {  	[smem:$0x3FB0] =	sst s2  }
0x8f: {  	_ = 	snop  }
0x90: {  	(tm) =	ssettm $0x1  }
0x91: {  	s17 =	sld [smem:$0x3FFB];
	_ =	sdelay $0x3  }
0x92: {  	_ =	strace s17  }
0x93: {  	s2 =	sld [smem:$0x3FFC];
	_ =	sdelay $0x3  }
0x94: {  	_ =	strace s2  }
0x95: {  	s2 =	sld [smem:$0x3FFD];
	_ =	sdelay $0x3  }
0x96: {  	_ =	strace s2  }
0x97: {  	_ =	strace $0x8FFFFFFF  }
0x98: {  	s18 =	sld [smem:$0x3FDB];
	_ =	sdelay $0x1  }
0x99: {  	s19 =	simm.s32 $_scs_section_size  }
0x9a: {  	s4 =	simm.s32 $_size__tile_overlayer_lowered;
	s5 =	simm.s32 $_tile_overlayer_lowered  }
0x9b: {  	s22 =	simm.s32 $0x1BFF;
	s21 =	sshll.u32 s5, $0x1;
	s2 =	sadd.s32 s19, s18  }
0x9c: {  	s6 =	simm.s32 $0x0;
	s20 =	sshll.u32 s4, $0x1;
	s4 =	sadd.s32 s21, s2  }
0x9d: {  	[timem:s6], [sflag:s22] =	dma.local [hbm:s4], s20  }
0x9e: {  	_ =	swait.ge [sflag:s22], s20  }
0x9f: {  	s3 =	ssub.s32 $0x0, s20;
	[sflag:s22] =	ssyncset.done $0x0  }
0xa0: {  	[sflag:s22] =	ssyncadd.s32 s3;
	_ =	sdelay $0x1  }
0xa1: {  	s23 =	simm.s32 $0x1B8B  }
0xa2: {  	_ =	swait.ge [sflag:s23], $0x1  }
0xa3: {  	[sflag:s23] =	ssyncset.done $0x0  }
0xa4: {  	s25 =	simm.s32 $0x1B8E;
	s24 =	sld [smem:$0x3FFE];
	[sflag:s23] =	ssyncadd.s32 $0xFFFFFFFF  }
0xa5: {  	s26 =	simm.s32 $execute0_lowered;
	[smem:$0x3FD2] =	sst s25  }
0xa6: {  	s4 =	sshll.u32 s26, $0x1;
	_ =	strace $0x80000049;
	[dreg:$0x1] =	wrdreg $0xFFFFFFFF  }
0xa7: {  	s28 =	simm.s32 $_size_execute0_lowered;
	s2 =	sadd.s32 s2, s4;
	[dreg:$0x0] =	wrdreg $0x0  }
0xa8: {  	s4 =	sshll.u32 s28, $0x1;
	[dreg:$0x2] =	wrdreg s2  }
0xa9: {  	[dreg:$0x3] =	wrdreg s4  }
0xaa: {  	[dreg:$0x4] =	wrdreg $0xC0  }
0xab: {  	_ =	task [dreg:s6], $0x5FFFF  }
0xac: {  	[dreg:$0x1] =	wrdreg $0xFFFFFFFF  }
0xad: {  	[dreg:$0x0] =	wrdreg $0x60  }
0xae: {  	[dreg:$0x2] =	wrdreg s24  }
0xaf: {  	[dreg:$0x3] =	wrdreg $0x9  }
0xb0: {  	_ =	task.clear_ibuf [dreg:s6], $0x4FFFF;
	_ =	strace $0x90000049  }
0xb1: {  	s29 =	simm.s32 $0x9;
	_ =	strace $0x8000004B  }
0xb2: {  	_ =	swait.ge [sflag:s29], $0x1  }
0xb3: {  	[sflag:s29] =	ssyncadd.s32 $0xFFFFFFFF  }
0xb4: {  	_ =	strace $0x9000004B  }
0xb5: {  	_ =	sfence  }
0xb6: {  	s30 =	sld [smem:$0x0];
	_ =	sdelay $0x2  }
0xb7: {  	s31 =	sshll.u32 s1, $0xD;
	s1 =	sshrl.u32 s1, $0x2  }
0xb8: {  	s3 =	sand.u32 $0x4000, s31;
	s1 =	sadd.s32 s1, s30  }
0xb9: {  	s0 =	sor.u32 s3, s0;
	s1 =	sshll.u32 s1, $0x11  }
0xba: {  	s0 =	sor.u32 s1, s0  }
0xbb: {  	s0 =	sadd.s32 $0x8F2B, s0  }
0xbc: {  	[sflag:s0] =	ssyncadd.remote.s32 $0x1  }
0xbd: {  	_ =	sfence.sel $0xFFFF  }
0xbe: {  	[dreg:$0x0] =	wrdreg $0xFFFFFFFF;
	(pc) =	sbr.abs _section_cstart, $3  }
0xbf: {  	[dreg:$0x1] =	wrdreg $0xFFFFFFFF  }
0xc0: {  	_ =	task.clear_ibuf [dreg:s6], $0x2FFFF;
	_ =	strace $0x9FFFFFFF  }
0xc1: {  	(tm) =	ssettm $0x7FFFFFFF  }
tec
execute0_lowered:
.L_overlay_start_1:
0x0: {  	(tag) =	ssettag $0x1  }
0x1: {  	s0 =	rddreg [dreg:$0x0]  }
0x2: {  	s1 =	simm.s32 $0x0;
	s5 =	srdreg.scid;
	s9 =	stileid.u32  }
0x3: {  	s15 =	simm.s32 $0x1E700;
	s16 =	simm.s32 $0x5;
	s17 =	simm.s32 $0x1E710  }
0x4: {  	s18 =	simm.s32 $0x6000;
	s19 =	simm.s32 $0x12380;
	s20 =	simm.s32 $0x3000  }
0x5: {  	s21 =	simm.s32 $0x1;
	s22 =	simm.s32 $0x2;
	s23 =	simm.s32 $0x1800  }
0x6: {  	s24 =	simm.s32 $0x4800;
	s25 =	simm.s32 $0x3;
	s26 =	simm.s32 $0x4  }
0x7: {  	s28 =	simm.s32 $0x0;
	[smem:$0x7FF] =	sst s1;
	s4 =	sadd.s32 $0x43800, s0  }
0x8: {  	s2 =	sadd.s32 $0x29200, s0;
	s3 =	sadd.s32 $0x2800, s0;
	s10 =	sadd.s32 $0x137E00, s0  }
0x9: {  	s6 =	sand.u32 $0x1, s5;
	s11 =	sadd.s32 $0x137C00, s0;
	s5 =	sadd.s32 $0x41E00, s0  }
0xa: {  	s0 =	sadd.s32 $0xA5400, s0;
	s7 =	ssub.s32 $0x2, s6;
	s6 =	sshll.u32 s6, $0x4  }
0xb: {  	_ =	strace $0x8000004A;
	s8 =	sshrl.u32 s7, $0x1;
	s6 =	sor.u32 s9, s6  }
0xc: {  	s14 =	ssub.s32 s7, s8;
	s31 =	sshll.u32 s6, $0x1;
	s9 =	smul.u32 $0x1870, s6  }
0xd: {  	s12 =	sor.u32 $0x20, s6;
	s6 =	sadd.s32 s10, s31;
	s7 =	sadd.s32 s11, s31  }
0xe: {  	s13 =	smul.u32 $0x1870, s12;
	s12 =	sshll.u32 s12, $0x1;
	s14 =	smax.u32 s14, $0x1  }
0xf: {  	s8 =	sadd.s32 s4, s9;
	s9 =	sadd.s32 s0, s9;
	s10 =	sadd.s32 s10, s12  }
0x10: {  	s11 =	sadd.s32 s11, s12;
	s12 =	sadd.s32 s4, s13;
	s13 =	sadd.s32 s0, s13  }
.LBB2_1:
0x11: {  	[tilespmem:s15], [sflag:$0x5] =	stream.linear.gather [hbm4b:s6+s1], $0x10, $0x38;
	[tilespmem:$0x1E720] =	vst v63  }
0x12: {  	_ =	swait.ge [sflag:s16], $0x10  }
0x13: {  	[sflag:s16] =	ssyncset.done $0x0  }
0x14: {  	[sflag:s16] =	ssyncadd.s32 $0xFFFFFFF0  }
0x15: {  	[tilespmem:s17], [sflag:$0x5] =	stream.linear.gather [hbm4b:s7+s1], $0x10, $0x38;
	[tilespmem:$0x1E720] =	vst v63  }
0x16: {  	_ =	swait.ge [sflag:s16], $0x10  }
0x17: {  	[sflag:s16] =	ssyncset.done $0x0  }
0x18: {  	[sflag:s16] =	ssyncadd.s32 $0xFFFFFFF0  }
0x19: {  	v0 =	vld [tilespmem:$0x1E700]  }
0x1a: {  	v1 =	vld [tilespmem:$0x1E710];
	[tilespmem:s18], [sflag:$0x1] =	stream.linear.gather [hbm4b:s8+s1], $0xC380, $0x38  }
0x1b: {  	_ = 	snop  }
0x1c: {  	[tilespmem:s19], [sflag:$0x2] =	stream.linear.gather [hbm4b:s5+s1], $0xC380, $0x38;
	[tilespmem:$0x1E720] =	vst v63  }
0x1d: {  	_ = 	snop  }
0x1e: {  	[tilespmem:s1], [sflag:$0x3] =	stream.linear.gather [hbm4b:s2+s1], $0x1800, $0x38;
	[tilespmem:$0x1E720] =	vst v63  }
0x1f: {  	_ = 	snop  }
0x20: {  	[tilespmem:s20], [sflag:$0x3] =	stream.linear.gather [hbm4b:s3+s1], $0x1800, $0x38;
	[tilespmem:$0x1E720] =	vst v63  }
0x21: {  	_ =	swait.ge [sflag:s21], $0xC380  }
0x22: {  	[sflag:s21] =	ssyncset.done $0x0  }
0x23: {  	[sflag:s21] =	ssyncadd.s32 $0xFFFF3C80  }
0x24: {  	_ =	swait.ge [sflag:s22], $0xC380  }
0x25: {  	[sflag:s22] =	ssyncset.done $0x0  }
0x26: {  	s29 =	simm.s32 $0x0;
	[sflag:s22] =	ssyncadd.s32 $0xFFFF3C80  }
.LBB2_2:
0x27: {  	s30 =	smul.u32 $0x3000, s29;
	_ =	sdelay $0x1  }
0x28: {  	s0 =	sshrl.u32 s30, $0x3  }
0x29: {  	s0 =	sadd.s32 $0x300, s0  }
0x2a: {  	s4 =	sadd.s32 s2, s0  }
0x2b: {  	[tilespmem:s23], [sflag:$0x4] =	stream.linear.gather [hbm4b:s4+s1], $0x1800, $0x38;
	[tilespmem:$0x1E720] =	vst v63  }
0x2c: {  	s0 =	sadd.s32 s3, s0  }
0x2d: {  	[tilespmem:s24], [sflag:$0x4] =	stream.linear.gather [hbm4b:s0+s1], $0x1800, $0x38;
	[tilespmem:$0x1E720] =	vst v63  }
0x2e: {  	_ =	swait.ge [sflag:s25], $0x1800  }
0x2f: {  	[sflag:s25] =	ssyncset.done $0x0  }
0x30: {  	[sflag:s25] =	ssyncadd.s32 $0xFFFFE800  }
0x31: {  	_ =	swait.ge [sflag:s25], $0x1800  }
0x32: {  	[sflag:s25] =	ssyncset.done $0x0  }
0x33: {  	s4 =	simm.s32 $0x10;
	[sflag:s25] =	ssyncadd.s32 $0xFFFFE800  }
0x34: {  	v3 =	vld [tilespmem:s4+$0x0];
	_ =	sdelay $0x3  }
0x35: {  	v5 =	vld [tilespmem:s4+$0xFFFFFFF0]  }
0x36: {  	v4 =	vand.u32 $0xFFFF, v3  }
0x37: {  	s0 =	simm.s32 $0x30  }
0x38: {  	s4 =	simm.s32 $0x3010;
	v2 =	vld [tilespmem:s0+$0x0]  }
0x39: {  	v6 =	vld [tilespmem:s4+$0x0]  }
0x3a: {  	v7 =	vand.u32 $0xFFFF, v5  }
0x3b: {  	v8 =	vld.idx.msk [tilespmem:v4+s18+$0x0], $0xffff  }
0x3c: {  	v10 =	vld [tilespmem:s0+$0xFFFFFFF0]  }
0x3d: {  	v9 =	vld [tilespmem:s4+$0xFFFFFFF0];
	v11 =	vand.u32 $0xFFFF, v2  }
0x3e: {  	v6 =	vmul.f32 v6, v0  }
0x3f: {  	s4 =	simm.s32 $0x50;
	v12 =	vld.idx.msk [tilespmem:v7+s18+$0x0], $0xffff  }
0x40: {  	s31 =	simm.s32 $0x3030;
	v13 =	vshrl.u32 v3, $0x10;
	v4 =	vld [tilespmem:s4+$0x0];
	v3 =	vadd.f32 v6, v8  }
0x41: {  	v14 =	vld [tilespmem:s31+$0x0]  }
0x42: {  	v15 =	vmul.f32 v9, v0;
	v9 =	vld.idx.msk [tilespmem:v11+s18+$0x0], $0xffff;
	v8 =	vand.u32 $0xFFFF, v10;
	v3 =	vadd.f32 v3, v1  }
0x43: {  	v6 =	vld [tilespmem:s4+$0xFFFFFFF0]  }
0x44: {  	v7 =	vld [tilespmem:s31+$0xFFFFFFF0];
	v11 =	vmax.f32 v3, $0.0e+00  }
0x45: {  	v15 =	vadd.f32 v15, v12;
	[tilespmem:v13+s19+$0x0] =	vst.idx.add.f32.msk $0xffff, v11;
	v11 =	vand.u32 $0xFFFF, v4  }
0x46: {  	v12 =	vmul.f32 v14, v0  }
0x47: {  	s0 =	simm.s32 $0x4;
	v5 =	vshrl.u32 v5, $0x10;
	s4 =	simm.s32 $0x70;
	v3 =	vshrl.u32 v10, $0x10;
	v10 =	vadd.f32 v15, v1;
	v8 =	vld.idx.msk [tilespmem:v8+s18+$0x0], $0xffff  }
.LBB2_3:
0x48: {  	s0 =	sadd.s32 $0x2, s0;
	v13 =	vand.u32 $0xFFFF, v6;
	v14 =	vshrl.u32 v2, $0x10;
	v12 =	vadd.f32 v12, v9;
	s31 =	sadd.s32 $0x20, s31;
	v2 =	vmovc v4;
	v4 =	vld [tilespmem:s4+$0x0]  }
0x49: {  	v15 =	vshrl.u32 v6, $0x10;
	v18 =	vmax.f32 v10, $0.0e+00;
	p0 =	slt.u32 s0, $0x17E;
	v16 =	vld [tilespmem:s31+$0x0];
	v17 =	vmul.f32 v7, v0  }
0x4a: {  	v9 =	vld.idx.msk [tilespmem:v11+s18+$0x0], $0xffff;
	v10 =	vadd.f32 v12, v1  }
.Ltmp0:
0x4b: {  	v6 =	vld [tilespmem:s4+$0xFFFFFFF0];
	(pc) =	sbr.rel @p0 .LBB2_3-.Ltmp0, $4  }
0x4c: {  	v17 =	vadd.f32 v17, v8;
	v7 =	vld [tilespmem:s31+$0xFFFFFFF0];
	v8 =	vmax.f32 v10, $0.0e+00  }
0x4d: {  	v11 =	vand.u32 $0xFFFF, v4;
	[tilespmem:v14+s19+$0x0] =	vst.idx.add.f32.msk $0xffff, v8  }
0x4e: {  	v10 =	vadd.f32 v17, v1;
	v8 =	vld.idx.msk [tilespmem:v13+s18+$0x0], $0xffff;
	v12 =	vmul.f32 v16, v0  }
0x4f: {  	s4 =	sadd.s32 $0x20, s4;
	[tilespmem:v5+s19+$0x0] =	vst.idx.add.f32.msk $0xffff, v18;
	v5 =	vmov v3;
	v3 =	vmov v15  }
0x50: {  	_ =	sdelay $0x1  }
0x51: {  	v13 =	vand.u32 $0xFFFF, v6;
	s0 =	sadd.s32 $0x20, s31  }
0x52: {  	v14 =	vld [tilespmem:s0+$0x0]  }
0x53: {  	v11 =	vld.idx.msk [tilespmem:v11+s18+$0x0], $0xffff  }
0x54: {  	v15 =	vld [tilespmem:s0+$0xFFFFFFF0]  }
0x55: {  	v9 =	vadd.f32 v12, v9;
	v2 =	vshrl.u32 v2, $0x10  }
0x56: {  	v7 =	vmul.f32 v7, v0;
	v12 =	vld.idx.msk [tilespmem:v13+s18+$0x0], $0xffff  }
0x57: {  	v9 =	vadd.f32 v9, v1;
	v13 =	vmul.f32 v14, v0  }
0x58: {  	v7 =	vadd.f32 v7, v8  }
0x59: {  	v8 =	vmax.f32 v9, $0.0e+00;
	v11 =	vadd.f32 v13, v11;
	v13 =	vmul.f32 v15, v0  }
0x5a: {  	v4 =	vshrl.u32 v4, $0x10;
	[tilespmem:v2+s19+$0x0] =	vst.idx.add.f32.msk $0xffff, v8;
	v2 =	vadd.f32 v7, v1  }
0x5b: {  	v6 =	vshrl.u32 v6, $0x10;
	v9 =	vadd.f32 v11, v1;
	v11 =	vadd.f32 v13, v12  }
0x5c: {  	v10 =	vmax.f32 v10, $0.0e+00  }
0x5d: {  	p0 =	seq.s32 s29, $0x41;
	[tilespmem:v5+s19+$0x0] =	vst.idx.add.f32.msk $0xffff, v10;
	v2 =	vmax.f32 v2, $0.0e+00;
	v7 =	vadd.f32 v11, v1  }
0x5e: {  	s0 =	sshrl.u32 @!p0 s30, $0x3;
	[tilespmem:v3+s19+$0x0] =	vst.idx.add.f32.msk $0xffff, v2;
	v5 =	vmax.f32 v9, $0.0e+00  }
0x5f: {  	s0 =	sadd.s32 @!p0 $0x600, s0;
	[tilespmem:v4+s19+$0x0] =	vst.idx.add.f32.msk $0xffff, v5;
	v2 =	vmax.f32 v7, $0.0e+00  }
0x60: {  	s30 =	simm.s32 @!p0 $0x0;
	s4 =	sadd.s32 @!p0 s2, s0;
	[tilespmem:v6+s19+$0x0] =	vst.idx.add.f32.msk $0xffff, v2  }
0x61: {  	[tilespmem:s30], [sflag:$0x3] =	stream.linear.gather @!p0 [hbm4b:s4+s30], $0x1800, $0x38;
	[tilespmem:$0x1E720] =	vst v63  }
0x62: {  	s0 =	sadd.s32 @!p0 s3, s0;
	s4 =	simm.s32 @!p0 $0x3000  }
0x63: {  	[tilespmem:s4], [sflag:$0x3] =	stream.linear.gather @!p0 [hbm4b:s0+s30], $0x1800, $0x38;
	[tilespmem:$0x1E720] =	vst v63  }
0x64: {  	_ =	swait.ge [sflag:s26], $0x1800  }
0x65: {  	[sflag:s26] =	ssyncset.done $0x0  }
0x66: {  	[sflag:s26] =	ssyncadd.s32 $0xFFFFE800  }
0x67: {  	_ =	swait.ge [sflag:s26], $0x1800  }
0x68: {  	s4 =	simm.s32 $0x0;
	[sflag:s26] =	ssyncset.done $0x0  }
0x69: {  	s0 =	sand.u32 $0x1FE0, s4;
	[sflag:s26] =	ssyncadd.s32 $0xFFFFE800  }
0x6a: {  	v3 =	vld [tilespmem:s0+$0x1810];
	_ =	sdelay $0x4  }
0x6b: {  	s4 =	simm.s32 $0x20;
	v2 =	vand.u32 $0xFFFF, v3  }
0x6c: {  	s4 =	sand.u32 $0x1FE0, s4;
	v4 =	vld [tilespmem:s0+$0x1800]  }
0x6d: {  	v5 =	vld [tilespmem:s4+$0x1810]  }
0x6e: {  	v6 =	vld [tilespmem:s0+$0x4810];
	_ =	sdelay $0x1  }
0x6f: {  	v7 =	vld.idx.msk [tilespmem:v2+s18+$0x0], $0xffff  }
0x70: {  	v10 =	vld [tilespmem:s4+$0x1800]  }
0x71: {  	v9 =	vld [tilespmem:s0+$0x4800];
	s0 =	simm.s32 $0x40;
	v11 =	vand.u32 $0xFFFF, v5  }
0x72: {  	v12 =	vld [tilespmem:s4+$0x4800];
	s0 =	sand.u32 $0x1FE0, s0;
	v8 =	vand.u32 $0xFFFF, v4;
	v6 =	vmul.f32 v6, v0  }
0x73: {  	v2 =	vld [tilespmem:s0+$0x1810]  }
0x74: {  	v3 =	vshrl.u32 v3, $0x10;
	v6 =	vadd.f32 v6, v7;
	v7 =	vld [tilespmem:s4+$0x4810]  }
0x75: {  	v14 =	vld [tilespmem:s0+$0x1800];
	v13 =	vand.u32 $0xFFFF, v10  }
0x76: {  	v11 =	vld.idx.msk [tilespmem:v11+s18+$0x0], $0xffff;
	v6 =	vadd.f32 v6, v1  }
0x77: {  	v8 =	vld.idx.msk [tilespmem:v8+s18+$0x0], $0xffff  }
0x78: {  	v15 =	vld [tilespmem:s0+$0x4800];
	v16 =	vand.u32 $0xFFFF, v2;
	v6 =	vmax.f32 v6, $0.0e+00  }
0x79: {  	s4 =	simm.s32 $0x60;
	[tilespmem:v3+s19+$0x0] =	vst.idx.add.f32.msk $0xffff, v6;
	v6 =	vmul.f32 v7, v0  }
0x7a: {  	v13 =	vld.idx.msk [tilespmem:v13+s18+$0x0], $0xffff;
	s30 =	sand.u32 $0x1FE0, s4;
	v7 =	vmul.f32 v9, v0  }
0x7b: {  	v17 =	vshrl.u32 v5, $0x10;
	v18 =	vand.u32 $0xFFFF, v14;
	v3 =	vld [tilespmem:s30+$0x1810];
	v5 =	vadd.f32 v6, v11  }
0x7c: {  	v19 =	vld [tilespmem:s0+$0x4810];
	v6 =	vadd.f32 v7, v8  }
0x7d: {  	v9 =	vld.idx.msk [tilespmem:v16+s18+$0x0], $0xffff;
	v7 =	vmul.f32 v12, v0;
	v11 =	vadd.f32 v5, v1;
	v5 =	vshrl.u32 v4, $0x10  }
0x7e: {  	v8 =	vld [tilespmem:s30+$0x1800];
	v12 =	vadd.f32 v6, v1;
	v4 =	vshrl.u32 v10, $0x10  }
0x7f: {  	v10 =	vld [tilespmem:s30+$0x4800];
	v13 =	vadd.f32 v7, v13;
	v6 =	vshrl.u32 v14, $0x10;
	v7 =	vmul.f32 v15, v0  }
0x80: {  	v14 =	vand.u32 $0xFFFF, v3;
	v16 =	vmax.f32 v11, $0.0e+00;
	v11 =	vmax.f32 v12, $0.0e+00;
	v12 =	vld.idx.msk [tilespmem:v18+s18+$0x0], $0xffff  }
0x81: {  	s31 =	simm.s32 $0x6;
	s0 =	simm.s32 $0x80;
	v15 =	vmul.f32 v19, v0;
	v13 =	vadd.f32 v13, v1;
	[tilespmem:v17+s19+$0x0] =	vst.idx.add.f32.msk $0xffff, v16  }
.LBB2_5:
0x82: {  	s4 =	sand.u32 $0x1FE0, s0;
	s31 =	sadd.s32 $0x2, s31;
	[tilespmem:v5+s19+$0x0] =	vst.idx.add.f32.msk $0xffff, v11;
	v5 =	vmov v4;
	v4 =	vmov v6  }
0x83: {  	v17 =	vshrl.u32 v2, $0x10;
	v2 =	vmovc v3;
	p0 =	slt.u32 s31, $0x17E;
	v16 =	vand.u32 $0xFFFF, v8;
	v15 =	vadd.f32 v15, v9;
	v3 =	vld [tilespmem:s4+$0x1810]  }
0x84: {  	v6 =	vshrl.u32 v8, $0x10;
	v11 =	vmax.f32 v13, $0.0e+00;
	v18 =	vmul.f32 v10, v0;
	v19 =	vld [tilespmem:s30+$0x4810];
	s30 =	smov.u32 s4  }
.Ltmp1:
0x85: {  	v9 =	vld.idx.msk [tilespmem:v14+s18+$0x0], $0xffff;
	v13 =	vadd.f32 v15, v1;
	(pc) =	sbr.rel @p0 .LBB2_5-.Ltmp1, $4  }
0x86: {  	v8 =	vld [tilespmem:s30+$0x1800]  }
0x87: {  	v20 =	vadd.f32 v7, v12;
	v7 =	vmov v18;
	v10 =	vld [tilespmem:s30+$0x4800];
	v12 =	vmax.f32 v13, $0.0e+00  }
0x88: {  	v14 =	vand.u32 $0xFFFF, v3;
	[tilespmem:v17+s19+$0x0] =	vst.idx.add.f32.msk $0xffff, v12  }
0x89: {  	s0 =	sadd.s32 $0x20, s0;
	v13 =	vadd.f32 v20, v1;
	v12 =	vld.idx.msk [tilespmem:v16+s18+$0x0], $0xffff;
	v15 =	vmul.f32 v19, v0  }
0x8a: {  	_ = 	snop  }
0x8b: {  	v16 =	vand.u32 $0xFFFF, v8;
	_ =	sdelay $0x1  }
0x8c: {  	v17 =	vld [tilespmem:s30+$0x4810];
	_ =	sdelay $0x1  }
0x8d: {  	v14 =	vld.idx.msk [tilespmem:v14+s18+$0x0], $0xffff  }
0x8e: {  	v2 =	vshrl.u32 v2, $0x10;
	v9 =	vadd.f32 v15, v9;
	v16 =	vld.idx.msk [tilespmem:v16+s18+$0x0], $0xffff;
	_ =	sdelay $0x1  }
0x8f: {  	v9 =	vadd.f32 v9, v1;
	v17 =	vmul.f32 v17, v0  }
0x90: {  	v10 =	vmul.f32 v10, v0;
	v7 =	vadd.f32 v7, v12  }
0x91: {  	v3 =	vshrl.u32 v3, $0x10;
	s29 =	sadd.s32 $0x1, s29;
	v59 =	vmax.f32 v9, $0.0e+00;
	v14 =	vadd.f32 v17, v14  }
0x92: {  	v58 =	vshrl.u32 v8, $0x10;
	p0 =	sne.s32 s29, $0x42;
	[tilespmem:v2+s19+$0x0] =	vst.idx.add.f32.msk $0xffff, v59;
	v2 =	vadd.f32 v7, v1;
	v10 =	vadd.f32 v10, v16  }
.Ltmp2:
0x93: {  	[tilespmem:v5+s19+$0x0] =	vst.idx.add.f32.msk $0xffff, v11;
	v61 =	vmax.f32 v13, $0.0e+00;
	v60 =	vadd.f32 v14, v1;
	(pc) =	sbr.rel @p0 .LBB2_2-.Ltmp2, $4  }
0x94: {  	[tilespmem:v4+s19+$0x0] =	vst.idx.add.f32.msk $0xffff, v61;
	v2 =	vmax.f32 v2, $0.0e+00;
	v63 =	vadd.f32 v10, v1  }
0x95: {  	[tilespmem:v6+s19+$0x0] =	vst.idx.add.f32.msk $0xffff, v2;
	v62 =	vmax.f32 v60, $0.0e+00  }
0x96: {  	[tilespmem:v3+s19+$0x0] =	vst.idx.add.f32.msk $0xffff, v62;
	v2 =	vmax.f32 v63, $0.0e+00  }
0x97: {  	[tilespmem:v58+s19+$0x0] =	vst.idx.add.f32.msk $0xffff, v2  }
0x98: {  	s29 =	simm.s32 $0x0  }
0x99: {  	[hbm4b:s9+s29] =	stream.linear.scatter [tilespmem:s19], [sflag:$0x5], $0xC380, $0x38;
	[tilespmem:$0x1E720] =	vst v63  }
0x9a: {  	_ =	swait.ge [sflag:s16], $0xC380  }
0x9b: {  	[sflag:s16] =	ssyncset.done $0x0  }
0x9c: {  	[sflag:s16] =	ssyncadd.s32 $0xFFFF3C80  }
0x9d: {  	[tilespmem:s15], [sflag:$0x5] =	stream.linear.gather [hbm4b:s10+s29], $0x10, $0x38;
	[tilespmem:$0x1E720] =	vst v63  }
0x9e: {  	_ =	swait.ge [sflag:s16], $0x10  }
0x9f: {  	[sflag:s16] =	ssyncset.done $0x0  }
0xa0: {  	[sflag:s16] =	ssyncadd.s32 $0xFFFFFFF0  }
0xa1: {  	[tilespmem:s17], [sflag:$0x5] =	stream.linear.gather [hbm4b:s11+s29], $0x10, $0x38;
	[tilespmem:$0x1E720] =	vst v63  }
0xa2: {  	_ =	swait.ge [sflag:s16], $0x10  }
0xa3: {  	[sflag:s16] =	ssyncset.done $0x0  }
0xa4: {  	[sflag:s16] =	ssyncadd.s32 $0xFFFFFFF0  }
0xa5: {  	v0 =	vld [tilespmem:$0x1E700]  }
0xa6: {  	v1 =	vld [tilespmem:$0x1E710];
	[tilespmem:s18], [sflag:$0x1] =	stream.linear.gather [hbm4b:s12+s29], $0xC380, $0x38  }
0xa7: {  	_ = 	snop  }
0xa8: {  	[tilespmem:s19], [sflag:$0x2] =	stream.linear.gather [hbm4b:s5+s29], $0xC380, $0x38;
	[tilespmem:$0x1E720] =	vst v63  }
0xa9: {  	_ = 	snop  }
0xaa: {  	[tilespmem:s29], [sflag:$0x3] =	stream.linear.gather [hbm4b:s2+s29], $0x1800, $0x38;
	[tilespmem:$0x1E720] =	vst v63  }
0xab: {  	_ = 	snop  }
0xac: {  	[tilespmem:s20], [sflag:$0x3] =	stream.linear.gather [hbm4b:s3+s29], $0x1800, $0x38;
	[tilespmem:$0x1E720] =	vst v63  }
0xad: {  	_ =	swait.ge [sflag:s21], $0xC380  }
0xae: {  	[sflag:s21] =	ssyncset.done $0x0  }
0xaf: {  	[sflag:s21] =	ssyncadd.s32 $0xFFFF3C80  }
0xb0: {  	_ =	swait.ge [sflag:s22], $0xC380  }
0xb1: {  	[sflag:s22] =	ssyncset.done $0x0  }
0xb2: {  	[sflag:s22] =	ssyncadd.s32 $0xFFFF3C80  }
.LBB2_8:
0xb3: {  	s30 =	smul.u32 $0x3000, s29;
	_ =	sdelay $0x1  }
0xb4: {  	s0 =	sshrl.u32 s30, $0x3  }
0xb5: {  	s0 =	sadd.s32 $0x300, s0  }
0xb6: {  	s4 =	sadd.s32 s2, s0  }
0xb7: {  	[tilespmem:s23], [sflag:$0x4] =	stream.linear.gather [hbm4b:s4+s1], $0x1800, $0x38;
	[tilespmem:$0x1E720] =	vst v63  }
0xb8: {  	s0 =	sadd.s32 s3, s0  }
0xb9: {  	[tilespmem:s24], [sflag:$0x4] =	stream.linear.gather [hbm4b:s0+s1], $0x1800, $0x38;
	[tilespmem:$0x1E720] =	vst v63  }
0xba: {  	_ =	swait.ge [sflag:s25], $0x1800  }
0xbb: {  	[sflag:s25] =	ssyncset.done $0x0  }
0xbc: {  	[sflag:s25] =	ssyncadd.s32 $0xFFFFE800  }
0xbd: {  	_ =	swait.ge [sflag:s25], $0x1800  }
0xbe: {  	[sflag:s25] =	ssyncset.done $0x0  }
0xbf: {  	s4 =	simm.s32 $0x10;
	[sflag:s25] =	ssyncadd.s32 $0xFFFFE800  }
0xc0: {  	v3 =	vld [tilespmem:s4+$0x0];
	_ =	sdelay $0x3  }
0xc1: {  	v5 =	vld [tilespmem:s4+$0xFFFFFFF0]  }
0xc2: {  	v4 =	vand.u32 $0xFFFF, v3  }
0xc3: {  	s0 =	simm.s32 $0x30  }
0xc4: {  	s4 =	simm.s32 $0x3010;
	v2 =	vld [tilespmem:s0+$0x0]  }
0xc5: {  	v6 =	vld [tilespmem:s4+$0x0]  }
0xc6: {  	v7 =	vand.u32 $0xFFFF, v5  }
0xc7: {  	v8 =	vld.idx.msk [tilespmem:v4+s18+$0x0], $0xffff  }
0xc8: {  	v10 =	vld [tilespmem:s0+$0xFFFFFFF0]  }
0xc9: {  	v9 =	vld [tilespmem:s4+$0xFFFFFFF0];
	v11 =	vand.u32 $0xFFFF, v2  }
0xca: {  	v6 =	vmul.f32 v6, v0  }
0xcb: {  	s4 =	simm.s32 $0x50;
	v12 =	vld.idx.msk [tilespmem:v7+s18+$0x0], $0xffff  }
0xcc: {  	s31 =	simm.s32 $0x3030;
	v13 =	vshrl.u32 v3, $0x10;
	v4 =	vld [tilespmem:s4+$0x0];
	v3 =	vadd.f32 v6, v8  }
0xcd: {  	v14 =	vld [tilespmem:s31+$0x0]  }
0xce: {  	v15 =	vmul.f32 v9, v0;
	v9 =	vld.idx.msk [tilespmem:v11+s18+$0x0], $0xffff;
	v8 =	vand.u32 $0xFFFF, v10;
	v3 =	vadd.f32 v3, v1  }
0xcf: {  	v6 =	vld [tilespmem:s4+$0xFFFFFFF0]  }
0xd0: {  	v7 =	vld [tilespmem:s31+$0xFFFFFFF0];
	v11 =	vmax.f32 v3, $0.0e+00  }
0xd1: {  	v15 =	vadd.f32 v15, v12;
	[tilespmem:v13+s19+$0x0] =	vst.idx.add.f32.msk $0xffff, v11;
	v11 =	vand.u32 $0xFFFF, v4  }
0xd2: {  	v12 =	vmul.f32 v14, v0  }
0xd3: {  	s0 =	simm.s32 $0x4;
	v5 =	vshrl.u32 v5, $0x10;
	s4 =	simm.s32 $0x70;
	v3 =	vshrl.u32 v10, $0x10;
	v10 =	vadd.f32 v15, v1;
	v8 =	vld.idx.msk [tilespmem:v8+s18+$0x0], $0xffff  }
.LBB2_9:
0xd4: {  	s0 =	sadd.s32 $0x2, s0;
	v13 =	vand.u32 $0xFFFF, v6;
	v14 =	vshrl.u32 v2, $0x10;
	v12 =	vadd.f32 v12, v9;
	s31 =	sadd.s32 $0x20, s31;
	v2 =	vmovc v4;
	v4 =	vld [tilespmem:s4+$0x0]  }
0xd5: {  	v15 =	vshrl.u32 v6, $0x10;
	v18 =	vmax.f32 v10, $0.0e+00;
	p0 =	slt.u32 s0, $0x17E;
	v16 =	vld [tilespmem:s31+$0x0];
	v17 =	vmul.f32 v7, v0  }
0xd6: {  	v9 =	vld.idx.msk [tilespmem:v11+s18+$0x0], $0xffff;
	v10 =	vadd.f32 v12, v1  }
.Ltmp3:
0xd7: {  	v6 =	vld [tilespmem:s4+$0xFFFFFFF0];
	(pc) =	sbr.rel @p0 .LBB2_9-.Ltmp3, $4  }
0xd8: {  	v17 =	vadd.f32 v17, v8;
	v7 =	vld [tilespmem:s31+$0xFFFFFFF0];
	v8 =	vmax.f32 v10, $0.0e+00  }
0xd9: {  	v11 =	vand.u32 $0xFFFF, v4;
	[tilespmem:v14+s19+$0x0] =	vst.idx.add.f32.msk $0xffff, v8  }
0xda: {  	v10 =	vadd.f32 v17, v1;
	v8 =	vld.idx.msk [tilespmem:v13+s18+$0x0], $0xffff;
	v12 =	vmul.f32 v16, v0  }
0xdb: {  	s4 =	sadd.s32 $0x20, s4;
	[tilespmem:v5+s19+$0x0] =	vst.idx.add.f32.msk $0xffff, v18;
	v5 =	vmov v3;
	v3 =	vmov v15  }
0xdc: {  	_ =	sdelay $0x1  }
0xdd: {  	v13 =	vand.u32 $0xFFFF, v6;
	s0 =	sadd.s32 $0x20, s31  }
0xde: {  	v14 =	vld [tilespmem:s0+$0x0]  }
0xdf: {  	v11 =	vld.idx.msk [tilespmem:v11+s18+$0x0], $0xffff  }
0xe0: {  	v15 =	vld [tilespmem:s0+$0xFFFFFFF0]  }
0xe1: {  	v9 =	vadd.f32 v12, v9;
	v2 =	vshrl.u32 v2, $0x10  }
0xe2: {  	v7 =	vmul.f32 v7, v0;
	v12 =	vld.idx.msk [tilespmem:v13+s18+$0x0], $0xffff  }
0xe3: {  	v9 =	vadd.f32 v9, v1;
	v13 =	vmul.f32 v14, v0  }
0xe4: {  	v7 =	vadd.f32 v7, v8  }
0xe5: {  	v8 =	vmax.f32 v9, $0.0e+00;
	v11 =	vadd.f32 v13, v11;
	v13 =	vmul.f32 v15, v0  }
0xe6: {  	v4 =	vshrl.u32 v4, $0x10;
	[tilespmem:v2+s19+$0x0] =	vst.idx.add.f32.msk $0xffff, v8;
	v2 =	vadd.f32 v7, v1  }
0xe7: {  	v6 =	vshrl.u32 v6, $0x10;
	v9 =	vadd.f32 v11, v1;
	v11 =	vadd.f32 v13, v12  }
0xe8: {  	v10 =	vmax.f32 v10, $0.0e+00  }
0xe9: {  	p0 =	seq.s32 s29, $0x41;
	[tilespmem:v5+s19+$0x0] =	vst.idx.add.f32.msk $0xffff, v10;
	v2 =	vmax.f32 v2, $0.0e+00;
	v7 =	vadd.f32 v11, v1  }
0xea: {  	s0 =	sshrl.u32 @!p0 s30, $0x3;
	[tilespmem:v3+s19+$0x0] =	vst.idx.add.f32.msk $0xffff, v2;
	v5 =	vmax.f32 v9, $0.0e+00  }
0xeb: {  	s0 =	sadd.s32 @!p0 $0x600, s0;
	[tilespmem:v4+s19+$0x0] =	vst.idx.add.f32.msk $0xffff, v5;
	v2 =	vmax.f32 v7, $0.0e+00  }
0xec: {  	s30 =	simm.s32 @!p0 $0x0;
	s4 =	sadd.s32 @!p0 s2, s0;
	[tilespmem:v6+s19+$0x0] =	vst.idx.add.f32.msk $0xffff, v2  }
0xed: {  	[tilespmem:s30], [sflag:$0x3] =	stream.linear.gather @!p0 [hbm4b:s4+s30], $0x1800, $0x38;
	[tilespmem:$0x1E720] =	vst v63  }
0xee: {  	s0 =	sadd.s32 @!p0 s3, s0;
	s4 =	simm.s32 @!p0 $0x3000  }
0xef: {  	[tilespmem:s4], [sflag:$0x3] =	stream.linear.gather @!p0 [hbm4b:s0+s30], $0x1800, $0x38;
	[tilespmem:$0x1E720] =	vst v63  }
0xf0: {  	_ =	swait.ge [sflag:s26], $0x1800  }
0xf1: {  	[sflag:s26] =	ssyncset.done $0x0  }
0xf2: {  	[sflag:s26] =	ssyncadd.s32 $0xFFFFE800  }
0xf3: {  	_ =	swait.ge [sflag:s26], $0x1800  }
0xf4: {  	s4 =	simm.s32 $0x0;
	[sflag:s26] =	ssyncset.done $0x0  }
0xf5: {  	s0 =	sand.u32 $0x1FE0, s4;
	[sflag:s26] =	ssyncadd.s32 $0xFFFFE800  }
0xf6: {  	v3 =	vld [tilespmem:s0+$0x1810];
	_ =	sdelay $0x4  }
0xf7: {  	s4 =	simm.s32 $0x20;
	v2 =	vand.u32 $0xFFFF, v3  }
0xf8: {  	s4 =	sand.u32 $0x1FE0, s4;
	v4 =	vld [tilespmem:s0+$0x1800]  }
0xf9: {  	v5 =	vld [tilespmem:s4+$0x1810]  }
0xfa: {  	v6 =	vld [tilespmem:s0+$0x4810];
	_ =	sdelay $0x1  }
0xfb: {  	v7 =	vld.idx.msk [tilespmem:v2+s18+$0x0], $0xffff  }
0xfc: {  	v10 =	vld [tilespmem:s4+$0x1800]  }
0xfd: {  	v9 =	vld [tilespmem:s0+$0x4800];
	s0 =	simm.s32 $0x40;
	v11 =	vand.u32 $0xFFFF, v5  }
0xfe: {  	v12 =	vld [tilespmem:s4+$0x4800];
	s0 =	sand.u32 $0x1FE0, s0;
	v8 =	vand.u32 $0xFFFF, v4;
	v6 =	vmul.f32 v6, v0  }
0xff: {  	v2 =	vld [tilespmem:s0+$0x1810]  }
0x100: {  	v3 =	vshrl.u32 v3, $0x10;
	v6 =	vadd.f32 v6, v7;
	v7 =	vld [tilespmem:s4+$0x4810]  }
0x101: {  	v14 =	vld [tilespmem:s0+$0x1800];
	v13 =	vand.u32 $0xFFFF, v10  }
0x102: {  	v11 =	vld.idx.msk [tilespmem:v11+s18+$0x0], $0xffff;
	v6 =	vadd.f32 v6, v1  }
0x103: {  	v8 =	vld.idx.msk [tilespmem:v8+s18+$0x0], $0xffff  }
0x104: {  	v15 =	vld [tilespmem:s0+$0x4800];
	v16 =	vand.u32 $0xFFFF, v2;
	v6 =	vmax.f32 v6, $0.0e+00  }
0x105: {  	s4 =	simm.s32 $0x60;
	[tilespmem:v3+s19+$0x0] =	vst.idx.add.f32.msk $0xffff, v6;
	v6 =	vmul.f32 v7, v0  }
0x106: {  	v13 =	vld.idx.msk [tilespmem:v13+s18+$0x0], $0xffff;
	s30 =	sand.u32 $0x1FE0, s4;
	v7 =	vmul.f32 v9, v0  }
0x107: {  	v17 =	vshrl.u32 v5, $0x10;
	v18 =	vand.u32 $0xFFFF, v14;
	v3 =	vld [tilespmem:s30+$0x1810];
	v5 =	vadd.f32 v6, v11  }
0x108: {  	v19 =	vld [tilespmem:s0+$0x4810];
	v6 =	vadd.f32 v7, v8  }
0x109: {  	v9 =	vld.idx.msk [tilespmem:v16+s18+$0x0], $0xffff;
	v7 =	vmul.f32 v12, v0;
	v11 =	vadd.f32 v5, v1;
	v5 =	vshrl.u32 v4, $0x10  }
0x10a: {  	v8 =	vld [tilespmem:s30+$0x1800];
	v12 =	vadd.f32 v6, v1;
	v4 =	vshrl.u32 v10, $0x10  }
0x10b: {  	v10 =	vld [tilespmem:s30+$0x4800];
	v13 =	vadd.f32 v7, v13;
	v6 =	vshrl.u32 v14, $0x10;
	v7 =	vmul.f32 v15, v0  }
0x10c: {  	v14 =	vand.u32 $0xFFFF, v3;
	v16 =	vmax.f32 v11, $0.0e+00;
	v11 =	vmax.f32 v12, $0.0e+00;
	v12 =	vld.idx.msk [tilespmem:v18+s18+$0x0], $0xffff  }
0x10d: {  	s31 =	simm.s32 $0x6;
	s0 =	simm.s32 $0x80;
	v15 =	vmul.f32 v19, v0;
	v13 =	vadd.f32 v13, v1;
	[tilespmem:v17+s19+$0x0] =	vst.idx.add.f32.msk $0xffff, v16  }
.LBB2_11:
0x10e: {  	s4 =	sand.u32 $0x1FE0, s0;
	s31 =	sadd.s32 $0x2, s31;
	[tilespmem:v5+s19+$0x0] =	vst.idx.add.f32.msk $0xffff, v11;
	v5 =	vmov v4;
	v4 =	vmov v6  }
0x10f: {  	v17 =	vshrl.u32 v2, $0x10;
	v2 =	vmovc v3;
	p0 =	slt.u32 s31, $0x17E;
	v16 =	vand.u32 $0xFFFF, v8;
	v15 =	vadd.f32 v15, v9;
	v3 =	vld [tilespmem:s4+$0x1810]  }
0x110: {  	v6 =	vshrl.u32 v8, $0x10;
	v11 =	vmax.f32 v13, $0.0e+00;
	v18 =	vmul.f32 v10, v0;
	v19 =	vld [tilespmem:s30+$0x4810];
	s30 =	smov.u32 s4  }
.Ltmp4:
0x111: {  	v9 =	vld.idx.msk [tilespmem:v14+s18+$0x0], $0xffff;
	v13 =	vadd.f32 v15, v1;
	(pc) =	sbr.rel @p0 .LBB2_11-.Ltmp4, $4  }
0x112: {  	v8 =	vld [tilespmem:s30+$0x1800]  }
0x113: {  	v20 =	vadd.f32 v7, v12;
	v7 =	vmov v18;
	v10 =	vld [tilespmem:s30+$0x4800];
	v12 =	vmax.f32 v13, $0.0e+00  }
0x114: {  	v14 =	vand.u32 $0xFFFF, v3;
	[tilespmem:v17+s19+$0x0] =	vst.idx.add.f32.msk $0xffff, v12  }
0x115: {  	s0 =	sadd.s32 $0x20, s0;
	v13 =	vadd.f32 v20, v1;
	v12 =	vld.idx.msk [tilespmem:v16+s18+$0x0], $0xffff;
	v15 =	vmul.f32 v19, v0  }
0x116: {  	_ = 	snop  }
0x117: {  	v16 =	vand.u32 $0xFFFF, v8;
	_ =	sdelay $0x1  }
0x118: {  	v17 =	vld [tilespmem:s30+$0x4810];
	_ =	sdelay $0x1  }
0x119: {  	v14 =	vld.idx.msk [tilespmem:v14+s18+$0x0], $0xffff  }
0x11a: {  	v2 =	vshrl.u32 v2, $0x10;
	v9 =	vadd.f32 v15, v9;
	v16 =	vld.idx.msk [tilespmem:v16+s18+$0x0], $0xffff;
	_ =	sdelay $0x1  }
0x11b: {  	v9 =	vadd.f32 v9, v1;
	v17 =	vmul.f32 v17, v0  }
0x11c: {  	v10 =	vmul.f32 v10, v0;
	v7 =	vadd.f32 v7, v12  }
0x11d: {  	v3 =	vshrl.u32 v3, $0x10;
	s29 =	sadd.s32 $0x1, s29;
	v59 =	vmax.f32 v9, $0.0e+00;
	v14 =	vadd.f32 v17, v14  }
0x11e: {  	v58 =	vshrl.u32 v8, $0x10;
	p0 =	sne.s32 s29, $0x42;
	[tilespmem:v2+s19+$0x0] =	vst.idx.add.f32.msk $0xffff, v59;
	v2 =	vadd.f32 v7, v1;
	v10 =	vadd.f32 v10, v16  }
.Ltmp5:
0x11f: {  	[tilespmem:v5+s19+$0x0] =	vst.idx.add.f32.msk $0xffff, v11;
	v61 =	vmax.f32 v13, $0.0e+00;
	v60 =	vadd.f32 v14, v1;
	(pc) =	sbr.rel @p0 .LBB2_8-.Ltmp5, $4  }
0x120: {  	[tilespmem:v4+s19+$0x0] =	vst.idx.add.f32.msk $0xffff, v61;
	v2 =	vmax.f32 v2, $0.0e+00;
	v63 =	vadd.f32 v10, v1  }
0x121: {  	[tilespmem:v6+s19+$0x0] =	vst.idx.add.f32.msk $0xffff, v2;
	v62 =	vmax.f32 v60, $0.0e+00  }
0x122: {  	[tilespmem:v3+s19+$0x0] =	vst.idx.add.f32.msk $0xffff, v62;
	v2 =	vmax.f32 v63, $0.0e+00  }
0x123: {  	[tilespmem:v58+s19+$0x0] =	vst.idx.add.f32.msk $0xffff, v2  }
0x124: {  	s28 =	sadd.s32 $0x1, s28  }
0x125: {  	p0 =	sne.s32 s28, s14  }
.Ltmp6:
0x126: {  	_ = 	snop;
	(pc) =	sbr.rel @p0 .LBB2_1-.Ltmp6, $4  }
0x127: {  	[hbm4b:s13+s1] =	stream.linear.scatter [tilespmem:s19], [sflag:$0x5], $0xC380, $0x38;
	[tilespmem:$0x1E720] =	vst v63  }
0x128: {  	_ =	swait.ge [sflag:s16], $0xC380  }
0x129: {  	[sflag:s16] =	ssyncset.done $0x0  }
0x12a: {  	[sflag:s16] =	ssyncadd.s32 $0xFFFF3C80  }
0x12b: {  	_ =	sfence.sel $0x180000  }
0x12c: {  	[bflag:$0x0] =	sbarrier.arrive $0xFFFF  }
0x12d: {  	_ =	strace $0x9000004A  }
0x12e: {  	s0 =	stileid.u32;
	[bflag:$0x2] =	sbarrier.arrive $0xFFFF  }
0x12f: {  	p0 =	sne.s32 s0, $0x0;
	s0 =	rddreg [dreg:$0x1]  }
0x130: {  	s0 =	sadd.s32 @!p0 $0x100000, s0  }
0x131: {  	[sflag:s0] =	ssyncadd.tile.s32 @!p0 $0x1;
	_ =	shalt  }
.Lfunc_end2:
_tile_overlayer_lowered:
.L_overlay_start_2:
0x132: {  	(tag) =	ssettag $0x2  }
0x133: {  	s0 =	rddreg [dreg:$0x0];
	s2 =	stileid.u32  }
0x134: {  	s1 =	rddreg [dreg:$0x1];
	p0 =	sne.s32 s2, $0x0  }
0x135: {  	s3 =	rddreg [dreg:$0x2];
	[bflag:$0x3] =	sbarrier.arrive $0xFFFF;
	s2 =	simm.s32 @!p0 $0x1C05  }
0x136: {  	[timem:s3], [sflag:s2] =	dma.local @!p0 [hbm:s0], s1  }
0x137: {  	s0 =	simm.s32 @!p0 $0x5  }
0x138: {  	_ =	swait.ge @!p0 [sflag:s0], s1  }
0x139: {  	s1 =	ssub.s32 @!p0 $0x0, s1;
	[sflag:s0] =	ssyncset.done @!p0 $0x0  }
0x13a: {  	[sflag:s0] =	ssyncadd.s32 @!p0 s1  }
0x13b: {  	[bflag:$0x3] =	sbarrier.arrive $0xFFFF  }
0x13c: {  	_ =	shalt  }

// kernel: kernel.9.cloned.1.call-start
scs
__scs_entry_jumppad:
0x0: {  	(pc) =	sbr.rel $0x88, $3  }
0x1: {  	(tag) =	ssettag $0x0;
	lr =	simm.s32 $0x1  }
0x2: {  	[smem:$0x3F89] =	sst lr;
	_ =	strace $0xD0000000  }
0x3: {  	_ = 	snop  }
0x4: {  	_ = 	snop  }
0x5: {  	_ = 	snop  }
0x6: {  	_ = 	snop  }
0x7: {  	_ = 	snop  }
__scs_overlays_trampoline_lowered:
0x8: {  	[smem:$0x3F98] =	sst s0  }
0x9: {  	[smem:$0x3F99] =	sst s1  }
0xa: {  	[smem:$0x3F9A] =	sst s2  }
0xb: {  	[smem:$0x3F9B] =	sst s3  }
0xc: {  	[smem:$0x3F9C] =	sst s4  }
0xd: {  	[smem:$0x3F9D] =	sst s5  }
0xe: {  	[smem:$0x3F9E] =	sst s6  }
0xf: {  	[smem:$0x3F9F] =	sst s7  }
0x10: {  	[smem:$0x3FA0] =	sst s8  }
0x11: {  	[smem:$0x3FA1] =	sst s9;
	s0 =	simm.s32 @!p0 $0x0  }
0x12: {  	s1 =	sld [smem:$0x3F87];
	s0 =	simm.s32 @p0 $0x1  }
0x13: {  	[smem:$0x3FA2] =	sst s0;
	s0 =	simm.s32 @!p1 $0x0  }
0x14: {  	s2 =	sld [smem:$0x3F86];
	s0 =	simm.s32 @p1 $0x1  }
0x15: {  	[smem:$0x3FA3] =	sst s0;
	s0 =	simm.s32 @!p2 $0x0  }
0x16: {  	s3 =	sld [smem:$0x3FDB];
	s0 =	simm.s32 @p2 $0x1  }
0x17: {  	s4 =	simm.s32 $0x1BF5;
	[smem:$0x3FA5] =	sst s0  }
0x18: {  	s0 =	sld [smem:$0x3F88];
	_ =	swait.ge [sflag:s4], $0x0  }
0x19: {  	s7 =	sld [smem:$0x3F89]  }
0x1a: {  	s8 =	sadd.s32 $0xFFFFE003, lr  }
0x1b: {  	s9 =	sadd.s32 $0xFFFFFEF7, lr;
	s5 =	simm.s32 $0xFFFFFFFF;
	p2 =	slt.u32 s8, $0xFFFFF086  }
0x1c: {  	p1 =	slt.u32 s9, $0xF7A;
	s5 =	simm.s32 @!p2 $0x0  }
0x1d: {  	s5 =	simm.s32 @p1 $0x1;
	p0 =	seq.s32 s7, s2  }
0x1e: {  	s7 =	smul.u32 @!p0 $0xF7A, s2;
	p2 =	seq.s32 @!p0 s5, $0x0  }
0x1f: {  	s9 =	smul.u32 $0xF7A, s1;
	s8 =	simm.s32 @!p0 $0x1BF5;
	p2 =	por !p2, p0  }
0x20: {  	[sflag:s8] =	ssyncset.s32 @!p0 $0xFFFFF086;
	s6 =	sadd.s32 @!p0 s3, s7;
	s7 =	simm.s32 @!p0 $0x108  }
0x21: {  	s3 =	sadd.s32 s3, s9;
	s6 =	sadd.s32 @!p0 $0x88, s6;
	s7 =	simm.s32 @p2 $0x1082  }
0x22: {  	[simem:s7], [sflag:s8] =	dma.local @!p0 [hbm:s6], $0xF7A  }
0x23: {  	s9 =	sor.u32 $0xD0000000, s2;
	s6 =	simm.s32 $0x108;
	_ =	swait.ge @!p0 [sflag:s8], $0x0  }
0x24: {  	s3 =	sadd.s32 $0x88, s3;
	s6 =	simm.s32 @!p1 $0x1082;
	[sflag:s4] =	ssyncset.s32 $0xFFFFF086  }
0x25: {  	[simem:s6], [sflag:s4] =	dma.local [hbm:s3], $0xF7A  }
0x26: {  	[smem:$0x3F89] =	sst s1;
	(tag) =	ssettag s2;
	_ =	strace s9  }
0x27: {  	s1 =	sld [smem:$0x3F99]  }
0x28: {  	s2 =	sld [smem:$0x3F9A]  }
0x29: {  	s4 =	sld [smem:$0x3F9C]  }
0x2a: {  	p0 =	seq.s32 s5, $0x0;
	s5 =	sld [smem:$0x3F9D]  }
0x2b: {  	s6 =	sld [smem:$0x3F9E]  }
0x2c: {  	s7 =	sld [smem:$0x3F9F]  }
0x2d: {  	s3 =	simm.s32 $0x108;
	s8 =	sld [smem:$0x3FA0]  }
0x2e: {  	s3 =	simm.s32 @!p0 $0x1082;
	s9 =	sld [smem:$0x3FA1]  }
0x2f: {  	lr =	sadd.s32 s0, s3;
	s0 =	sld [smem:$0x3F98]  }
0x30: {  	s3 =	sld [smem:$0x3F9B]  }
0x31: {  	[smem:$0x3FA4] =	sst s10  }
0x32: {  	s10 =	sld [smem:$0x3FA2];
	_ =	sdelay $0x3  }
0x33: {  	p0 =	seq.s32 s10, $0x1;
	s10 =	sld [smem:$0x3FA4];
	_ =	sdelay $0x3  }
0x34: {  	[smem:$0x3FA4] =	sst s10  }
0x35: {  	s10 =	sld [smem:$0x3FA3];
	_ =	sdelay $0x3  }
0x36: {  	p1 =	seq.s32 s10, $0x1;
	s10 =	sld [smem:$0x3FA4];
	_ =	sdelay $0x3  }
0x37: {  	[smem:$0x3FA4] =	sst s10  }
0x38: {  	s10 =	sld [smem:$0x3FA5]  }
0x39: {  	_ = 	snop;
	(pc) =	sbr.ind lr, $3  }
0x3a: {  	_ = 	snop  }
0x3b: {  	_ = 	snop  }
0x3c: {  	p2 =	seq.s32 s10, $0x1;
	s10 =	sld [smem:$0x3FA4]  }
0x3d: {  	_ =	shalt  }
0x3e: {  	_ =	shalt  }
0x3f: {  	_ =	shalt  }
0x40: {  	_ =	shalt  }
0x41: {  	_ =	shalt  }
0x42: {  	_ =	shalt  }
0x43: {  	_ =	shalt  }
0x44: {  	_ =	shalt  }
0x45: {  	_ =	shalt  }
0x46: {  	_ =	shalt  }
0x47: {  	_ =	shalt  }
0x48: {  	_ =	shalt  }
0x49: {  	_ =	shalt  }
0x4a: {  	_ =	shalt  }
0x4b: {  	_ =	shalt  }
0x4c: {  	_ =	shalt  }
0x4d: {  	_ =	shalt  }
0x4e: {  	_ =	shalt  }
0x4f: {  	_ =	shalt  }
0x50: {  	_ =	shalt  }
0x51: {  	_ =	shalt  }
0x52: {  	_ =	shalt  }
0x53: {  	_ =	shalt  }
0x54: {  	_ =	shalt  }
0x55: {  	_ =	shalt  }
0x56: {  	_ =	shalt  }
0x57: {  	_ =	shalt  }
0x58: {  	_ =	shalt  }
0x59: {  	_ =	shalt  }
0x5a: {  	_ =	shalt  }
0x5b: {  	_ =	shalt  }
0x5c: {  	_ =	shalt  }
0x5d: {  	_ =	shalt  }
0x5e: {  	_ =	shalt  }
0x5f: {  	_ =	shalt  }
0x60: {  	_ =	shalt  }
0x61: {  	_ =	shalt  }
0x62: {  	_ =	shalt  }
0x63: {  	_ =	shalt  }
0x64: {  	_ =	shalt  }
0x65: {  	_ =	shalt  }
0x66: {  	_ =	shalt  }
0x67: {  	_ =	shalt  }
0x68: {  	_ =	shalt  }
0x69: {  	_ =	shalt  }
0x6a: {  	_ =	shalt  }
0x6b: {  	_ =	shalt  }
0x6c: {  	_ =	shalt  }
0x6d: {  	_ =	shalt  }
0x6e: {  	_ =	shalt  }
0x6f: {  	_ =	shalt  }
0x70: {  	_ =	shalt  }
0x71: {  	_ =	shalt  }
0x72: {  	_ =	shalt  }
0x73: {  	_ =	shalt  }
0x74: {  	_ =	shalt  }
0x75: {  	_ =	shalt  }
0x76: {  	_ =	shalt  }
0x77: {  	_ =	shalt  }
0x78: {  	_ =	shalt  }
0x79: {  	_ =	shalt  }
0x7a: {  	_ =	shalt  }
0x7b: {  	_ =	shalt  }
0x7c: {  	_ =	shalt  }
0x7d: {  	_ =	shalt  }
0x7e: {  	_ =	shalt  }
0x7f: {  	_ =	shalt  }
0x80: {  	_ =	shalt  }
0x81: {  	_ =	shalt  }
0x82: {  	_ =	shalt  }
0x83: {  	_ =	shalt  }
0x84: {  	_ =	shalt  }
0x85: {  	_ =	shalt  }
0x86: {  	_ =	shalt  }
0x87: {  	_ =	shalt  }
.Lfunc_end0:
.L_simem_size_0:
called_computation_lowered:
.L_overlay_start_0:
0x88: {  	s2 =	sld [smem:$0x3FD9]  }
0x89: {  	s3 =	sld [smem:$0x3FFE];
	_ =	sdelay $0x1  }
0x8a: {  	s1 =	srdreg.scid  }
0x8b: {  	s0 =	sand.u32 $0x1, s1  }
0x8c: {  	s17 =	sshll.u32 s0, $0xA;
	s2 =	sadd.s32 s3, s2  }
0x8d: {  	s2 =	sadd.s32 s2, s17  }
0x8e: {  	[smem:$0x3FB0] =	sst s2  }
0x8f: {  	_ = 	snop  }
0x90: {  	s2 =	sld [smem:$0x3FD0];
	(tm) =	ssettm $0x1  }
0x91: {  	s18 =	sld [smem:$0x3FFB];
	_ =	sdelay $0x3  }
0x92: {  	_ =	strace s18  }
0x93: {  	s3 =	sld [smem:$0x3FFC];
	_ =	sdelay $0x3  }
0x94: {  	_ =	strace s3  }
0x95: {  	s3 =	sld [smem:$0x3FFD];
	_ =	sdelay $0x3  }
0x96: {  	_ =	strace s3  }
0x97: {  	_ =	strace $0x8FFFFFFF  }
0x98: {  	s19 =	sld [smem:$0x3FDB];
	_ =	sdelay $0x1  }
0x99: {  	s4 =	simm.s32 $_scs_section_size  }
0x9a: {  	s5 =	simm.s32 $_size__tile_overlayer_lowered;
	s6 =	simm.s32 $_tile_overlayer_lowered  }
0x9b: {  	s22 =	simm.s32 $0x1BFF;
	s21 =	sshll.u32 s6, $0x1;
	s3 =	sadd.s32 s4, s19  }
0x9c: {  	s7 =	simm.s32 $0x0;
	s20 =	sshll.u32 s5, $0x1;
	s5 =	sadd.s32 s21, s3  }
0x9d: {  	[timem:s7], [sflag:s22] =	dma.local [hbm:s5], s20  }
0x9e: {  	_ =	swait.ge [sflag:s22], s20  }
0x9f: {  	s4 =	ssub.s32 $0x0, s20;
	[sflag:s22] =	ssyncset.done $0x0  }
0xa0: {  	[sflag:s22] =	ssyncadd.s32 s4;
	_ =	sdelay $0x1  }
0xa1: {  	s23 =	simm.s32 $0x1B8B  }
0xa2: {  	_ =	swait.ge [sflag:s23], $0x1  }
0xa3: {  	[sflag:s23] =	ssyncset.done $0x0  }
0xa4: {  	s25 =	simm.s32 $0x1B8E;
	s24 =	sld [smem:$0x3FFE];
	[sflag:s23] =	ssyncadd.s32 $0xFFFFFFFF  }
0xa5: {  	s26 =	simm.s32 $execute0_lowered;
	[smem:$0x3FD2] =	sst s25  }
0xa6: {  	s5 =	sshll.u32 s26, $0x1;
	_ =	strace $0x80000046;
	[dreg:$0x1] =	wrdreg $0xFFFFFFFF  }
0xa7: {  	s28 =	simm.s32 $_size_execute0_lowered;
	s3 =	sadd.s32 s3, s5;
	[dreg:$0x0] =	wrdreg $0x0  }
0xa8: {  	s5 =	sshll.u32 s28, $0x1;
	[dreg:$0x2] =	wrdreg s3  }
0xa9: {  	[dreg:$0x3] =	wrdreg s5  }
0xaa: {  	[dreg:$0x4] =	wrdreg $0xC0  }
0xab: {  	_ =	task [dreg:s7], $0x5FFFF  }
0xac: {  	[dreg:$0x1] =	wrdreg $0xFFFFFFFF  }
0xad: {  	[dreg:$0x0] =	wrdreg $0x60  }
0xae: {  	[dreg:$0x2] =	wrdreg s24  }
0xaf: {  	[dreg:$0x3] =	wrdreg s2  }
0xb0: {  	[dreg:$0x4] =	wrdreg $0x9  }
0xb1: {  	_ =	task.clear_ibuf [dreg:s7], $0x5FFFF;
	_ =	strace $0x90000046  }
0xb2: {  	s29 =	simm.s32 $0x9;
	_ =	strace $0x80000048  }
0xb3: {  	_ =	swait.ge [sflag:s29], $0x1  }
0xb4: {  	[sflag:s29] =	ssyncadd.s32 $0xFFFFFFFF  }
0xb5: {  	_ =	strace $0x90000048  }
0xb6: {  	_ =	sfence  }
0xb7: {  	s30 =	sld [smem:$0x0];
	_ =	sdelay $0x2  }
0xb8: {  	s31 =	sshll.u32 s1, $0xD;
	s1 =	sshrl.u32 s1, $0x2  }
0xb9: {  	s3 =	sand.u32 $0x4000, s31;
	s1 =	sadd.s32 s1, s30  }
0xba: {  	s0 =	sor.u32 s3, s0;
	s1 =	sshll.u32 s1, $0x11  }
0xbb: {  	s0 =	sor.u32 s1, s0  }
0xbc: {  	s0 =	sadd.s32 $0x8F2B, s0  }
0xbd: {  	[sflag:s0] =	ssyncadd.remote.s32 $0x1  }
0xbe: {  	_ =	sfence.sel $0xFFFF  }
0xbf: {  	[dreg:$0x0] =	wrdreg $0xFFFFFFFF;
	(pc) =	sbr.abs _section_cstart, $3  }
0xc0: {  	[dreg:$0x1] =	wrdreg $0xFFFFFFFF  }
0xc1: {  	_ =	task.clear_ibuf [dreg:s7], $0x2FFFF;
	_ =	strace $0x9FFFFFFF  }
0xc2: {  	(tm) =	ssettm $0x7FFFFFFF  }
0xc3: {  	_ =	shalt  }
tec
execute0_lowered:
.L_overlay_start_1:
0x0: {  	(tag) =	ssettag $0x1  }
0x1: {  	s0 =	srdreg.scid;
	s7 =	rddreg [dreg:$0x0]  }
0x2: {  	s2 =	stileid.u32;
	s8 =	rddreg [dreg:$0x1];
	s15 =	simm.s32 $0x1E700  }
0x3: {  	s16 =	simm.s32 $0x5;
	s17 =	simm.s32 $0x1E710;
	s0 =	sand.u32 $0x1, s0  }
0x4: {  	s18 =	simm.s32 $0x6000;
	s19 =	simm.s32 $0x12380;
	s1 =	sshll.u32 s0, $0x4  }
0x5: {  	s20 =	simm.s32 $0x3000;
	s21 =	simm.s32 $0x1;
	s1 =	sor.u32 s2, s1  }
0x6: {  	s22 =	simm.s32 $0x2;
	s23 =	simm.s32 $0x1800;
	s2 =	smul.u32 $0x1D, s1  }
0x7: {  	s24 =	simm.s32 $0x4800;
	s25 =	simm.s32 $0x3;
	s26 =	simm.s32 $0x4  }
0x8: {  	s0 =	ssub.s32 $0x2, s0;
	s11 =	smul.u32 $0x1870, s1;
	s6 =	sshrl.u32 s2, $0x8  }
0x9: {  	s28 =	simm.s32 $0x0;
	s13 =	sshrl.u32 s0, $0x1;
	s2 =	smul.u32 $0x9, s6  }
0xa: {  	s4 =	sadd.s32 $0x2800, s7;
	s0 =	ssub.s32 s0, s13;
	p0 =	sgt.u32 s1, $0x1A  }
0xb: {  	s14 =	sadd.s32 s11, s7;
	s30 =	smul.u32 $0x8400, s6;
	s3 =	ssub.s32 s1, s2  }
0xc: {  	s31 =	smul.u32 $0x2C, s6;
	s13 =	sadd.s32 $0x43800, s14;
	s5 =	sand.u32 $0xFF, s3  }
0xd: {  	s14 =	smax.u32 s0, $0x1;
	s2 =	simm.s32 $0x0;
	s3 =	smul.u32 $0x1870, s5  }
.Ltmp0:
0xe: {  	s11 =	sor.u32 $0x1, s31;
	[smem:$0x7FF] =	sst s2;
	(pc) =	sbr.rel .LBB2_1-.Ltmp0, $4  }
0xf: {  	_ =	strace $0x80000047;
	s10 =	sshll.u32 s5, $0x1;
	s5 =	sadd.s32 $0x41E00, s7  }
0x10: {  	s12 =	sadd.s32 s10, s7;
	s6 =	sadd.s32 s8, s10;
	s10 =	sadd.s32 s4, s30  }
0x11: {  	s9 =	sadd.s32 s3, s7;
	s3 =	sadd.s32 $0x29200, s7;
	s7 =	sadd.s32 $0x29000, s12  }
0x12: {  	s12 =	sor.u32 $0x2, s31;
	s8 =	sadd.s32 $0x1B400, s9;
	s9 =	sadd.s32 s3, s30  }
.LBB2_8:
0x13: {  	_ =	swait.ge [sflag:s21], $0xC380  }
0x14: {  	[sflag:s21] =	ssyncset.done $0x0  }
0x15: {  	[sflag:s21] =	ssyncadd.s32 $0xFFFF3C80  }
0x16: {  	_ =	swait.ge [sflag:s22], $0xC380  }
0x17: {  	[sflag:s22] =	ssyncset.done $0x0  }
0x18: {  	[sflag:s22] =	ssyncadd.s32 $0xFFFF3C80  }
.LBB2_9:
0x19: {  	s28 =	sadd.s32 $0x1, s28  }
0x1a: {  	p1 =	sne.s32 s28, s14  }
.Ltmp1:
0x1b: {  	_ = 	snop;
	(pc) =	sbr.rel @!p1 .LBB2_10-.Ltmp1, $4  }
0x1c: {  	[hbm4b:s13+s2] =	stream.linear.scatter [tilespmem:s19], [sflag:$0x5], $0xC380, $0x38;
	[tilespmem:$0x1E720] =	vst v63  }
0x1d: {  	_ =	swait.ge [sflag:s16], $0xC380  }
0x1e: {  	[sflag:s16] =	ssyncset.done $0x0  }
0x1f: {  	[sflag:s16] =	ssyncadd.s32 $0xFFFF3C80  }
.LBB2_1:
0x20: {  	[tilespmem:s15], [sflag:$0x5] =	stream.linear.gather [hbm4b:s6+s2], $0x10, $0x38;
	[tilespmem:$0x1E720] =	vst v63  }
0x21: {  	_ =	swait.ge [sflag:s16], $0x10  }
0x22: {  	[sflag:s16] =	ssyncset.done $0x0  }
0x23: {  	[sflag:s16] =	ssyncadd.s32 $0xFFFFFFF0  }
0x24: {  	[tilespmem:s17], [sflag:$0x5] =	stream.linear.gather [hbm4b:s7+s2], $0x10, $0x38;
	[tilespmem:$0x1E720] =	vst v63  }
0x25: {  	_ =	swait.ge [sflag:s16], $0x10  }
0x26: {  	[sflag:s16] =	ssyncset.done $0x0  }
.Ltmp2:
0x27: {  	[sflag:s16] =	ssyncadd.s32 $0xFFFFFFF0;
	(pc) =	sbr.rel @p0 .LBB2_8-.Ltmp2, $4  }
0x28: {  	v0 =	vld [tilespmem:$0x1E700]  }
0x29: {  	v1 =	vld [tilespmem:$0x1E710];
	[tilespmem:s18], [sflag:$0x1] =	stream.linear.gather [hbm4b:s8+s2], $0xC380, $0x38  }
0x2a: {  	_ = 	snop  }
0x2b: {  	[tilespmem:s19], [sflag:$0x2] =	stream.linear.gather [hbm4b:s5+s2], $0xC380, $0x38;
	[tilespmem:$0x1E720] =	vst v63  }
0x2c: {  	s29 =	simm.s32 $0x0  }
0x2d: {  	[tilespmem:s29], [sflag:$0x3] =	stream.linear.gather [hbm4b:s9+s29], $0x1800, $0x38;
	[tilespmem:$0x1E720] =	vst v63  }
0x2e: {  	_ = 	snop  }
0x2f: {  	[tilespmem:s20], [sflag:$0x3] =	stream.linear.gather [hbm4b:s10+s29], $0x1800, $0x38;
	[tilespmem:$0x1E720] =	vst v63  }
0x30: {  	_ =	swait.ge [sflag:s21], $0xC380  }
0x31: {  	[sflag:s21] =	ssyncset.done $0x0  }
0x32: {  	[sflag:s21] =	ssyncadd.s32 $0xFFFF3C80  }
0x33: {  	_ =	swait.ge [sflag:s22], $0xC380  }
0x34: {  	[sflag:s22] =	ssyncset.done $0x0  }
0x35: {  	[sflag:s22] =	ssyncadd.s32 $0xFFFF3C80  }
.LBB2_3:
0x36: {  	s30 =	sshll.u32 s29, $0x1  }
0x37: {  	s0 =	sadd.s32 s30, s11  }
0x38: {  	s0 =	smul.u32 $0x300, s0;
	_ =	sdelay $0x1  }
0x39: {  	s1 =	sadd.s32 s3, s0  }
0x3a: {  	[tilespmem:s23], [sflag:$0x4] =	stream.linear.gather [hbm4b:s1+s2], $0x1800, $0x38;
	[tilespmem:$0x1E720] =	vst v63  }
0x3b: {  	s0 =	sadd.s32 s4, s0  }
0x3c: {  	[tilespmem:s24], [sflag:$0x4] =	stream.linear.gather [hbm4b:s0+s2], $0x1800, $0x38;
	[tilespmem:$0x1E720] =	vst v63  }
0x3d: {  	_ =	swait.ge [sflag:s25], $0x1800  }
0x3e: {  	[sflag:s25] =	ssyncset.done $0x0  }
0x3f: {  	[sflag:s25] =	ssyncadd.s32 $0xFFFFE800  }
0x40: {  	_ =	swait.ge [sflag:s25], $0x1800  }
0x41: {  	[sflag:s25] =	ssyncset.done $0x0  }
0x42: {  	s1 =	simm.s32 $0x10;
	[sflag:s25] =	ssyncadd.s32 $0xFFFFE800  }
0x43: {  	v2 =	vld [tilespmem:s1+$0x0];
	_ =	sdelay $0x3  }
0x44: {  	v5 =	vld [tilespmem:s1+$0xFFFFFFF0]  }
0x45: {  	v4 =	vand.u32 $0xFFFF, v2  }
0x46: {  	s0 =	simm.s32 $0x30  }
0x47: {  	s1 =	simm.s32 $0x3010;
	v3 =	vld [tilespmem:s0+$0x0]  }
0x48: {  	v6 =	vld [tilespmem:s1+$0x0]  }
0x49: {  	v7 =	vand.u32 $0xFFFF, v5  }
0x4a: {  	v8 =	vld.idx.msk [tilespmem:v4+s18+$0x0], $0xffff  }
0x4b: {  	v10 =	vld [tilespmem:s0+$0xFFFFFFF0]  }
0x4c: {  	v9 =	vld [tilespmem:s1+$0xFFFFFFF0];
	v11 =	vand.u32 $0xFFFF, v3  }
0x4d: {  	v6 =	vmul.f32 v6, v0  }
0x4e: {  	s1 =	simm.s32 $0x50;
	v12 =	vld.idx.msk [tilespmem:v7+s18+$0x0], $0xffff  }
0x4f: {  	s31 =	simm.s32 $0x3030;
	v13 =	vshrl.u32 v2, $0x10;
	v4 =	vld [tilespmem:s1+$0x0];
	v2 =	vadd.f32 v6, v8  }
0x50: {  	v14 =	vld [tilespmem:s31+$0x0]  }
0x51: {  	v15 =	vmul.f32 v9, v0;
	v9 =	vld.idx.msk [tilespmem:v11+s18+$0x0], $0xffff;
	v8 =	vand.u32 $0xFFFF, v10;
	v2 =	vadd.f32 v2, v1  }
0x52: {  	v6 =	vld [tilespmem:s1+$0xFFFFFFF0]  }
0x53: {  	v7 =	vld [tilespmem:s31+$0xFFFFFFF0];
	v11 =	vmax.f32 v2, $0.0e+00  }
0x54: {  	v15 =	vadd.f32 v15, v12;
	[tilespmem:v13+s19+$0x0] =	vst.idx.add.f32.msk $0xffff, v11;
	v11 =	vand.u32 $0xFFFF, v4  }
0x55: {  	v12 =	vmul.f32 v14, v0  }
0x56: {  	s0 =	simm.s32 $0x70;
	v5 =	vshrl.u32 v5, $0x10;
	s1 =	simm.s32 $0x4;
	v2 =	vshrl.u32 v10, $0x10;
	v10 =	vadd.f32 v15, v1;
	v8 =	vld.idx.msk [tilespmem:v8+s18+$0x0], $0xffff  }
.LBB2_4:
0x57: {  	s1 =	sadd.s32 $0x2, s1;
	v13 =	vand.u32 $0xFFFF, v6;
	v14 =	vshrl.u32 v3, $0x10;
	v12 =	vadd.f32 v12, v9;
	s31 =	sadd.s32 $0x20, s31;
	v3 =	vmovc v4;
	v4 =	vld [tilespmem:s0+$0x0]  }
0x58: {  	v15 =	vshrl.u32 v6, $0x10;
	v18 =	vmax.f32 v10, $0.0e+00;
	p1 =	slt.u32 s1, $0x17E;
	v16 =	vld [tilespmem:s31+$0x0];
	v17 =	vmul.f32 v7, v0  }
0x59: {  	v9 =	vld.idx.msk [tilespmem:v11+s18+$0x0], $0xffff;
	v10 =	vadd.f32 v12, v1  }
.Ltmp3:
0x5a: {  	v6 =	vld [tilespmem:s0+$0xFFFFFFF0];
	(pc) =	sbr.rel @p1 .LBB2_4-.Ltmp3, $4  }
0x5b: {  	v17 =	vadd.f32 v17, v8;
	v7 =	vld [tilespmem:s31+$0xFFFFFFF0];
	v8 =	vmax.f32 v10, $0.0e+00  }
0x5c: {  	v11 =	vand.u32 $0xFFFF, v4;
	[tilespmem:v14+s19+$0x0] =	vst.idx.add.f32.msk $0xffff, v8  }
0x5d: {  	v10 =	vadd.f32 v17, v1;
	v8 =	vld.idx.msk [tilespmem:v13+s18+$0x0], $0xffff;
	v12 =	vmul.f32 v16, v0  }
0x5e: {  	s0 =	sadd.s32 $0x20, s0;
	[tilespmem:v5+s19+$0x0] =	vst.idx.add.f32.msk $0xffff, v18;
	v5 =	vmov v2;
	v2 =	vmov v15  }
0x5f: {  	_ =	sdelay $0x1  }
0x60: {  	v13 =	vand.u32 $0xFFFF, v6;
	s0 =	sadd.s32 $0x20, s31  }
0x61: {  	v14 =	vld [tilespmem:s0+$0x0]  }
0x62: {  	v11 =	vld.idx.msk [tilespmem:v11+s18+$0x0], $0xffff  }
0x63: {  	v15 =	vld [tilespmem:s0+$0xFFFFFFF0]  }
0x64: {  	v9 =	vadd.f32 v12, v9;
	v3 =	vshrl.u32 v3, $0x10  }
0x65: {  	v7 =	vmul.f32 v7, v0;
	v12 =	vld.idx.msk [tilespmem:v13+s18+$0x0], $0xffff  }
0x66: {  	v9 =	vadd.f32 v9, v1;
	v13 =	vmul.f32 v14, v0  }
0x67: {  	v7 =	vadd.f32 v7, v8  }
0x68: {  	v8 =	vmax.f32 v9, $0.0e+00;
	v11 =	vadd.f32 v13, v11;
	v13 =	vmul.f32 v15, v0  }
0x69: {  	v4 =	vshrl.u32 v4, $0x10;
	[tilespmem:v3+s19+$0x0] =	vst.idx.add.f32.msk $0xffff, v8;
	v3 =	vadd.f32 v7, v1  }
0x6a: {  	v6 =	vshrl.u32 v6, $0x10;
	v9 =	vadd.f32 v11, v1;
	v11 =	vadd.f32 v13, v12  }
0x6b: {  	v10 =	vmax.f32 v10, $0.0e+00;
	p1 =	sgt.u32 s29, $0x14  }
0x6c: {  	[tilespmem:v5+s19+$0x0] =	vst.idx.add.f32.msk $0xffff, v10;
	s0 =	sadd.s32 @!p1 s30, s12;
	v3 =	vmax.f32 v3, $0.0e+00;
	v7 =	vadd.f32 v11, v1  }
0x6d: {  	s0 =	smul.u32 @!p1 $0x300, s0;
	[tilespmem:v2+s19+$0x0] =	vst.idx.add.f32.msk $0xffff, v3;
	v5 =	vmax.f32 v9, $0.0e+00  }
0x6e: {  	[tilespmem:v4+s19+$0x0] =	vst.idx.add.f32.msk $0xffff, v5;
	v2 =	vmax.f32 v7, $0.0e+00  }
0x6f: {  	s30 =	simm.s32 @!p1 $0x0;
	s1 =	sadd.s32 @!p1 s3, s0;
	[tilespmem:v6+s19+$0x0] =	vst.idx.add.f32.msk $0xffff, v2  }
0x70: {  	[tilespmem:s30], [sflag:$0x3] =	stream.linear.gather @!p1 [hbm4b:s1+s30], $0x1800, $0x38;
	[tilespmem:$0x1E720] =	vst v63  }
0x71: {  	s0 =	sadd.s32 @!p1 s4, s0;
	s1 =	simm.s32 @!p1 $0x3000  }
0x72: {  	[tilespmem:s1], [sflag:$0x3] =	stream.linear.gather @!p1 [hbm4b:s0+s30], $0x1800, $0x38;
	[tilespmem:$0x1E720] =	vst v63  }
0x73: {  	_ =	swait.ge [sflag:s26], $0x1800  }
0x74: {  	[sflag:s26] =	ssyncset.done $0x0  }
0x75: {  	[sflag:s26] =	ssyncadd.s32 $0xFFFFE800  }
0x76: {  	_ =	swait.ge [sflag:s26], $0x1800  }
0x77: {  	s1 =	simm.s32 $0x0;
	[sflag:s26] =	ssyncset.done $0x0  }
0x78: {  	s0 =	sand.u32 $0x1FE0, s1;
	[sflag:s26] =	ssyncadd.s32 $0xFFFFE800  }
0x79: {  	v3 =	vld [tilespmem:s0+$0x1810];
	_ =	sdelay $0x4  }
0x7a: {  	s1 =	simm.s32 $0x20;
	v2 =	vand.u32 $0xFFFF, v3  }
0x7b: {  	s1 =	sand.u32 $0x1FE0, s1;
	v4 =	vld [tilespmem:s0+$0x1800]  }
0x7c: {  	v5 =	vld [tilespmem:s1+$0x1810]  }
0x7d: {  	v6 =	vld [tilespmem:s0+$0x4810];
	_ =	sdelay $0x1  }
0x7e: {  	v7 =	vld.idx.msk [tilespmem:v2+s18+$0x0], $0xffff  }
0x7f: {  	v10 =	vld [tilespmem:s1+$0x1800]  }
0x80: {  	v9 =	vld [tilespmem:s0+$0x4800];
	s0 =	simm.s32 $0x40;
	v11 =	vand.u32 $0xFFFF, v5  }
0x81: {  	v12 =	vld [tilespmem:s1+$0x4800];
	s0 =	sand.u32 $0x1FE0, s0;
	v8 =	vand.u32 $0xFFFF, v4;
	v6 =	vmul.f32 v6, v0  }
0x82: {  	v2 =	vld [tilespmem:s0+$0x1810]  }
0x83: {  	v3 =	vshrl.u32 v3, $0x10;
	v6 =	vadd.f32 v6, v7;
	v7 =	vld [tilespmem:s1+$0x4810]  }
0x84: {  	v14 =	vld [tilespmem:s0+$0x1800];
	v13 =	vand.u32 $0xFFFF, v10  }
0x85: {  	v11 =	vld.idx.msk [tilespmem:v11+s18+$0x0], $0xffff;
	v6 =	vadd.f32 v6, v1  }
0x86: {  	v8 =	vld.idx.msk [tilespmem:v8+s18+$0x0], $0xffff  }
0x87: {  	v15 =	vld [tilespmem:s0+$0x4800];
	v16 =	vand.u32 $0xFFFF, v2;
	v6 =	vmax.f32 v6, $0.0e+00  }
0x88: {  	s1 =	simm.s32 $0x60;
	[tilespmem:v3+s19+$0x0] =	vst.idx.add.f32.msk $0xffff, v6;
	v6 =	vmul.f32 v7, v0  }
0x89: {  	v13 =	vld.idx.msk [tilespmem:v13+s18+$0x0], $0xffff;
	s30 =	sand.u32 $0x1FE0, s1;
	v7 =	vmul.f32 v9, v0  }
0x8a: {  	v17 =	vshrl.u32 v5, $0x10;
	v18 =	vand.u32 $0xFFFF, v14;
	v3 =	vld [tilespmem:s30+$0x1810];
	v5 =	vadd.f32 v6, v11  }
0x8b: {  	v19 =	vld [tilespmem:s0+$0x4810];
	v6 =	vadd.f32 v7, v8  }
0x8c: {  	v9 =	vld.idx.msk [tilespmem:v16+s18+$0x0], $0xffff;
	v7 =	vmul.f32 v12, v0;
	v11 =	vadd.f32 v5, v1;
	v5 =	vshrl.u32 v4, $0x10  }
0x8d: {  	v8 =	vld [tilespmem:s30+$0x1800];
	v12 =	vadd.f32 v6, v1;
	v4 =	vshrl.u32 v10, $0x10  }
0x8e: {  	v10 =	vld [tilespmem:s30+$0x4800];
	v13 =	vadd.f32 v7, v13;
	v6 =	vshrl.u32 v14, $0x10;
	v7 =	vmul.f32 v15, v0  }
0x8f: {  	v14 =	vand.u32 $0xFFFF, v3;
	v16 =	vmax.f32 v11, $0.0e+00;
	v11 =	vmax.f32 v12, $0.0e+00;
	v12 =	vld.idx.msk [tilespmem:v18+s18+$0x0], $0xffff  }
0x90: {  	s31 =	simm.s32 $0x6;
	s1 =	simm.s32 $0x80;
	v15 =	vmul.f32 v19, v0;
	v13 =	vadd.f32 v13, v1;
	[tilespmem:v17+s19+$0x0] =	vst.idx.add.f32.msk $0xffff, v16  }
.LBB2_6:
0x91: {  	s0 =	sand.u32 $0x1FE0, s1;
	s31 =	sadd.s32 $0x2, s31;
	[tilespmem:v5+s19+$0x0] =	vst.idx.add.f32.msk $0xffff, v11;
	v5 =	vmov v4;
	v4 =	vmov v6  }
0x92: {  	v17 =	vshrl.u32 v2, $0x10;
	v2 =	vmovc v3;
	p1 =	slt.u32 s31, $0x17E;
	v16 =	vand.u32 $0xFFFF, v8;
	v15 =	vadd.f32 v15, v9;
	v3 =	vld [tilespmem:s0+$0x1810]  }
0x93: {  	v6 =	vshrl.u32 v8, $0x10;
	v11 =	vmax.f32 v13, $0.0e+00;
	v18 =	vmul.f32 v10, v0;
	v19 =	vld [tilespmem:s30+$0x4810];
	s30 =	smov.u32 s0  }
.Ltmp4:
0x94: {  	v9 =	vld.idx.msk [tilespmem:v14+s18+$0x0], $0xffff;
	v13 =	vadd.f32 v15, v1;
	(pc) =	sbr.rel @p1 .LBB2_6-.Ltmp4, $4  }
0x95: {  	v8 =	vld [tilespmem:s30+$0x1800]  }
0x96: {  	v20 =	vadd.f32 v7, v12;
	v7 =	vmov v18;
	v10 =	vld [tilespmem:s30+$0x4800];
	v12 =	vmax.f32 v13, $0.0e+00  }
0x97: {  	v14 =	vand.u32 $0xFFFF, v3;
	[tilespmem:v17+s19+$0x0] =	vst.idx.add.f32.msk $0xffff, v12  }
0x98: {  	s1 =	sadd.s32 $0x20, s1;
	v13 =	vadd.f32 v20, v1;
	v12 =	vld.idx.msk [tilespmem:v16+s18+$0x0], $0xffff;
	v15 =	vmul.f32 v19, v0  }
0x99: {  	_ = 	snop  }
0x9a: {  	v16 =	vand.u32 $0xFFFF, v8;
	_ =	sdelay $0x1  }
0x9b: {  	v17 =	vld [tilespmem:s30+$0x4810];
	_ =	sdelay $0x1  }
0x9c: {  	v14 =	vld.idx.msk [tilespmem:v14+s18+$0x0], $0xffff  }
0x9d: {  	v2 =	vshrl.u32 v2, $0x10;
	v9 =	vadd.f32 v15, v9;
	v16 =	vld.idx.msk [tilespmem:v16+s18+$0x0], $0xffff;
	_ =	sdelay $0x1  }
0x9e: {  	v9 =	vadd.f32 v9, v1;
	v17 =	vmul.f32 v17, v0  }
0x9f: {  	v10 =	vmul.f32 v10, v0;
	v7 =	vadd.f32 v7, v12  }
0xa0: {  	v3 =	vshrl.u32 v3, $0x10;
	s29 =	sadd.s32 $0x1, s29;
	v59 =	vmax.f32 v9, $0.0e+00;
	v14 =	vadd.f32 v17, v14  }
0xa1: {  	v58 =	vshrl.u32 v8, $0x10;
	p1 =	seq.s32 s29, $0x16;
	[tilespmem:v2+s19+$0x0] =	vst.idx.add.f32.msk $0xffff, v59;
	v2 =	vadd.f32 v7, v1;
	v10 =	vadd.f32 v10, v16  }
.Ltmp5:
0xa2: {  	[tilespmem:v5+s19+$0x0] =	vst.idx.add.f32.msk $0xffff, v11;
	v61 =	vmax.f32 v13, $0.0e+00;
	v60 =	vadd.f32 v14, v1;
	(pc) =	sbr.rel @!p1 .LBB2_3-.Ltmp5, $4  }
.Ltmp6:
0xa3: {  	[tilespmem:v4+s19+$0x0] =	vst.idx.add.f32.msk $0xffff, v61;
	v2 =	vmax.f32 v2, $0.0e+00;
	v63 =	vadd.f32 v10, v1;
	(pc) =	sbr.rel @p1 .LBB2_9-.Ltmp6, $4  }
0xa4: {  	[tilespmem:v6+s19+$0x0] =	vst.idx.add.f32.msk $0xffff, v2;
	v62 =	vmax.f32 v60, $0.0e+00  }
0xa5: {  	[tilespmem:v3+s19+$0x0] =	vst.idx.add.f32.msk $0xffff, v62;
	v2 =	vmax.f32 v63, $0.0e+00  }
0xa6: {  	[tilespmem:v58+s19+$0x0] =	vst.idx.add.f32.msk $0xffff, v2  }
0xa7: {  	_ = 	snop  }
.LBB2_10:
0xa8: {  	_ =	sfence.sel $0x180000  }
0xa9: {  	[bflag:$0x0] =	sbarrier.arrive $0xFFFF  }
0xaa: {  	_ =	strace $0x90000047  }
0xab: {  	s0 =	stileid.u32;
	[bflag:$0x2] =	sbarrier.arrive $0xFFFF  }
0xac: {  	p0 =	sne.s32 s0, $0x0;
	s0 =	rddreg [dreg:$0x2]  }
0xad: {  	s0 =	sadd.s32 @!p0 $0x100000, s0  }
0xae: {  	[sflag:s0] =	ssyncadd.tile.s32 @!p0 $0x1;
	_ =	shalt  }
.Lfunc_end2:
_tile_overlayer_lowered:
.L_overlay_start_2:
0xaf: {  	(tag) =	ssettag $0x2  }
0xb0: {  	s0 =	rddreg [dreg:$0x0];
	s2 =	stileid.u32  }
0xb1: {  	s1 =	rddreg [dreg:$0x1];
	p0 =	sne.s32 s2, $0x0  }
0xb2: {  	s3 =	rddreg [dreg:$0x2];
	[bflag:$0x3] =	sbarrier.arrive $0xFFFF;
	s2 =	simm.s32 @!p0 $0x1C05  }
0xb3: {  	[timem:s3], [sflag:s2] =	dma.local @!p0 [hbm:s0], s1  }
0xb4: {  	s0 =	simm.s32 @!p0 $0x5  }
0xb5: {  	_ =	swait.ge @!p0 [sflag:s0], s1  }
0xb6: {  	s1 =	ssub.s32 @!p0 $0x0, s1;
	[sflag:s0] =	ssyncset.done @!p0 $0x0  }
0xb7: {  	[sflag:s0] =	ssyncadd.s32 @!p0 s1  }
0xb8: {  	[bflag:$0x3] =	sbarrier.arrive $0xFFFF  }
0xb9: {  	_ =	shalt  }

</sc_bundles>
